<compile_context>
chip_gen: v7x
topology: tpu7x:2x2x1
jax: 0.10.2.dev20260603
libtpu: 0.0.44.dev20260713+nightly
codegen_flags: <defaults>
</compile_context>

<pallas_src>
import functools

import jax
import jax.numpy as jnp
from jax import lax
from jax.experimental import pallas as pl
from jax.experimental.pallas import tpu as pltpu
from jax.experimental.pallas import tpu_sc as plsc

HEAD = 128
B, N, F = 8, 31, 8
NP1 = N + 1
TASKS = B * NP1 * NP1
ROWS = TASKS * NP1
DATA_TASKS = B * N * N
NZERO = TASKS - DATA_TASKS
L = 16
C = HEAD // L
NWORKERS = 32
DPW = -(-DATA_TASKS // NWORKERS)
ZPW = -(-NZERO // NWORKERS)
IW = N * F
TABLE_WORDS = 512 * HEAD

_GATHER_DN = lax.GatherDimensionNumbers(
    offset_dims=(), collapsed_slice_dims=(0,), start_index_map=(0,))


def _permute(x, idx):
    return lax.gather(x, idx[:, None], _GATHER_DN, slice_sizes=(1,),
                      mode=lax.GatherScatterMode.PROMISE_IN_BOUNDS)


def _lane_sum(x):
    for s in (8, 4, 2, 1):
        perm = jnp.bitwise_xor(jnp.arange(L, dtype=jnp.int32), s)
        x = x + _permute(x, perm)
    return x


def _sc_body(tfc_hbm, tab_hbm, gamma_hbm, beta_hbm, out_hbm,
             table_v, idx_v, obuf_v, zbuf_v, gb_v,
             sem_i, sem_o, sem_z):
    wid = lax.axis_index("s") * 2 + lax.axis_index("c")

    zero16 = jnp.zeros((L,), jnp.float32)

    def zrow(rr, c_):
        for c in range(C):
            zbuf_v[rr, pl.ds(16 * c, L)] = zero16
        return c_

    lax.fori_loop(0, NP1, zrow, 0)

    nz = jnp.minimum(ZPW, jnp.maximum(0, NZERO - wid * ZPW))

    def zfire(m, c_):
        z = wid * ZPW + m
        b = z // (NZERO // B)
        r = z % (NZERO // B)
        idr = jnp.where(r < NP1, r, (r - N) * NP1)
        row0 = (b * NP1 * NP1 + idr) * NP1
        pltpu.make_async_copy(zbuf_v, out_hbm.at[pl.ds(row0, NP1)],
                              sem_z).start()
        return c_

    lax.fori_loop(0, nz, zfire, 0)

    pltpu.sync_copy(tab_hbm, table_v)
    pltpu.sync_copy(gamma_hbm, gb_v.at[pl.ds(0, HEAD)])
    pltpu.sync_copy(beta_hbm, gb_v.at[pl.ds(HEAD, HEAD)])

    gvecs = [gb_v[pl.ds(16 * c, L)] for c in range(C)]
    bvecs = [gb_v[pl.ds(HEAD + 16 * c, L)] for c in range(C)]

    base_d = wid * DPW
    nq = jnp.minimum(DPW, DATA_TASKS - base_d)

    pltpu.make_async_copy(tfc_hbm.at[pl.ds(base_d * IW, IW)],
                          idx_v.at[pl.ds(0, IW)], sem_i).start()

    for s_ in range(2):
        for c in range(C):
            obuf_v[s_, 0, pl.ds(16 * c, L)] = zero16

    def dtask(q, c_):
        slot = q % 2
        d = base_d + q
        pltpu.make_async_copy(tfc_hbm.at[pl.ds(0, IW)],
                              idx_v.at[pl.ds(0, IW)], sem_i).wait()

        @pl.when(q + 1 < nq)
        def _prefetch():
            pltpu.make_async_copy(tfc_hbm.at[pl.ds((d + 1) * IW, IW)],
                                  idx_v.at[pl.ds((1 - slot) * 256, IW)],
                                  sem_i).start()

        @pl.when(q >= 2)
        def _reclaim():
            pltpu.make_async_copy(out_hbm.at[pl.ds(0, NP1)],
                                  obuf_v.at[slot], sem_o).wait()

        b = d // (N * N)
        r = d % (N * N)
        i = r // N
        j = r % N
        row0 = (b * NP1 * NP1 + (i + 1) * NP1 + (j + 1)) * NP1

        @plsc.parallel_loop(0, N, unroll=2, carry=(tuple(gvecs), tuple(bvecs)))
        def pos(k, gb):
            gv, bv = gb
            idx_vec = idx_v[pl.ds(slot * 256 + k * F, L)]
            accs = [None] * C
            for f in range(F):
                xf = idx_vec[f] + f * 64
                base = xf * HEAD
                for c in range(C):
                    v = table_v[pl.ds(base + 16 * c, L)]
                    accs[c] = v if f == 0 else accs[c] + v
            tot = accs[0]
            sq = accs[0] * accs[0]
            for c in range(1, C):
                tot = tot + accs[c]
                sq = sq + accs[c] * accs[c]
            mv = _lane_sum(tot) * (1.0 / HEAD)
            vv = _lane_sum(sq) * (1.0 / HEAD) - mv * mv + 1e-5
            v0 = vv[0]
            ib = lax.bitcast_convert_type(v0, jnp.int32)
            yb = jnp.int32(0x5F3759DF) - lax.shift_right_logical(ib, 1)
            y0 = lax.bitcast_convert_type(yb, jnp.float32)
            for _ in range(2):
                y0 = y0 * (1.5 - 0.5 * v0 * y0 * y0)
            y = jnp.full((L,), y0, jnp.float32)
            for c in range(C):
                h = (accs[c] - mv) * y * gv[c] + bv[c]
                obuf_v[slot, k + 1, pl.ds(16 * c, L)] = h
            return gb

        pltpu.make_async_copy(obuf_v.at[slot], out_hbm.at[pl.ds(row0, NP1)],
                              sem_o).start()
        return c_

    lax.fori_loop(0, nq, dtask, 0)

    pltpu.make_async_copy(out_hbm.at[pl.ds(0, NP1)], obuf_v.at[0], sem_o).wait()
    pltpu.make_async_copy(out_hbm.at[pl.ds(0, NP1)], obuf_v.at[1], sem_o).wait()

    def zdrain(m, c_):
        pltpu.make_async_copy(out_hbm.at[pl.ds(0, NP1)], zbuf_v, sem_z).wait()
        return c_

    lax.fori_loop(0, nz, zdrain, 0)


@functools.partial(jax.jit)
def kernel(triplet_feat_cate, table, gamma, beta):
    tfc = triplet_feat_cate.reshape(DATA_TASKS * IW)
    tab = table.reshape(TABLE_WORDS)

    mesh = plsc.VectorSubcoreMesh(core_axis_name="c", subcore_axis_name="s")
    call = functools.partial(
        pl.kernel,
        mesh=mesh,
        out_type=jax.ShapeDtypeStruct((ROWS, HEAD), jnp.float32),
        scratch_types=[
            pltpu.VMEM((TABLE_WORDS,), jnp.float32),
            pltpu.VMEM((512,), jnp.int32),
            pltpu.VMEM((2, NP1, HEAD), jnp.float32),
            pltpu.VMEM((NP1, HEAD), jnp.float32),
            pltpu.VMEM((2 * HEAD,), jnp.float32),
            pltpu.SemaphoreType.DMA,
            pltpu.SemaphoreType.DMA,
            pltpu.SemaphoreType.DMA,
        ],
    )(_sc_body)
    out = call(tfc, tab, gamma, beta)
    return out.reshape(B, NP1, NP1, NP1, HEAD)

# --- scband reference (transcript-rebuilt; emitter-appended) ---
"""Pipeline reference for scband-triplet-embedding-layer-44444321579179 (READ-ONLY COPY).

The authoritative reference and input builder live on the scoring server;
editing this copy changes nothing except your own understanding.
"""

import jax, jax.numpy as jnp
import numpy as np

NUM_UNIQ = [64, 64, 64, 64, 64, 64, 64, 64]
HEAD = 128
B, N, F = 8, 31, 8


def setup_inputs(seed: int = 0) -> dict:
    key = jax.random.key(seed)
    k1, k2 = jax.random.split(key, 2)
    triplet_feat_cate = jax.random.randint(k1, (B, N, N, N, F), 0, 64, dtype=jnp.int32)
    table = jax.random.normal(k2, (int(np.sum(NUM_UNIQ)), HEAD), dtype=jnp.float32) * 0.02
    gamma = jnp.ones((HEAD,), dtype=jnp.float32)
    beta = jnp.zeros((HEAD,), dtype=jnp.float32)
    return {"triplet_feat_cate": triplet_feat_cate, "table": table, "gamma": gamma, "beta": beta}


def reference(triplet_feat_cate, table, gamma, beta):
    num_uniq = jnp.array(NUM_UNIQ, dtype=jnp.int32)
    csum = jnp.cumsum(num_uniq)
    starts = jnp.concatenate([jnp.zeros((1,), dtype=jnp.int32), csum[:-1]])
    # offset per-feature indices into the concatenated embedding table
    x = triplet_feat_cate + starts  # broadcast over last dim F
    # gather embeddings and sum over the feature axis
    emb = jnp.take(table, x, axis=0).sum(axis=-2)  # [B, N, N, N, HEAD]
    # LayerNorm over last dim (eps=1e-5, like nn.LayerNorm default)
    mean = emb.mean(axis=-1, keepdims=True)
    var = ((emb - mean) ** 2).mean(axis=-1, keepdims=True)
    h = (emb - mean) / jnp.sqrt(var + 1e-5) * gamma + beta
    b, n = h.shape[0], h.shape[1]
    hidden = jnp.zeros((b, n + 1, n + 1, n + 1, h.shape[-1]), dtype=h.dtype)
    hidden = hidden.at[:, 1:, 1:, 1:, :].set(h)
    return hidden

if __name__ == "__main__":
    import jax
    _d = setup_inputs()
    print(jax.jit(kernel)(*tuple(_d.values())))

</pallas_src>

<mosaic_0001>
#map = affine_map<(d0, d1) -> (0)>
#map1 = affine_map<(d0, d1) -> (0, 0)>
module attributes {stable_mosaic.version = 14 : i64} {
  func.func @_sc_body(%arg0: i32, %arg1: i32, %arg2: memref<1906624xi32, #tpu.memory_space<hbm>>, %arg3: memref<65536xf32, #tpu.memory_space<hbm>>, %arg4: memref<128xf32, #tpu.memory_space<hbm>>, %arg5: memref<128xf32, #tpu.memory_space<hbm>>, %arg6: memref<262144x128xf32, #tpu.memory_space<hbm>>, %arg7: memref<65536xf32, #tpu.memory_space<vmem>>, %arg8: memref<512xi32, #tpu.memory_space<vmem>>, %arg9: memref<2x32x128xf32, #tpu.memory_space<vmem>>, %arg10: memref<32x128xf32, #tpu.memory_space<vmem>>, %arg11: memref<256xf32, #tpu.memory_space<vmem>>, %arg12: memref<!tpu.dma_semaphore, #tpu.memory_space<semaphore_mem>>, %arg13: memref<!tpu.dma_semaphore, #tpu.memory_space<semaphore_mem>>, %arg14: memref<!tpu.dma_semaphore, #tpu.memory_space<semaphore_mem>>) attributes {dimension_semantics = [#tpu.dimension_semantics<core_parallel>, #tpu.dimension_semantics<subcore_parallel>], iteration_bounds = array<i64: 2, 16>, scalar_prefetch = 0 : i64, scratch_operands = 8 : i64, tpu.core_type = #tpu.core_type<sc_vector_subcore>, window_params = [{transform_indices = #map}, {transform_indices = #map}, {transform_indices = #map}, {transform_indices = #map}, {transform_indices = #map1}]} {
    %mul3A = arith.constant 2 : i32
    %mul3A_0 = arith.muli %arg1, %mul3A : i32
    %add3A = arith.addi %mul3A_0, %arg0 : i32
    %broadcast_in_dim3A = arith.constant 0.000000e+00 : f32
    %broadcast_in_dim3A_1 = vector.broadcast %broadcast_in_dim3A : f32 to vector<16xf32>
    %scan3A = arith.constant 0 : i32
    %scan3A_2 = arith.constant 0 : i32
    %scan3A_3 = arith.constant 32 : i32
    %scan3A_4 = arith.addi %scan3A_2, %scan3A_3 : i32
    %scan3A_5 = arith.constant 1 : i32
    scf.for %scan3A_257 = %scan3A_2 to %scan3A_4 step %scan3A_5  : i32 {
      %swap3A_258 = arith.index_cast %scan3A_257 : i32 to index
      %swap3A_259 = arith.constant 0 : index
      %swap3A_260 = tpu.vector_load %arg10[%swap3A_258, %swap3A_259] {strides = array<i32>} : memref<32x128xf32, #tpu.memory_space<vmem>>, vector<1x16xf32>,
      %swap3A_261 = vector.shape_cast %swap3A_260 : vector<1x16xf32> to vector<16xf32>
      %swap3A_262 = vector.shape_cast %broadcast_in_dim3A_1 : vector<16xf32> to vector<1x16xf32>
      tpu.vector_store %arg10[%swap3A_258, %swap3A_259], %swap3A_262 {strides = array<i32>} : memref<32x128xf32, #tpu.memory_space<vmem>>, vector<1x16xf32>,
      %swap3A_263 = arith.index_cast %scan3A_257 : i32 to index
      %swap3A_264 = arith.constant 16 : index
      %swap3A_265 = tpu.vector_load %arg10[%swap3A_263, %swap3A_264] {strides = array<i32>} : memref<32x128xf32, #tpu.memory_space<vmem>>, vector<1x16xf32>,
      %swap3A_266 = vector.shape_cast %swap3A_265 : vector<1x16xf32> to vector<16xf32>
      %swap3A_267 = vector.shape_cast %broadcast_in_dim3A_1 : vector<16xf32> to vector<1x16xf32>
      tpu.vector_store %arg10[%swap3A_263, %swap3A_264], %swap3A_267 {strides = array<i32>} : memref<32x128xf32, #tpu.memory_space<vmem>>, vector<1x16xf32>,
      %swap3A_268 = arith.index_cast %scan3A_257 : i32 to index
      %swap3A_269 = arith.constant 32 : index
      %swap3A_270 = tpu.vector_load %arg10[%swap3A_268, %swap3A_269] {strides = array<i32>} : memref<32x128xf32, #tpu.memory_space<vmem>>, vector<1x16xf32>,
      %swap3A_271 = vector.shape_cast %swap3A_270 : vector<1x16xf32> to vector<16xf32>
      %swap3A_272 = vector.shape_cast %broadcast_in_dim3A_1 : vector<16xf32> to vector<1x16xf32>
      tpu.vector_store %arg10[%swap3A_268, %swap3A_269], %swap3A_272 {strides = array<i32>} : memref<32x128xf32, #tpu.memory_space<vmem>>, vector<1x16xf32>,
      %swap3A_273 = arith.index_cast %scan3A_257 : i32 to index
      %swap3A_274 = arith.constant 48 : index
      %swap3A_275 = tpu.vector_load %arg10[%swap3A_273, %swap3A_274] {strides = array<i32>} : memref<32x128xf32, #tpu.memory_space<vmem>>, vector<1x16xf32>,
      %swap3A_276 = vector.shape_cast %swap3A_275 : vector<1x16xf32> to vector<16xf32>
      %swap3A_277 = vector.shape_cast %broadcast_in_dim3A_1 : vector<16xf32> to vector<1x16xf32>
      tpu.vector_store %arg10[%swap3A_273, %swap3A_274], %swap3A_277 {strides = array<i32>} : memref<32x128xf32, #tpu.memory_space<vmem>>, vector<1x16xf32>,
      %swap3A_278 = arith.index_cast %scan3A_257 : i32 to index
      %swap3A_279 = arith.constant 64 : index
      %swap3A_280 = tpu.vector_load %arg10[%swap3A_278, %swap3A_279] {strides = array<i32>} : memref<32x128xf32, #tpu.memory_space<vmem>>, vector<1x16xf32>,
      %swap3A_281 = vector.shape_cast %swap3A_280 : vector<1x16xf32> to vector<16xf32>
      %swap3A_282 = vector.shape_cast %broadcast_in_dim3A_1 : vector<16xf32> to vector<1x16xf32>
      tpu.vector_store %arg10[%swap3A_278, %swap3A_279], %swap3A_282 {strides = array<i32>} : memref<32x128xf32, #tpu.memory_space<vmem>>, vector<1x16xf32>,
      %swap3A_283 = arith.index_cast %scan3A_257 : i32 to index
      %swap3A_284 = arith.constant 80 : index
      %swap3A_285 = tpu.vector_load %arg10[%swap3A_283, %swap3A_284] {strides = array<i32>} : memref<32x128xf32, #tpu.memory_space<vmem>>, vector<1x16xf32>,
      %swap3A_286 = vector.shape_cast %swap3A_285 : vector<1x16xf32> to vector<16xf32>
      %swap3A_287 = vector.shape_cast %broadcast_in_dim3A_1 : vector<16xf32> to vector<1x16xf32>
      tpu.vector_store %arg10[%swap3A_283, %swap3A_284], %swap3A_287 {strides = array<i32>} : memref<32x128xf32, #tpu.memory_space<vmem>>, vector<1x16xf32>,
      %swap3A_288 = arith.index_cast %scan3A_257 : i32 to index
      %swap3A_289 = arith.constant 96 : index
      %swap3A_290 = tpu.vector_load %arg10[%swap3A_288, %swap3A_289] {strides = array<i32>} : memref<32x128xf32, #tpu.memory_space<vmem>>, vector<1x16xf32>,
      %swap3A_291 = vector.shape_cast %swap3A_290 : vector<1x16xf32> to vector<16xf32>
      %swap3A_292 = vector.shape_cast %broadcast_in_dim3A_1 : vector<16xf32> to vector<1x16xf32>
      tpu.vector_store %arg10[%swap3A_288, %swap3A_289], %swap3A_292 {strides = array<i32>} : memref<32x128xf32, #tpu.memory_space<vmem>>, vector<1x16xf32>,
      %swap3A_293 = arith.index_cast %scan3A_257 : i32 to index
      %swap3A_294 = arith.constant 112 : index
      %swap3A_295 = tpu.vector_load %arg10[%swap3A_293, %swap3A_294] {strides = array<i32>} : memref<32x128xf32, #tpu.memory_space<vmem>>, vector<1x16xf32>,
      %swap3A_296 = vector.shape_cast %swap3A_295 : vector<1x16xf32> to vector<16xf32>
      %swap3A_297 = vector.shape_cast %broadcast_in_dim3A_1 : vector<16xf32> to vector<1x16xf32>
      tpu.vector_store %arg10[%swap3A_293, %swap3A_294], %swap3A_297 {strides = array<i32>} : memref<32x128xf32, #tpu.memory_space<vmem>>, vector<1x16xf32>,
    }
    %scan3A_6 = arith.constant 32 : i32
    %mul3A_7 = arith.constant 16 : i32
    %mul3A_8 = arith.muli %add3A, %mul3A_7 : i32
    %sub3A = arith.constant 504 : i32
    %sub3A_9 = arith.subi %sub3A, %mul3A_8 : i32
    %max3A = arith.constant 0 : i32
    %max3A_10 = arith.maxsi %max3A, %sub3A_9 : i32
    %min3A = arith.constant 16 : i32
    %min3A_11 = arith.minsi %min3A, %max3A_10 : i32
    %while3A = arith.constant 0 : i32
    %while3A_12 = arith.constant 0 : i32
    %while3A_13 = arith.subi %min3A_11, %while3A_12 : i32
    %while3A_14 = arith.addi %while3A_12, %while3A_13 : i32
    %while3A_15 = arith.constant 1 : i32
    %while3A_16 = arith.divsi %while3A_13, %while3A_15 : i32
    %while3A_17 = arith.muli %while3A_16, %while3A_15 : i32
    %while3A_18 = arith.addi %while3A_12, %while3A_17 : i32
    %while3A_19 = arith.constant 1 : i32
    scf.for %while3A_257 = %while3A_12 to %while3A_18 step %while3A_19  : i32 {
      %mul3A_258 = arith.constant 16 : i32
      %mul3A_259 = arith.muli %add3A, %mul3A_258 : i32
      %add3A_260 = arith.addi %mul3A_259, %while3A_257 : i32
      %jit3A = arith.constant 63 : i32
      %div3A = arith.divsi %add3A_260, %jit3A : i32
      %sign3A = arith.constant 0 : i32
      %sign3A_261 = arith.cmpi sgt, %add3A_260, %sign3A : i32
      %sign3A_262 = arith.extui %sign3A_261 : i1 to i32
      %sign3A_263 = arith.constant 0 : i32
      %sign3A_264 = arith.cmpi slt, %add3A_260, %sign3A_263 : i32
      %sign3A_265 = arith.extui %sign3A_264 : i1 to i32
      %sign3A_266 = arith.subi %sign3A_262, %sign3A_265 : i32
      %sign3A_267 = arith.constant 0 : i32
      %sign3A_268 = arith.cmpi sgt, %jit3A, %sign3A_267 : i32
      %sign3A_269 = arith.extui %sign3A_268 : i1 to i32
      %sign3A_270 = arith.constant 0 : i32
      %sign3A_271 = arith.cmpi slt, %jit3A, %sign3A_270 : i32
      %sign3A_272 = arith.extui %sign3A_271 : i1 to i32
      %sign3A_273 = arith.subi %sign3A_269, %sign3A_272 : i32
      %ne3A = arith.cmpi ne, %sign3A_266, %sign3A_273 : i32
      %rem3A = arith.remsi %add3A_260, %jit3A : i32
      %ne3A_274 = arith.constant 0 : i32
      %ne3A_275 = arith.cmpi ne, %rem3A, %ne3A_274 : i32
      %and3A = arith.andi %ne3A, %ne3A_275 : i1
      %sub3A_276 = arith.constant 1 : i32
      %sub3A_277 = arith.subi %div3A, %sub3A_276 : i32
      %select_n3A = arith.select %and3A, %sub3A_277, %div3A : i32
      %jit3A_278 = arith.constant 63 : i32
      %eq3A = arith.constant 0 : i32
      %eq3A_279 = arith.cmpi eq, %jit3A_278, %eq3A : i32
      %jit3A_280 = arith.constant 1 : i32
      %select_n3A_281 = arith.select %eq3A_279, %jit3A_280, %jit3A_278 : i32
      %rem3A_282 = arith.remsi %add3A_260, %select_n3A_281 : i32
      %ne3A_283 = arith.constant 0 : i32
      %ne3A_284 = arith.cmpi ne, %rem3A_282, %ne3A_283 : i32
      %lt3A = arith.constant 0 : i32
      %lt3A_285 = arith.cmpi slt, %rem3A_282, %lt3A : i32
      %lt3A_286 = arith.constant 0 : i32
      %lt3A_287 = arith.cmpi slt, %select_n3A_281, %lt3A_286 : i32
      %ne3A_288 = arith.xori %lt3A_285, %lt3A_287 : i1
      %and3A_289 = arith.andi %ne3A_288, %ne3A_284 : i1
      %add3A_290 = arith.addi %rem3A_282, %select_n3A_281 : i32
      %select_n3A_291 = arith.select %and3A_289, %add3A_290, %rem3A_282 : i32
      %lt3A_292 = arith.constant 32 : i32
      %lt3A_293 = arith.cmpi slt, %select_n3A_291, %lt3A_292 : i32
      %sub3A_294 = arith.constant 31 : i32
      %sub3A_295 = arith.subi %select_n3A_291, %sub3A_294 : i32
      %mul3A_296 = arith.constant 32 : i32
      %mul3A_297 = arith.muli %sub3A_295, %mul3A_296 : i32
      %select_n3A_298 = arith.select %lt3A_293, %select_n3A_291, %mul3A_297 : i32
      %mul3A_299 = arith.constant 32 : i32
      %mul3A_300 = arith.muli %select_n3A, %mul3A_299 : i32
      %mul3A_301 = arith.constant 32 : i32
      %mul3A_302 = arith.muli %mul3A_300, %mul3A_301 : i32
      %add3A_303 = arith.addi %mul3A_302, %select_n3A_298 : i32
      %mul3A_304 = arith.constant 32 : i32
      %mul3A_305 = arith.muli %add3A_303, %mul3A_304 : i32
      %dma_start3A_306 = arith.constant 0 : i32
      %dma_start3A_307 = tpu.memref_slice %arg6[%mul3A_305, %dma_start3A_306] : memref<262144x128xf32, #tpu.memory_space<hbm>> -> memref<32x128xf32, #tpu.memory_space<hbm>>
      %dma_start3A_308 = arith.constant 0 : i32
      %dma_start3A_309 = tpu.memref_slice %arg6[%mul3A_305, %dma_start3A_308] : memref<262144x128xf32, #tpu.memory_space<hbm>> -> memref<32x128xf32, #tpu.memory_space<hbm>>
      tpu.enqueue_dma source(%arg10 : memref<32x128xf32, #tpu.memory_space<vmem>>) target(%dma_start3A_309 : memref<32x128xf32, #tpu.memory_space<hbm>>) target_semaphore(%arg14 : memref<!tpu.dma_semaphore, #tpu.memory_space<semaphore_mem>>)
    }
    %while3A_20 = arith.constant 1 : i32
    scf.for %while3A_257 = %while3A_18 to %while3A_14 step %while3A_20  : i32 {
      %mul3A_258 = arith.constant 16 : i32
      %mul3A_259 = arith.muli %add3A, %mul3A_258 : i32
      %add3A_260 = arith.addi %mul3A_259, %while3A_257 : i32
      %jit3A = arith.constant 63 : i32
      %div3A = arith.divsi %add3A_260, %jit3A : i32
      %sign3A = arith.constant 0 : i32
      %sign3A_261 = arith.cmpi sgt, %add3A_260, %sign3A : i32
      %sign3A_262 = arith.extui %sign3A_261 : i1 to i32
      %sign3A_263 = arith.constant 0 : i32
      %sign3A_264 = arith.cmpi slt, %add3A_260, %sign3A_263 : i32
      %sign3A_265 = arith.extui %sign3A_264 : i1 to i32
      %sign3A_266 = arith.subi %sign3A_262, %sign3A_265 : i32
      %sign3A_267 = arith.constant 0 : i32
      %sign3A_268 = arith.cmpi sgt, %jit3A, %sign3A_267 : i32
      %sign3A_269 = arith.extui %sign3A_268 : i1 to i32
      %sign3A_270 = arith.constant 0 : i32
      %sign3A_271 = arith.cmpi slt, %jit3A, %sign3A_270 : i32
      %sign3A_272 = arith.extui %sign3A_271 : i1 to i32
      %sign3A_273 = arith.subi %sign3A_269, %sign3A_272 : i32
      %ne3A = arith.cmpi ne, %sign3A_266, %sign3A_273 : i32
      %rem3A = arith.remsi %add3A_260, %jit3A : i32
      %ne3A_274 = arith.constant 0 : i32
      %ne3A_275 = arith.cmpi ne, %rem3A, %ne3A_274 : i32
      %and3A = arith.andi %ne3A, %ne3A_275 : i1
      %sub3A_276 = arith.constant 1 : i32
      %sub3A_277 = arith.subi %div3A, %sub3A_276 : i32
      %select_n3A = arith.select %and3A, %sub3A_277, %div3A : i32
      %jit3A_278 = arith.constant 63 : i32
      %eq3A = arith.constant 0 : i32
      %eq3A_279 = arith.cmpi eq, %jit3A_278, %eq3A : i32
      %jit3A_280 = arith.constant 1 : i32
      %select_n3A_281 = arith.select %eq3A_279, %jit3A_280, %jit3A_278 : i32
      %rem3A_282 = arith.remsi %add3A_260, %select_n3A_281 : i32
      %ne3A_283 = arith.constant 0 : i32
      %ne3A_284 = arith.cmpi ne, %rem3A_282, %ne3A_283 : i32
      %lt3A = arith.constant 0 : i32
      %lt3A_285 = arith.cmpi slt, %rem3A_282, %lt3A : i32
      %lt3A_286 = arith.constant 0 : i32
      %lt3A_287 = arith.cmpi slt, %select_n3A_281, %lt3A_286 : i32
      %ne3A_288 = arith.xori %lt3A_285, %lt3A_287 : i1
      %and3A_289 = arith.andi %ne3A_288, %ne3A_284 : i1
      %add3A_290 = arith.addi %rem3A_282, %select_n3A_281 : i32
      %select_n3A_291 = arith.select %and3A_289, %add3A_290, %rem3A_282 : i32
      %lt3A_292 = arith.constant 32 : i32
      %lt3A_293 = arith.cmpi slt, %select_n3A_291, %lt3A_292 : i32
      %sub3A_294 = arith.constant 31 : i32
      %sub3A_295 = arith.subi %select_n3A_291, %sub3A_294 : i32
      %mul3A_296 = arith.constant 32 : i32
      %mul3A_297 = arith.muli %sub3A_295, %mul3A_296 : i32
      %select_n3A_298 = arith.select %lt3A_293, %select_n3A_291, %mul3A_297 : i32
      %mul3A_299 = arith.constant 32 : i32
      %mul3A_300 = arith.muli %select_n3A, %mul3A_299 : i32
      %mul3A_301 = arith.constant 32 : i32
      %mul3A_302 = arith.muli %mul3A_300, %mul3A_301 : i32
      %add3A_303 = arith.addi %mul3A_302, %select_n3A_298 : i32
      %mul3A_304 = arith.constant 32 : i32
      %mul3A_305 = arith.muli %add3A_303, %mul3A_304 : i32
      %dma_start3A_306 = arith.constant 0 : i32
      %dma_start3A_307 = tpu.memref_slice %arg6[%mul3A_305, %dma_start3A_306] : memref<262144x128xf32, #tpu.memory_space<hbm>> -> memref<32x128xf32, #tpu.memory_space<hbm>>
      %dma_start3A_308 = arith.constant 0 : i32
      %dma_start3A_309 = tpu.memref_slice %arg6[%mul3A_305, %dma_start3A_308] : memref<262144x128xf32, #tpu.memory_space<hbm>> -> memref<32x128xf32, #tpu.memory_space<hbm>>
      tpu.enqueue_dma source(%arg10 : memref<32x128xf32, #tpu.memory_space<vmem>>) target(%dma_start3A_309 : memref<32x128xf32, #tpu.memory_space<hbm>>) target_semaphore(%arg14 : memref<!tpu.dma_semaphore, #tpu.memory_space<semaphore_mem>>)
    }
    "tpu.region"() ({
      %run_scoped3A = tpu.sem_alloc : memref<!tpu.dma_semaphore, #tpu.memory_space<semaphore_mem>>
      tpu.enqueue_dma source(%arg3 : memref<65536xf32, #tpu.memory_space<hbm>>) target(%arg7 : memref<65536xf32, #tpu.memory_space<vmem>>) target_semaphore(%run_scoped3A : memref<!tpu.dma_semaphore, #tpu.memory_space<semaphore_mem>>)
      tpu.wait_dma2 semaphore(%run_scoped3A : memref<!tpu.dma_semaphore, #tpu.memory_space<semaphore_mem>>) src(%arg3 : memref<65536xf32, #tpu.memory_space<hbm>>) dst(%arg7 : memref<65536xf32, #tpu.memory_space<vmem>>)
      tpu.yield
    }) : () -> ()
    "tpu.region"() ({
      %run_scoped3A = tpu.sem_alloc : memref<!tpu.dma_semaphore, #tpu.memory_space<semaphore_mem>>
      %dma_start3A_257 = arith.constant 0 : i32
      %dma_start3A_258 = tpu.memref_slice %arg11[%dma_start3A_257] : memref<256xf32, #tpu.memory_space<vmem>> -> memref<128xf32, #tpu.memory_space<vmem>>
      %dma_start3A_259 = arith.constant 0 : i32
      %dma_start3A_260 = tpu.memref_slice %arg11[%dma_start3A_259] : memref<256xf32, #tpu.memory_space<vmem>> -> memref<128xf32, #tpu.memory_space<vmem>>
      tpu.enqueue_dma source(%arg4 : memref<128xf32, #tpu.memory_space<hbm>>) target(%dma_start3A_260 : memref<128xf32, #tpu.memory_space<vmem>>) target_semaphore(%run_scoped3A : memref<!tpu.dma_semaphore, #tpu.memory_space<semaphore_mem>>)
      %dma_wait3A_261 = arith.constant 0 : i32
      %dma_wait3A_262 = tpu.memref_slice %arg11[%dma_wait3A_261] : memref<256xf32, #tpu.memory_space<vmem>> -> memref<128xf32, #tpu.memory_space<vmem>>
      %dma_wait3A_263 = arith.constant 0 : i32
      %dma_wait3A_264 = tpu.memref_slice %arg11[%dma_wait3A_263] : memref<256xf32, #tpu.memory_space<vmem>> -> memref<128xf32, #tpu.memory_space<vmem>>
      tpu.wait_dma2 semaphore(%run_scoped3A : memref<!tpu.dma_semaphore, #tpu.memory_space<semaphore_mem>>) src(%arg4 : memref<128xf32, #tpu.memory_space<hbm>>) dst(%dma_wait3A_264 : memref<128xf32, #tpu.memory_space<vmem>>)
      tpu.yield
    }) : () -> ()
    "tpu.region"() ({
      %run_scoped3A = tpu.sem_alloc : memref<!tpu.dma_semaphore, #tpu.memory_space<semaphore_mem>>
      %dma_start3A_257 = arith.constant 128 : i32
      %dma_start3A_258 = tpu.memref_slice %arg11[%dma_start3A_257] : memref<256xf32, #tpu.memory_space<vmem>> -> memref<128xf32, #tpu.memory_space<vmem>>
      %dma_start3A_259 = arith.constant 128 : i32
      %dma_start3A_260 = tpu.memref_slice %arg11[%dma_start3A_259] : memref<256xf32, #tpu.memory_space<vmem>> -> memref<128xf32, #tpu.memory_space<vmem>>
      tpu.enqueue_dma source(%arg5 : memref<128xf32, #tpu.memory_space<hbm>>) target(%dma_start3A_260 : memref<128xf32, #tpu.memory_space<vmem>>) target_semaphore(%run_scoped3A : memref<!tpu.dma_semaphore, #tpu.memory_space<semaphore_mem>>)
      %dma_wait3A_261 = arith.constant 128 : i32
      %dma_wait3A_262 = tpu.memref_slice %arg11[%dma_wait3A_261] : memref<256xf32, #tpu.memory_space<vmem>> -> memref<128xf32, #tpu.memory_space<vmem>>
      %dma_wait3A_263 = arith.constant 128 : i32
      %dma_wait3A_264 = tpu.memref_slice %arg11[%dma_wait3A_263] : memref<256xf32, #tpu.memory_space<vmem>> -> memref<128xf32, #tpu.memory_space<vmem>>
      tpu.wait_dma2 semaphore(%run_scoped3A : memref<!tpu.dma_semaphore, #tpu.memory_space<semaphore_mem>>) src(%arg5 : memref<128xf32, #tpu.memory_space<hbm>>) dst(%dma_wait3A_264 : memref<128xf32, #tpu.memory_space<vmem>>)
      tpu.yield
    }) : () -> ()
    %get3A = arith.constant 0 : index
    %get3A_21 = tpu.vector_load %arg11[%get3A] {strides = array<i32>} : memref<256xf32, #tpu.memory_space<vmem>>, vector<16xf32>,
    %get3A_22 = vector.shape_cast %get3A_21 : vector<16xf32> to vector<16xf32>
    %get3A_23 = arith.constant 16 : index
    %get3A_24 = tpu.vector_load %arg11[%get3A_23] {strides = array<i32>} : memref<256xf32, #tpu.memory_space<vmem>>, vector<16xf32>,
    %get3A_25 = vector.shape_cast %get3A_24 : vector<16xf32> to vector<16xf32>
    %get3A_26 = arith.constant 32 : index
    %get3A_27 = tpu.vector_load %arg11[%get3A_26] {strides = array<i32>} : memref<256xf32, #tpu.memory_space<vmem>>, vector<16xf32>,
    %get3A_28 = vector.shape_cast %get3A_27 : vector<16xf32> to vector<16xf32>
    %get3A_29 = arith.constant 48 : index
    %get3A_30 = tpu.vector_load %arg11[%get3A_29] {strides = array<i32>} : memref<256xf32, #tpu.memory_space<vmem>>, vector<16xf32>,
    %get3A_31 = vector.shape_cast %get3A_30 : vector<16xf32> to vector<16xf32>
    %get3A_32 = arith.constant 64 : index
    %get3A_33 = tpu.vector_load %arg11[%get3A_32] {strides = array<i32>} : memref<256xf32, #tpu.memory_space<vmem>>, vector<16xf32>,
    %get3A_34 = vector.shape_cast %get3A_33 : vector<16xf32> to vector<16xf32>
    %get3A_35 = arith.constant 80 : index
    %get3A_36 = tpu.vector_load %arg11[%get3A_35] {strides = array<i32>} : memref<256xf32, #tpu.memory_space<vmem>>, vector<16xf32>,
    %get3A_37 = vector.shape_cast %get3A_36 : vector<16xf32> to vector<16xf32>
    %get3A_38 = arith.constant 96 : index
    %get3A_39 = tpu.vector_load %arg11[%get3A_38] {strides = array<i32>} : memref<256xf32, #tpu.memory_space<vmem>>, vector<16xf32>,
    %get3A_40 = vector.shape_cast %get3A_39 : vector<16xf32> to vector<16xf32>
    %get3A_41 = arith.constant 112 : index
    %get3A_42 = tpu.vector_load %arg11[%get3A_41] {strides = array<i32>} : memref<256xf32, #tpu.memory_space<vmem>>, vector<16xf32>,
    %get3A_43 = vector.shape_cast %get3A_42 : vector<16xf32> to vector<16xf32>
    %get3A_44 = arith.constant 128 : index
    %get3A_45 = tpu.vector_load %arg11[%get3A_44] {strides = array<i32>} : memref<256xf32, #tpu.memory_space<vmem>>, vector<16xf32>,
    %get3A_46 = vector.shape_cast %get3A_45 : vector<16xf32> to vector<16xf32>
    %get3A_47 = arith.constant 144 : index
    %get3A_48 = tpu.vector_load %arg11[%get3A_47] {strides = array<i32>} : memref<256xf32, #tpu.memory_space<vmem>>, vector<16xf32>,
    %get3A_49 = vector.shape_cast %get3A_48 : vector<16xf32> to vector<16xf32>
    %get3A_50 = arith.constant 160 : index
    %get3A_51 = tpu.vector_load %arg11[%get3A_50] {strides = array<i32>} : memref<256xf32, #tpu.memory_space<vmem>>, vector<16xf32>,
    %get3A_52 = vector.shape_cast %get3A_51 : vector<16xf32> to vector<16xf32>
    %get3A_53 = arith.constant 176 : index
    %get3A_54 = tpu.vector_load %arg11[%get3A_53] {strides = array<i32>} : memref<256xf32, #tpu.memory_space<vmem>>, vector<16xf32>,
    %get3A_55 = vector.shape_cast %get3A_54 : vector<16xf32> to vector<16xf32>
    %get3A_56 = arith.constant 192 : index
    %get3A_57 = tpu.vector_load %arg11[%get3A_56] {strides = array<i32>} : memref<256xf32, #tpu.memory_space<vmem>>, vector<16xf32>,
    %get3A_58 = vector.shape_cast %get3A_57 : vector<16xf32> to vector<16xf32>
    %get3A_59 = arith.constant 208 : index
    %get3A_60 = tpu.vector_load %arg11[%get3A_59] {strides = array<i32>} : memref<256xf32, #tpu.memory_space<vmem>>, vector<16xf32>,
    %get3A_61 = vector.shape_cast %get3A_60 : vector<16xf32> to vector<16xf32>
    %get3A_62 = arith.constant 224 : index
    %get3A_63 = tpu.vector_load %arg11[%get3A_62] {strides = array<i32>} : memref<256xf32, #tpu.memory_space<vmem>>, vector<16xf32>,
    %get3A_64 = vector.shape_cast %get3A_63 : vector<16xf32> to vector<16xf32>
    %get3A_65 = arith.constant 240 : index
    %get3A_66 = tpu.vector_load %arg11[%get3A_65] {strides = array<i32>} : memref<256xf32, #tpu.memory_space<vmem>>, vector<16xf32>,
    %get3A_67 = vector.shape_cast %get3A_66 : vector<16xf32> to vector<16xf32>
    %mul3A_68 = arith.constant 241 : i32
    %mul3A_69 = arith.muli %add3A, %mul3A_68 : i32
    %sub3A_70 = arith.constant 7688 : i32
    %sub3A_71 = arith.subi %sub3A_70, %mul3A_69 : i32
    %min3A_72 = arith.constant 241 : i32
    %min3A_73 = arith.minsi %min3A_72, %sub3A_71 : i32
    %mul3A_74 = arith.constant 248 : i32
    %mul3A_75 = arith.muli %mul3A_69, %mul3A_74 : i32
    %dma_start3A = arith.constant 0 : i32
    %dma_start3A_76 = tpu.memref_slice %arg8[%dma_start3A] : memref<512xi32, #tpu.memory_space<vmem>> -> memref<248xi32, #tpu.memory_space<vmem>>
    %dma_start3A_77 = tpu.memref_slice %arg2[%mul3A_75] : memref<1906624xi32, #tpu.memory_space<hbm>> -> memref<248xi32, #tpu.memory_space<hbm>>
    %dma_start3A_78 = arith.constant 0 : i32
    %dma_start3A_79 = tpu.memref_slice %arg8[%dma_start3A_78] : memref<512xi32, #tpu.memory_space<vmem>> -> memref<248xi32, #tpu.memory_space<vmem>>
    %dma_start3A_80 = tpu.memref_slice %arg2[%mul3A_75] : memref<1906624xi32, #tpu.memory_space<hbm>> -> memref<248xi32, #tpu.memory_space<hbm>>
    tpu.enqueue_dma source(%dma_start3A_80 : memref<248xi32, #tpu.memory_space<hbm>>) target(%dma_start3A_79 : memref<248xi32, #tpu.memory_space<vmem>>) target_semaphore(%arg12 : memref<!tpu.dma_semaphore, #tpu.memory_space<semaphore_mem>>)
    %swap3A = arith.constant 0 : i32
    %swap3A_81 = arith.constant 0 : i32
    %swap3A_82 = arith.index_cast %swap3A : i32 to index
    %swap3A_83 = arith.index_cast %swap3A_81 : i32 to index
    %swap3A_84 = arith.constant 0 : index
    %swap3A_85 = tpu.vector_load %arg9[%swap3A_82, %swap3A_83, %swap3A_84] {strides = array<i32>} : memref<2x32x128xf32, #tpu.memory_space<vmem>>, vector<1x1x16xf32>,
    %swap3A_86 = vector.shape_cast %swap3A_85 : vector<1x1x16xf32> to vector<16xf32>
    %swap3A_87 = vector.shape_cast %broadcast_in_dim3A_1 : vector<16xf32> to vector<1x1x16xf32>
    tpu.vector_store %arg9[%swap3A_82, %swap3A_83, %swap3A_84], %swap3A_87 {strides = array<i32>} : memref<2x32x128xf32, #tpu.memory_space<vmem>>, vector<1x1x16xf32>,
    %swap3A_88 = arith.constant 0 : i32
    %swap3A_89 = arith.constant 0 : i32
    %swap3A_90 = arith.index_cast %swap3A_88 : i32 to index
    %swap3A_91 = arith.index_cast %swap3A_89 : i32 to index
    %swap3A_92 = arith.constant 16 : index
    %swap3A_93 = tpu.vector_load %arg9[%swap3A_90, %swap3A_91, %swap3A_92] {strides = array<i32>} : memref<2x32x128xf32, #tpu.memory_space<vmem>>, vector<1x1x16xf32>,
    %swap3A_94 = vector.shape_cast %swap3A_93 : vector<1x1x16xf32> to vector<16xf32>
    %swap3A_95 = vector.shape_cast %broadcast_in_dim3A_1 : vector<16xf32> to vector<1x1x16xf32>
    tpu.vector_store %arg9[%swap3A_90, %swap3A_91, %swap3A_92], %swap3A_95 {strides = array<i32>} : memref<2x32x128xf32, #tpu.memory_space<vmem>>, vector<1x1x16xf32>,
    %swap3A_96 = arith.constant 0 : i32
    %swap3A_97 = arith.constant 0 : i32
    %swap3A_98 = arith.index_cast %swap3A_96 : i32 to index
    %swap3A_99 = arith.index_cast %swap3A_97 : i32 to index
    %swap3A_100 = arith.constant 32 : index
    %swap3A_101 = tpu.vector_load %arg9[%swap3A_98, %swap3A_99, %swap3A_100] {strides = array<i32>} : memref<2x32x128xf32, #tpu.memory_space<vmem>>, vector<1x1x16xf32>,
    %swap3A_102 = vector.shape_cast %swap3A_101 : vector<1x1x16xf32> to vector<16xf32>
    %swap3A_103 = vector.shape_cast %broadcast_in_dim3A_1 : vector<16xf32> to vector<1x1x16xf32>
    tpu.vector_store %arg9[%swap3A_98, %swap3A_99, %swap3A_100], %swap3A_103 {strides = array<i32>} : memref<2x32x128xf32, #tpu.memory_space<vmem>>, vector<1x1x16xf32>,
    %swap3A_104 = arith.constant 0 : i32
    %swap3A_105 = arith.constant 0 : i32
    %swap3A_106 = arith.index_cast %swap3A_104 : i32 to index
    %swap3A_107 = arith.index_cast %swap3A_105 : i32 to index
    %swap3A_108 = arith.constant 48 : index
    %swap3A_109 = tpu.vector_load %arg9[%swap3A_106, %swap3A_107, %swap3A_108] {strides = array<i32>} : memref<2x32x128xf32, #tpu.memory_space<vmem>>, vector<1x1x16xf32>,
    %swap3A_110 = vector.shape_cast %swap3A_109 : vector<1x1x16xf32> to vector<16xf32>
    %swap3A_111 = vector.shape_cast %broadcast_in_dim3A_1 : vector<16xf32> to vector<1x1x16xf32>
    tpu.vector_store %arg9[%swap3A_106, %swap3A_107, %swap3A_108], %swap3A_111 {strides = array<i32>} : memref<2x32x128xf32, #tpu.memory_space<vmem>>, vector<1x1x16xf32>,
    %swap3A_112 = arith.constant 0 : i32
    %swap3A_113 = arith.constant 0 : i32
    %swap3A_114 = arith.index_cast %swap3A_112 : i32 to index
    %swap3A_115 = arith.index_cast %swap3A_113 : i32 to index
    %swap3A_116 = arith.constant 64 : index
    %swap3A_117 = tpu.vector_load %arg9[%swap3A_114, %swap3A_115, %swap3A_116] {strides = array<i32>} : memref<2x32x128xf32, #tpu.memory_space<vmem>>, vector<1x1x16xf32>,
    %swap3A_118 = vector.shape_cast %swap3A_117 : vector<1x1x16xf32> to vector<16xf32>
    %swap3A_119 = vector.shape_cast %broadcast_in_dim3A_1 : vector<16xf32> to vector<1x1x16xf32>
    tpu.vector_store %arg9[%swap3A_114, %swap3A_115, %swap3A_116], %swap3A_119 {strides = array<i32>} : memref<2x32x128xf32, #tpu.memory_space<vmem>>, vector<1x1x16xf32>,
    %swap3A_120 = arith.constant 0 : i32
    %swap3A_121 = arith.constant 0 : i32
    %swap3A_122 = arith.index_cast %swap3A_120 : i32 to index
    %swap3A_123 = arith.index_cast %swap3A_121 : i32 to index
    %swap3A_124 = arith.constant 80 : index
    %swap3A_125 = tpu.vector_load %arg9[%swap3A_122, %swap3A_123, %swap3A_124] {strides = array<i32>} : memref<2x32x128xf32, #tpu.memory_space<vmem>>, vector<1x1x16xf32>,
    %swap3A_126 = vector.shape_cast %swap3A_125 : vector<1x1x16xf32> to vector<16xf32>
    %swap3A_127 = vector.shape_cast %broadcast_in_dim3A_1 : vector<16xf32> to vector<1x1x16xf32>
    tpu.vector_store %arg9[%swap3A_122, %swap3A_123, %swap3A_124], %swap3A_127 {strides = array<i32>} : memref<2x32x128xf32, #tpu.memory_space<vmem>>, vector<1x1x16xf32>,
    %swap3A_128 = arith.constant 0 : i32
    %swap3A_129 = arith.constant 0 : i32
    %swap3A_130 = arith.index_cast %swap3A_128 : i32 to index
    %swap3A_131 = arith.index_cast %swap3A_129 : i32 to index
    %swap3A_132 = arith.constant 96 : index
    %swap3A_133 = tpu.vector_load %arg9[%swap3A_130, %swap3A_131, %swap3A_132] {strides = array<i32>} : memref<2x32x128xf32, #tpu.memory_space<vmem>>, vector<1x1x16xf32>,
    %swap3A_134 = vector.shape_cast %swap3A_133 : vector<1x1x16xf32> to vector<16xf32>
    %swap3A_135 = vector.shape_cast %broadcast_in_dim3A_1 : vector<16xf32> to vector<1x1x16xf32>
    tpu.vector_store %arg9[%swap3A_130, %swap3A_131, %swap3A_132], %swap3A_135 {strides = array<i32>} : memref<2x32x128xf32, #tpu.memory_space<vmem>>, vector<1x1x16xf32>,
    %swap3A_136 = arith.constant 0 : i32
    %swap3A_137 = arith.constant 0 : i32
    %swap3A_138 = arith.index_cast %swap3A_136 : i32 to index
    %swap3A_139 = arith.index_cast %swap3A_137 : i32 to index
    %swap3A_140 = arith.constant 112 : index
    %swap3A_141 = tpu.vector_load %arg9[%swap3A_138, %swap3A_139, %swap3A_140] {strides = array<i32>} : memref<2x32x128xf32, #tpu.memory_space<vmem>>, vector<1x1x16xf32>,
    %swap3A_142 = vector.shape_cast %swap3A_141 : vector<1x1x16xf32> to vector<16xf32>
    %swap3A_143 = vector.shape_cast %broadcast_in_dim3A_1 : vector<16xf32> to vector<1x1x16xf32>
    tpu.vector_store %arg9[%swap3A_138, %swap3A_139, %swap3A_140], %swap3A_143 {strides = array<i32>} : memref<2x32x128xf32, #tpu.memory_space<vmem>>, vector<1x1x16xf32>,
    %swap3A_144 = arith.constant 1 : i32
    %swap3A_145 = arith.constant 0 : i32
    %swap3A_146 = arith.index_cast %swap3A_144 : i32 to index
    %swap3A_147 = arith.index_cast %swap3A_145 : i32 to index
    %swap3A_148 = arith.constant 0 : index
    %swap3A_149 = tpu.vector_load %arg9[%swap3A_146, %swap3A_147, %swap3A_148] {strides = array<i32>} : memref<2x32x128xf32, #tpu.memory_space<vmem>>, vector<1x1x16xf32>,
    %swap3A_150 = vector.shape_cast %swap3A_149 : vector<1x1x16xf32> to vector<16xf32>
    %swap3A_151 = vector.shape_cast %broadcast_in_dim3A_1 : vector<16xf32> to vector<1x1x16xf32>
    tpu.vector_store %arg9[%swap3A_146, %swap3A_147, %swap3A_148], %swap3A_151 {strides = array<i32>} : memref<2x32x128xf32, #tpu.memory_space<vmem>>, vector<1x1x16xf32>,
    %swap3A_152 = arith.constant 1 : i32
    %swap3A_153 = arith.constant 0 : i32
    %swap3A_154 = arith.index_cast %swap3A_152 : i32 to index
    %swap3A_155 = arith.index_cast %swap3A_153 : i32 to index
    %swap3A_156 = arith.constant 16 : index
    %swap3A_157 = tpu.vector_load %arg9[%swap3A_154, %swap3A_155, %swap3A_156] {strides = array<i32>} : memref<2x32x128xf32, #tpu.memory_space<vmem>>, vector<1x1x16xf32>,
    %swap3A_158 = vector.shape_cast %swap3A_157 : vector<1x1x16xf32> to vector<16xf32>
    %swap3A_159 = vector.shape_cast %broadcast_in_dim3A_1 : vector<16xf32> to vector<1x1x16xf32>
    tpu.vector_store %arg9[%swap3A_154, %swap3A_155, %swap3A_156], %swap3A_159 {strides = array<i32>} : memref<2x32x128xf32, #tpu.memory_space<vmem>>, vector<1x1x16xf32>,
    %swap3A_160 = arith.constant 1 : i32
    %swap3A_161 = arith.constant 0 : i32
    %swap3A_162 = arith.index_cast %swap3A_160 : i32 to index
    %swap3A_163 = arith.index_cast %swap3A_161 : i32 to index
    %swap3A_164 = arith.constant 32 : index
    %swap3A_165 = tpu.vector_load %arg9[%swap3A_162, %swap3A_163, %swap3A_164] {strides = array<i32>} : memref<2x32x128xf32, #tpu.memory_space<vmem>>, vector<1x1x16xf32>,
    %swap3A_166 = vector.shape_cast %swap3A_165 : vector<1x1x16xf32> to vector<16xf32>
    %swap3A_167 = vector.shape_cast %broadcast_in_dim3A_1 : vector<16xf32> to vector<1x1x16xf32>
    tpu.vector_store %arg9[%swap3A_162, %swap3A_163, %swap3A_164], %swap3A_167 {strides = array<i32>} : memref<2x32x128xf32, #tpu.memory_space<vmem>>, vector<1x1x16xf32>,
    %swap3A_168 = arith.constant 1 : i32
    %swap3A_169 = arith.constant 0 : i32
    %swap3A_170 = arith.index_cast %swap3A_168 : i32 to index
    %swap3A_171 = arith.index_cast %swap3A_169 : i32 to index
    %swap3A_172 = arith.constant 48 : index
    %swap3A_173 = tpu.vector_load %arg9[%swap3A_170, %swap3A_171, %swap3A_172] {strides = array<i32>} : memref<2x32x128xf32, #tpu.memory_space<vmem>>, vector<1x1x16xf32>,
    %swap3A_174 = vector.shape_cast %swap3A_173 : vector<1x1x16xf32> to vector<16xf32>
    %swap3A_175 = vector.shape_cast %broadcast_in_dim3A_1 : vector<16xf32> to vector<1x1x16xf32>
    tpu.vector_store %arg9[%swap3A_170, %swap3A_171, %swap3A_172], %swap3A_175 {strides = array<i32>} : memref<2x32x128xf32, #tpu.memory_space<vmem>>, vector<1x1x16xf32>,
    %swap3A_176 = arith.constant 1 : i32
    %swap3A_177 = arith.constant 0 : i32
    %swap3A_178 = arith.index_cast %swap3A_176 : i32 to index
    %swap3A_179 = arith.index_cast %swap3A_177 : i32 to index
    %swap3A_180 = arith.constant 64 : index
    %swap3A_181 = tpu.vector_load %arg9[%swap3A_178, %swap3A_179, %swap3A_180] {strides = array<i32>} : memref<2x32x128xf32, #tpu.memory_space<vmem>>, vector<1x1x16xf32>,
    %swap3A_182 = vector.shape_cast %swap3A_181 : vector<1x1x16xf32> to vector<16xf32>
    %swap3A_183 = vector.shape_cast %broadcast_in_dim3A_1 : vector<16xf32> to vector<1x1x16xf32>
    tpu.vector_store %arg9[%swap3A_178, %swap3A_179, %swap3A_180], %swap3A_183 {strides = array<i32>} : memref<2x32x128xf32, #tpu.memory_space<vmem>>, vector<1x1x16xf32>,
    %swap3A_184 = arith.constant 1 : i32
    %swap3A_185 = arith.constant 0 : i32
    %swap3A_186 = arith.index_cast %swap3A_184 : i32 to index
    %swap3A_187 = arith.index_cast %swap3A_185 : i32 to index
    %swap3A_188 = arith.constant 80 : index
    %swap3A_189 = tpu.vector_load %arg9[%swap3A_186, %swap3A_187, %swap3A_188] {strides = array<i32>} : memref<2x32x128xf32, #tpu.memory_space<vmem>>, vector<1x1x16xf32>,
    %swap3A_190 = vector.shape_cast %swap3A_189 : vector<1x1x16xf32> to vector<16xf32>
    %swap3A_191 = vector.shape_cast %broadcast_in_dim3A_1 : vector<16xf32> to vector<1x1x16xf32>
    tpu.vector_store %arg9[%swap3A_186, %swap3A_187, %swap3A_188], %swap3A_191 {strides = array<i32>} : memref<2x32x128xf32, #tpu.memory_space<vmem>>, vector<1x1x16xf32>,
    %swap3A_192 = arith.constant 1 : i32
    %swap3A_193 = arith.constant 0 : i32
    %swap3A_194 = arith.index_cast %swap3A_192 : i32 to index
    %swap3A_195 = arith.index_cast %swap3A_193 : i32 to index
    %swap3A_196 = arith.constant 96 : index
    %swap3A_197 = tpu.vector_load %arg9[%swap3A_194, %swap3A_195, %swap3A_196] {strides = array<i32>} : memref<2x32x128xf32, #tpu.memory_space<vmem>>, vector<1x1x16xf32>,
    %swap3A_198 = vector.shape_cast %swap3A_197 : vector<1x1x16xf32> to vector<16xf32>
    %swap3A_199 = vector.shape_cast %broadcast_in_dim3A_1 : vector<16xf32> to vector<1x1x16xf32>
    tpu.vector_store %arg9[%swap3A_194, %swap3A_195, %swap3A_196], %swap3A_199 {strides = array<i32>} : memref<2x32x128xf32, #tpu.memory_space<vmem>>, vector<1x1x16xf32>,
    %swap3A_200 = arith.constant 1 : i32
    %swap3A_201 = arith.constant 0 : i32
    %swap3A_202 = arith.index_cast %swap3A_200 : i32 to index
    %swap3A_203 = arith.index_cast %swap3A_201 : i32 to index
    %swap3A_204 = arith.constant 112 : index
    %swap3A_205 = tpu.vector_load %arg9[%swap3A_202, %swap3A_203, %swap3A_204] {strides = array<i32>} : memref<2x32x128xf32, #tpu.memory_space<vmem>>, vector<1x1x16xf32>,
    %swap3A_206 = vector.shape_cast %swap3A_205 : vector<1x1x16xf32> to vector<16xf32>
    %swap3A_207 = vector.shape_cast %broadcast_in_dim3A_1 : vector<16xf32> to vector<1x1x16xf32>
    tpu.vector_store %arg9[%swap3A_202, %swap3A_203, %swap3A_204], %swap3A_207 {strides = array<i32>} : memref<2x32x128xf32, #tpu.memory_space<vmem>>, vector<1x1x16xf32>,
    %while3A_208 = arith.constant 0 : i32
    %while3A_209 = arith.constant 0 : i32
    %while3A_210 = arith.subi %min3A_73, %while3A_209 : i32
    %while3A_211 = arith.addi %while3A_209, %while3A_210 : i32
    %while3A_212 = arith.constant 1 : i32
    %while3A_213 = arith.divsi %while3A_210, %while3A_212 : i32
    %while3A_214 = arith.muli %while3A_213, %while3A_212 : i32
    %while3A_215 = arith.addi %while3A_209, %while3A_214 : i32
    %while3A_216 = arith.constant 1 : i32
    scf.for %while3A_257 = %while3A_209 to %while3A_215 step %while3A_216  : i32 {
      %jit3A = arith.constant 2 : i32
      %eq3A = arith.constant 0 : i32
      %eq3A_258 = arith.cmpi eq, %jit3A, %eq3A : i32
      %jit3A_259 = arith.constant 1 : i32
      %select_n3A = arith.select %eq3A_258, %jit3A_259, %jit3A : i32
      %rem3A = arith.remsi %while3A_257, %select_n3A : i32
      %ne3A = arith.constant 0 : i32
      %ne3A_260 = arith.cmpi ne, %rem3A, %ne3A : i32
      %lt3A = arith.constant 0 : i32
      %lt3A_261 = arith.cmpi slt, %rem3A, %lt3A : i32
      %lt3A_262 = arith.constant 0 : i32
      %lt3A_263 = arith.cmpi slt, %select_n3A, %lt3A_262 : i32
      %ne3A_264 = arith.xori %lt3A_261, %lt3A_263 : i1
      %and3A = arith.andi %ne3A_264, %ne3A_260 : i1
      %add3A_265 = arith.addi %rem3A, %select_n3A : i32
      %select_n3A_266 = arith.select %and3A, %add3A_265, %rem3A : i32
      %add3A_267 = arith.addi %mul3A_69, %while3A_257 : i32
      %dma_wait3A_268 = arith.constant 0 : i32
      %dma_wait3A_269 = tpu.memref_slice %arg8[%dma_wait3A_268] : memref<512xi32, #tpu.memory_space<vmem>> -> memref<248xi32, #tpu.memory_space<vmem>>
      %dma_wait3A_270 = arith.constant 0 : i32
      %dma_wait3A_271 = tpu.memref_slice %arg2[%dma_wait3A_270] : memref<1906624xi32, #tpu.memory_space<hbm>> -> memref<248xi32, #tpu.memory_space<hbm>>
      %dma_wait3A_272 = arith.constant 0 : i32
      %dma_wait3A_273 = tpu.memref_slice %arg8[%dma_wait3A_272] : memref<512xi32, #tpu.memory_space<vmem>> -> memref<248xi32, #tpu.memory_space<vmem>>
      %dma_wait3A_274 = arith.constant 0 : i32
      %dma_wait3A_275 = tpu.memref_slice %arg2[%dma_wait3A_274] : memref<1906624xi32, #tpu.memory_space<hbm>> -> memref<248xi32, #tpu.memory_space<hbm>>
      tpu.wait_dma2 semaphore(%arg12 : memref<!tpu.dma_semaphore, #tpu.memory_space<semaphore_mem>>) src(%dma_wait3A_275 : memref<248xi32, #tpu.memory_space<hbm>>) dst(%dma_wait3A_273 : memref<248xi32, #tpu.memory_space<vmem>>)
      %add3A_276 = arith.constant 1 : i32
      %add3A_277 = arith.addi %while3A_257, %add3A_276 : i32
      %lt3A_278 = arith.cmpi slt, %add3A_277, %min3A_73 : i32
      %convert_element_type3A = arith.extui %lt3A_278 : i1 to i32
      %cond3A = arith.constant 0 : i32
      %cond3A_279 = arith.cmpi ne, %convert_element_type3A, %cond3A : i32
      scf.if %cond3A_279 {
        %add3A_391 = arith.constant 1 : i32
        %add3A_392 = arith.addi %add3A_267, %add3A_391 : i32
        %mul3A_393 = arith.constant 248 : i32
        %mul3A_394 = arith.muli %add3A_392, %mul3A_393 : i32
        %sub3A_395 = arith.constant 1 : i32
        %sub3A_396 = arith.subi %sub3A_395, %select_n3A_266 : i32
        %mul3A_397 = arith.constant 256 : i32
        %mul3A_398 = arith.muli %sub3A_396, %mul3A_397 : i32
        %dma_start3A_399 = tpu.memref_slice %arg8[%mul3A_398] : memref<512xi32, #tpu.memory_space<vmem>> -> memref<248xi32, #tpu.memory_space<vmem>>
        %dma_start3A_400 = tpu.memref_slice %arg2[%mul3A_394] : memref<1906624xi32, #tpu.memory_space<hbm>> -> memref<248xi32, #tpu.memory_space<hbm>>
        %dma_start3A_401 = tpu.memref_slice %arg8[%mul3A_398] : memref<512xi32, #tpu.memory_space<vmem>> -> memref<248xi32, #tpu.memory_space<vmem>>
        %dma_start3A_402 = tpu.memref_slice %arg2[%mul3A_394] : memref<1906624xi32, #tpu.memory_space<hbm>> -> memref<248xi32, #tpu.memory_space<hbm>>
        tpu.enqueue_dma source(%dma_start3A_402 : memref<248xi32, #tpu.memory_space<hbm>>) target(%dma_start3A_401 : memref<248xi32, #tpu.memory_space<vmem>>) target_semaphore(%arg12 : memref<!tpu.dma_semaphore, #tpu.memory_space<semaphore_mem>>)
      } else {
      }
      %ge3A = arith.constant 2 : i32
      %ge3A_280 = arith.cmpi sge, %while3A_257, %ge3A : i32
      %convert_element_type3A_281 = arith.extui %ge3A_280 : i1 to i32
      %cond3A_282 = arith.constant 0 : i32
      %cond3A_283 = arith.cmpi ne, %convert_element_type3A_281, %cond3A_282 : i32
      scf.if %cond3A_283 {
        %dma_wait3A_391 = arith.constant 0 : i32
        %dma_wait3A_392 = arith.constant 0 : i32
        %dma_wait3A_393 = tpu.memref_slice %arg9[%select_n3A_266, %dma_wait3A_391, %dma_wait3A_392] : memref<2x32x128xf32, #tpu.memory_space<vmem>> -> memref<1x32x128xf32, #tpu.memory_space<vmem>>
        %dma_wait3A_394 = tpu.memref_squeeze %dma_wait3A_393 : memref<1x32x128xf32, #tpu.memory_space<vmem>> -> memref<32x128xf32, #tpu.memory_space<vmem>>
        %dma_wait3A_395 = arith.constant 0 : i32
        %dma_wait3A_396 = arith.constant 0 : i32
        %dma_wait3A_397 = tpu.memref_slice %arg6[%dma_wait3A_395, %dma_wait3A_396] : memref<262144x128xf32, #tpu.memory_space<hbm>> -> memref<32x128xf32, #tpu.memory_space<hbm>>
        %dma_wait3A_398 = arith.constant 0 : i32
        %dma_wait3A_399 = arith.constant 0 : i32
        %dma_wait3A_400 = tpu.memref_slice %arg9[%select_n3A_266, %dma_wait3A_398, %dma_wait3A_399] : memref<2x32x128xf32, #tpu.memory_space<vmem>> -> memref<1x32x128xf32, #tpu.memory_space<vmem>>
        %dma_wait3A_401 = tpu.memref_squeeze %dma_wait3A_400 : memref<1x32x128xf32, #tpu.memory_space<vmem>> -> memref<32x128xf32, #tpu.memory_space<vmem>>
        %dma_wait3A_402 = arith.constant 0 : i32
        %dma_wait3A_403 = arith.constant 0 : i32
        %dma_wait3A_404 = tpu.memref_slice %arg6[%dma_wait3A_402, %dma_wait3A_403] : memref<262144x128xf32, #tpu.memory_space<hbm>> -> memref<32x128xf32, #tpu.memory_space<hbm>>
        tpu.wait_dma2 semaphore(%arg13 : memref<!tpu.dma_semaphore, #tpu.memory_space<semaphore_mem>>) src(%dma_wait3A_404 : memref<32x128xf32, #tpu.memory_space<hbm>>) dst(%dma_wait3A_401 : memref<32x128xf32, #tpu.memory_space<vmem>>)
      } else {
      }
      %jit3A_284 = arith.constant 961 : i32
      %div3A = arith.divsi %add3A_267, %jit3A_284 : i32
      %sign3A = arith.constant 0 : i32
      %sign3A_285 = arith.cmpi sgt, %add3A_267, %sign3A : i32
      %sign3A_286 = arith.extui %sign3A_285 : i1 to i32
      %sign3A_287 = arith.constant 0 : i32
      %sign3A_288 = arith.cmpi slt, %add3A_267, %sign3A_287 : i32
      %sign3A_289 = arith.extui %sign3A_288 : i1 to i32
      %sign3A_290 = arith.subi %sign3A_286, %sign3A_289 : i32
      %sign3A_291 = arith.constant 0 : i32
      %sign3A_292 = arith.cmpi sgt, %jit3A_284, %sign3A_291 : i32
      %sign3A_293 = arith.extui %sign3A_292 : i1 to i32
      %sign3A_294 = arith.constant 0 : i32
      %sign3A_295 = arith.cmpi slt, %jit3A_284, %sign3A_294 : i32
      %sign3A_296 = arith.extui %sign3A_295 : i1 to i32
      %sign3A_297 = arith.subi %sign3A_293, %sign3A_296 : i32
      %ne3A_298 = arith.cmpi ne, %sign3A_290, %sign3A_297 : i32
      %rem3A_299 = arith.remsi %add3A_267, %jit3A_284 : i32
      %ne3A_300 = arith.constant 0 : i32
      %ne3A_301 = arith.cmpi ne, %rem3A_299, %ne3A_300 : i32
      %and3A_302 = arith.andi %ne3A_298, %ne3A_301 : i1
      %sub3A_303 = arith.constant 1 : i32
      %sub3A_304 = arith.subi %div3A, %sub3A_303 : i32
      %select_n3A_305 = arith.select %and3A_302, %sub3A_304, %div3A : i32
      %jit3A_306 = arith.constant 961 : i32
      %eq3A_307 = arith.constant 0 : i32
      %eq3A_308 = arith.cmpi eq, %jit3A_306, %eq3A_307 : i32
      %jit3A_309 = arith.constant 1 : i32
      %select_n3A_310 = arith.select %eq3A_308, %jit3A_309, %jit3A_306 : i32
      %rem3A_311 = arith.remsi %add3A_267, %select_n3A_310 : i32
      %ne3A_312 = arith.constant 0 : i32
      %ne3A_313 = arith.cmpi ne, %rem3A_311, %ne3A_312 : i32
      %lt3A_314 = arith.constant 0 : i32
      %lt3A_315 = arith.cmpi slt, %rem3A_311, %lt3A_314 : i32
      %lt3A_316 = arith.constant 0 : i32
      %lt3A_317 = arith.cmpi slt, %select_n3A_310, %lt3A_316 : i32
      %ne3A_318 = arith.xori %lt3A_315, %lt3A_317 : i1
      %and3A_319 = arith.andi %ne3A_318, %ne3A_313 : i1
      %add3A_320 = arith.addi %rem3A_311, %select_n3A_310 : i32
      %select_n3A_321 = arith.select %and3A_319, %add3A_320, %rem3A_311 : i32
      %jit3A_322 = arith.constant 31 : i32
      %div3A_323 = arith.divsi %select_n3A_321, %jit3A_322 : i32
      %sign3A_324 = arith.constant 0 : i32
      %sign3A_325 = arith.cmpi sgt, %select_n3A_321, %sign3A_324 : i32
      %sign3A_326 = arith.extui %sign3A_325 : i1 to i32
      %sign3A_327 = arith.constant 0 : i32
      %sign3A_328 = arith.cmpi slt, %select_n3A_321, %sign3A_327 : i32
      %sign3A_329 = arith.extui %sign3A_328 : i1 to i32
      %sign3A_330 = arith.subi %sign3A_326, %sign3A_329 : i32
      %sign3A_331 = arith.constant 0 : i32
      %sign3A_332 = arith.cmpi sgt, %jit3A_322, %sign3A_331 : i32
      %sign3A_333 = arith.extui %sign3A_332 : i1 to i32
      %sign3A_334 = arith.constant 0 : i32
      %sign3A_335 = arith.cmpi slt, %jit3A_322, %sign3A_334 : i32
      %sign3A_336 = arith.extui %sign3A_335 : i1 to i32
      %sign3A_337 = arith.subi %sign3A_333, %sign3A_336 : i32
      %ne3A_338 = arith.cmpi ne, %sign3A_330, %sign3A_337 : i32
      %rem3A_339 = arith.remsi %select_n3A_321, %jit3A_322 : i32
      %ne3A_340 = arith.constant 0 : i32
      %ne3A_341 = arith.cmpi ne, %rem3A_339, %ne3A_340 : i32
      %and3A_342 = arith.andi %ne3A_338, %ne3A_341 : i1
      %sub3A_343 = arith.constant 1 : i32
      %sub3A_344 = arith.subi %div3A_323, %sub3A_343 : i32
      %select_n3A_345 = arith.select %and3A_342, %sub3A_344, %div3A_323 : i32
      %jit3A_346 = arith.constant 31 : i32
      %eq3A_347 = arith.constant 0 : i32
      %eq3A_348 = arith.cmpi eq, %jit3A_346, %eq3A_347 : i32
      %jit3A_349 = arith.constant 1 : i32
      %select_n3A_350 = arith.select %eq3A_348, %jit3A_349, %jit3A_346 : i32
      %rem3A_351 = arith.remsi %select_n3A_321, %select_n3A_350 : i32
      %ne3A_352 = arith.constant 0 : i32
      %ne3A_353 = arith.cmpi ne, %rem3A_351, %ne3A_352 : i32
      %lt3A_354 = arith.constant 0 : i32
      %lt3A_355 = arith.cmpi slt, %rem3A_351, %lt3A_354 : i32
      %lt3A_356 = arith.constant 0 : i32
      %lt3A_357 = arith.cmpi slt, %select_n3A_350, %lt3A_356 : i32
      %ne3A_358 = arith.xori %lt3A_355, %lt3A_357 : i1
      %and3A_359 = arith.andi %ne3A_358, %ne3A_353 : i1
      %add3A_360 = arith.addi %rem3A_351, %select_n3A_350 : i32
      %select_n3A_361 = arith.select %and3A_359, %add3A_360, %rem3A_351 : i32
      %mul3A_362 = arith.constant 32 : i32
      %mul3A_363 = arith.muli %select_n3A_305, %mul3A_362 : i32
      %mul3A_364 = arith.constant 32 : i32
      %mul3A_365 = arith.muli %mul3A_363, %mul3A_364 : i32
      %add3A_366 = arith.constant 1 : i32
      %add3A_367 = arith.addi %select_n3A_345, %add3A_366 : i32
      %mul3A_368 = arith.constant 32 : i32
      %mul3A_369 = arith.muli %add3A_367, %mul3A_368 : i32
      %add3A_370 = arith.addi %mul3A_365, %mul3A_369 : i32
      %add3A_371 = arith.constant 1 : i32
      %add3A_372 = arith.addi %select_n3A_361, %add3A_371 : i32
      %add3A_373 = arith.addi %add3A_370, %add3A_372 : i32
      %mul3A_374 = arith.constant 32 : i32
      %mul3A_375 = arith.muli %add3A_373, %mul3A_374 : i32
      %parallel_loop3A = arith.constant 0 : i32
      %parallel_loop3A_376 = arith.constant 31 : i32
      %parallel_loop3A_377 = arith.constant 1 : i32
      %parallel_loop3A_378:16 = scf.for %parallel_loop3A_391 = %parallel_loop3A to %parallel_loop3A_376 step %parallel_loop3A_377 iter_args(%parallel_loop3A_392 = %get3A_22, %parallel_loop3A_393 = %get3A_25, %parallel_loop3A_394 = %get3A_28, %parallel_loop3A_395 = %get3A_31, %parallel_loop3A_396 = %get3A_34, %parallel_loop3A_397 = %get3A_37, %parallel_loop3A_398 = %get3A_40, %parallel_loop3A_399 = %get3A_43, %parallel_loop3A_400 = %get3A_46, %parallel_loop3A_401 = %get3A_49, %parallel_loop3A_402 = %get3A_52, %parallel_loop3A_403 = %get3A_55, %parallel_loop3A_404 = %get3A_58, %parallel_loop3A_405 = %get3A_61, %parallel_loop3A_406 = %get3A_64, %parallel_loop3A_407 = %get3A_67) -> (vector<16xf32>, vector<16xf32>, vector<16xf32>, vector<16xf32>, vector<16xf32>, vector<16xf32>, vector<16xf32>, vector<16xf32>, vector<16xf32>, vector<16xf32>, vector<16xf32>, vector<16xf32>, vector<16xf32>, vector<16xf32>, vector<16xf32>, vector<16xf32>)  : i32 {
        %parallel_loop3A_408 = arith.constant 256 : i32
        %parallel_loop3A_409 = arith.muli %select_n3A_266, %parallel_loop3A_408 : i32
        %parallel_loop3A_410 = arith.constant 8 : i32
        %parallel_loop3A_411 = arith.muli %parallel_loop3A_391, %parallel_loop3A_410 : i32
        %parallel_loop3A_412 = arith.addi %parallel_loop3A_409, %parallel_loop3A_411 : i32
        %parallel_loop3A_413 = arith.index_cast %parallel_loop3A_412 : i32 to index
        %parallel_loop3A_414 = tpu.vector_load %arg8[%parallel_loop3A_413] {strides = array<i32>} : memref<512xi32, #tpu.memory_space<vmem>>, vector<16xi32>,
        %parallel_loop3A_415 = vector.shape_cast %parallel_loop3A_414 : vector<16xi32> to vector<16xi32>
        %parallel_loop3A_416 = vector.extract_strided_slice %parallel_loop3A_415 {offsets = [0], sizes = [1], strides = [1]} : vector<16xi32> to vector<1xi32>
        %parallel_loop3A_417 = vector.extract %parallel_loop3A_416[0] : i32 from vector<1xi32>
        %parallel_loop3A_418 = arith.constant 0 : i32
        %parallel_loop3A_419 = arith.addi %parallel_loop3A_417, %parallel_loop3A_418 : i32
        %parallel_loop3A_420 = arith.constant 128 : i32
        %parallel_loop3A_421 = arith.muli %parallel_loop3A_419, %parallel_loop3A_420 : i32
        %parallel_loop3A_422 = arith.constant 0 : i32
        %parallel_loop3A_423 = arith.addi %parallel_loop3A_421, %parallel_loop3A_422 : i32
        %parallel_loop3A_424 = arith.index_cast %parallel_loop3A_423 : i32 to index
        %parallel_loop3A_425 = tpu.vector_load %arg7[%parallel_loop3A_424] {strides = array<i32>} : memref<65536xf32, #tpu.memory_space<vmem>>, vector<16xf32>,
        %parallel_loop3A_426 = vector.shape_cast %parallel_loop3A_425 : vector<16xf32> to vector<16xf32>
        %parallel_loop3A_427 = arith.constant 16 : i32
        %parallel_loop3A_428 = arith.addi %parallel_loop3A_421, %parallel_loop3A_427 : i32
        %parallel_loop3A_429 = arith.index_cast %parallel_loop3A_428 : i32 to index
        %parallel_loop3A_430 = tpu.vector_load %arg7[%parallel_loop3A_429] {strides = array<i32>} : memref<65536xf32, #tpu.memory_space<vmem>>, vector<16xf32>,
        %parallel_loop3A_431 = vector.shape_cast %parallel_loop3A_430 : vector<16xf32> to vector<16xf32>
        %parallel_loop3A_432 = arith.constant 32 : i32
        %parallel_loop3A_433 = arith.addi %parallel_loop3A_421, %parallel_loop3A_432 : i32
        %parallel_loop3A_434 = arith.index_cast %parallel_loop3A_433 : i32 to index
        %parallel_loop3A_435 = tpu.vector_load %arg7[%parallel_loop3A_434] {strides = array<i32>} : memref<65536xf32, #tpu.memory_space<vmem>>, vector<16xf32>,
        %parallel_loop3A_436 = vector.shape_cast %parallel_loop3A_435 : vector<16xf32> to vector<16xf32>
        %parallel_loop3A_437 = arith.constant 48 : i32
        %parallel_loop3A_438 = arith.addi %parallel_loop3A_421, %parallel_loop3A_437 : i32
        %parallel_loop3A_439 = arith.index_cast %parallel_loop3A_438 : i32 to index
        %parallel_loop3A_440 = tpu.vector_load %arg7[%parallel_loop3A_439] {strides = array<i32>} : memref<65536xf32, #tpu.memory_space<vmem>>, vector<16xf32>,
        %parallel_loop3A_441 = vector.shape_cast %parallel_loop3A_440 : vector<16xf32> to vector<16xf32>
        %parallel_loop3A_442 = arith.constant 64 : i32
        %parallel_loop3A_443 = arith.addi %parallel_loop3A_421, %parallel_loop3A_442 : i32
        %parallel_loop3A_444 = arith.index_cast %parallel_loop3A_443 : i32 to index
        %parallel_loop3A_445 = tpu.vector_load %arg7[%parallel_loop3A_444] {strides = array<i32>} : memref<65536xf32, #tpu.memory_space<vmem>>, vector<16xf32>,
        %parallel_loop3A_446 = vector.shape_cast %parallel_loop3A_445 : vector<16xf32> to vector<16xf32>
        %parallel_loop3A_447 = arith.constant 80 : i32
        %parallel_loop3A_448 = arith.addi %parallel_loop3A_421, %parallel_loop3A_447 : i32
        %parallel_loop3A_449 = arith.index_cast %parallel_loop3A_448 : i32 to index
        %parallel_loop3A_450 = tpu.vector_load %arg7[%parallel_loop3A_449] {strides = array<i32>} : memref<65536xf32, #tpu.memory_space<vmem>>, vector<16xf32>,
        %parallel_loop3A_451 = vector.shape_cast %parallel_loop3A_450 : vector<16xf32> to vector<16xf32>
        %parallel_loop3A_452 = arith.constant 96 : i32
        %parallel_loop3A_453 = arith.addi %parallel_loop3A_421, %parallel_loop3A_452 : i32
        %parallel_loop3A_454 = arith.index_cast %parallel_loop3A_453 : i32 to index
        %parallel_loop3A_455 = tpu.vector_load %arg7[%parallel_loop3A_454] {strides = array<i32>} : memref<65536xf32, #tpu.memory_space<vmem>>, vector<16xf32>,
        %parallel_loop3A_456 = vector.shape_cast %parallel_loop3A_455 : vector<16xf32> to vector<16xf32>
        %parallel_loop3A_457 = arith.constant 112 : i32
        %parallel_loop3A_458 = arith.addi %parallel_loop3A_421, %parallel_loop3A_457 : i32
        %parallel_loop3A_459 = arith.index_cast %parallel_loop3A_458 : i32 to index
        %parallel_loop3A_460 = tpu.vector_load %arg7[%parallel_loop3A_459] {strides = array<i32>} : memref<65536xf32, #tpu.memory_space<vmem>>, vector<16xf32>,
        %parallel_loop3A_461 = vector.shape_cast %parallel_loop3A_460 : vector<16xf32> to vector<16xf32>
        %parallel_loop3A_462 = vector.extract_strided_slice %parallel_loop3A_415 {offsets = [1], sizes = [1], strides = [1]} : vector<16xi32> to vector<1xi32>
        %parallel_loop3A_463 = vector.extract %parallel_loop3A_462[0] : i32 from vector<1xi32>
        %parallel_loop3A_464 = arith.constant 64 : i32
        %parallel_loop3A_465 = arith.addi %parallel_loop3A_463, %parallel_loop3A_464 : i32
        %parallel_loop3A_466 = arith.constant 128 : i32
        %parallel_loop3A_467 = arith.muli %parallel_loop3A_465, %parallel_loop3A_466 : i32
        %parallel_loop3A_468 = arith.constant 0 : i32
        %parallel_loop3A_469 = arith.addi %parallel_loop3A_467, %parallel_loop3A_468 : i32
        %parallel_loop3A_470 = arith.index_cast %parallel_loop3A_469 : i32 to index
        %parallel_loop3A_471 = tpu.vector_load %arg7[%parallel_loop3A_470] {strides = array<i32>} : memref<65536xf32, #tpu.memory_space<vmem>>, vector<16xf32>,
        %parallel_loop3A_472 = vector.shape_cast %parallel_loop3A_471 : vector<16xf32> to vector<16xf32>
        %parallel_loop3A_473 = arith.addf %parallel_loop3A_426, %parallel_loop3A_472 : vector<16xf32>
        %parallel_loop3A_474 = arith.constant 16 : i32
        %parallel_loop3A_475 = arith.addi %parallel_loop3A_467, %parallel_loop3A_474 : i32
        %parallel_loop3A_476 = arith.index_cast %parallel_loop3A_475 : i32 to index
        %parallel_loop3A_477 = tpu.vector_load %arg7[%parallel_loop3A_476] {strides = array<i32>} : memref<65536xf32, #tpu.memory_space<vmem>>, vector<16xf32>,
        %parallel_loop3A_478 = vector.shape_cast %parallel_loop3A_477 : vector<16xf32> to vector<16xf32>
        %parallel_loop3A_479 = arith.addf %parallel_loop3A_431, %parallel_loop3A_478 : vector<16xf32>
        %parallel_loop3A_480 = arith.constant 32 : i32
        %parallel_loop3A_481 = arith.addi %parallel_loop3A_467, %parallel_loop3A_480 : i32
        %parallel_loop3A_482 = arith.index_cast %parallel_loop3A_481 : i32 to index
        %parallel_loop3A_483 = tpu.vector_load %arg7[%parallel_loop3A_482] {strides = array<i32>} : memref<65536xf32, #tpu.memory_space<vmem>>, vector<16xf32>,
        %parallel_loop3A_484 = vector.shape_cast %parallel_loop3A_483 : vector<16xf32> to vector<16xf32>
        %parallel_loop3A_485 = arith.addf %parallel_loop3A_436, %parallel_loop3A_484 : vector<16xf32>
        %parallel_loop3A_486 = arith.constant 48 : i32
        %parallel_loop3A_487 = arith.addi %parallel_loop3A_467, %parallel_loop3A_486 : i32
        %parallel_loop3A_488 = arith.index_cast %parallel_loop3A_487 : i32 to index
        %parallel_loop3A_489 = tpu.vector_load %arg7[%parallel_loop3A_488] {strides = array<i32>} : memref<65536xf32, #tpu.memory_space<vmem>>, vector<16xf32>,
        %parallel_loop3A_490 = vector.shape_cast %parallel_loop3A_489 : vector<16xf32> to vector<16xf32>
        %parallel_loop3A_491 = arith.addf %parallel_loop3A_441, %parallel_loop3A_490 : vector<16xf32>
        %parallel_loop3A_492 = arith.constant 64 : i32
        %parallel_loop3A_493 = arith.addi %parallel_loop3A_467, %parallel_loop3A_492 : i32
        %parallel_loop3A_494 = arith.index_cast %parallel_loop3A_493 : i32 to index
        %parallel_loop3A_495 = tpu.vector_load %arg7[%parallel_loop3A_494] {strides = array<i32>} : memref<65536xf32, #tpu.memory_space<vmem>>, vector<16xf32>,
        %parallel_loop3A_496 = vector.shape_cast %parallel_loop3A_495 : vector<16xf32> to vector<16xf32>
        %parallel_loop3A_497 = arith.addf %parallel_loop3A_446, %parallel_loop3A_496 : vector<16xf32>
        %parallel_loop3A_498 = arith.constant 80 : i32
        %parallel_loop3A_499 = arith.addi %parallel_loop3A_467, %parallel_loop3A_498 : i32
        %parallel_loop3A_500 = arith.index_cast %parallel_loop3A_499 : i32 to index
        %parallel_loop3A_501 = tpu.vector_load %arg7[%parallel_loop3A_500] {strides = array<i32>} : memref<65536xf32, #tpu.memory_space<vmem>>, vector<16xf32>,
        %parallel_loop3A_502 = vector.shape_cast %parallel_loop3A_501 : vector<16xf32> to vector<16xf32>
        %parallel_loop3A_503 = arith.addf %parallel_loop3A_451, %parallel_loop3A_502 : vector<16xf32>
        %parallel_loop3A_504 = arith.constant 96 : i32
        %parallel_loop3A_505 = arith.addi %parallel_loop3A_467, %parallel_loop3A_504 : i32
        %parallel_loop3A_506 = arith.index_cast %parallel_loop3A_505 : i32 to index
        %parallel_loop3A_507 = tpu.vector_load %arg7[%parallel_loop3A_506] {strides = array<i32>} : memref<65536xf32, #tpu.memory_space<vmem>>, vector<16xf32>,
        %parallel_loop3A_508 = vector.shape_cast %parallel_loop3A_507 : vector<16xf32> to vector<16xf32>
        %parallel_loop3A_509 = arith.addf %parallel_loop3A_456, %parallel_loop3A_508 : vector<16xf32>
        %parallel_loop3A_510 = arith.constant 112 : i32
        %parallel_loop3A_511 = arith.addi %parallel_loop3A_467, %parallel_loop3A_510 : i32
        %parallel_loop3A_512 = arith.index_cast %parallel_loop3A_511 : i32 to index
        %parallel_loop3A_513 = tpu.vector_load %arg7[%parallel_loop3A_512] {strides = array<i32>} : memref<65536xf32, #tpu.memory_space<vmem>>, vector<16xf32>,
        %parallel_loop3A_514 = vector.shape_cast %parallel_loop3A_513 : vector<16xf32> to vector<16xf32>
        %parallel_loop3A_515 = arith.addf %parallel_loop3A_461, %parallel_loop3A_514 : vector<16xf32>
        %parallel_loop3A_516 = vector.extract_strided_slice %parallel_loop3A_415 {offsets = [2], sizes = [1], strides = [1]} : vector<16xi32> to vector<1xi32>
        %parallel_loop3A_517 = vector.extract %parallel_loop3A_516[0] : i32 from vector<1xi32>
        %parallel_loop3A_518 = arith.constant 128 : i32
        %parallel_loop3A_519 = arith.addi %parallel_loop3A_517, %parallel_loop3A_518 : i32
        %parallel_loop3A_520 = arith.constant 128 : i32
        %parallel_loop3A_521 = arith.muli %parallel_loop3A_519, %parallel_loop3A_520 : i32
        %parallel_loop3A_522 = arith.constant 0 : i32
        %parallel_loop3A_523 = arith.addi %parallel_loop3A_521, %parallel_loop3A_522 : i32
        %parallel_loop3A_524 = arith.index_cast %parallel_loop3A_523 : i32 to index
        %parallel_loop3A_525 = tpu.vector_load %arg7[%parallel_loop3A_524] {strides = array<i32>} : memref<65536xf32, #tpu.memory_space<vmem>>, vector<16xf32>,
        %parallel_loop3A_526 = vector.shape_cast %parallel_loop3A_525 : vector<16xf32> to vector<16xf32>
        %parallel_loop3A_527 = arith.addf %parallel_loop3A_473, %parallel_loop3A_526 : vector<16xf32>
        %parallel_loop3A_528 = arith.constant 16 : i32
        %parallel_loop3A_529 = arith.addi %parallel_loop3A_521, %parallel_loop3A_528 : i32
        %parallel_loop3A_530 = arith.index_cast %parallel_loop3A_529 : i32 to index
        %parallel_loop3A_531 = tpu.vector_load %arg7[%parallel_loop3A_530] {strides = array<i32>} : memref<65536xf32, #tpu.memory_space<vmem>>, vector<16xf32>,
        %parallel_loop3A_532 = vector.shape_cast %parallel_loop3A_531 : vector<16xf32> to vector<16xf32>
        %parallel_loop3A_533 = arith.addf %parallel_loop3A_479, %parallel_loop3A_532 : vector<16xf32>
        %parallel_loop3A_534 = arith.constant 32 : i32
        %parallel_loop3A_535 = arith.addi %parallel_loop3A_521, %parallel_loop3A_534 : i32
        %parallel_loop3A_536 = arith.index_cast %parallel_loop3A_535 : i32 to index
        %parallel_loop3A_537 = tpu.vector_load %arg7[%parallel_loop3A_536] {strides = array<i32>} : memref<65536xf32, #tpu.memory_space<vmem>>, vector<16xf32>,
        %parallel_loop3A_538 = vector.shape_cast %parallel_loop3A_537 : vector<16xf32> to vector<16xf32>
        %parallel_loop3A_539 = arith.addf %parallel_loop3A_485, %parallel_loop3A_538 : vector<16xf32>
        %parallel_loop3A_540 = arith.constant 48 : i32
        %parallel_loop3A_541 = arith.addi %parallel_loop3A_521, %parallel_loop3A_540 : i32
        %parallel_loop3A_542 = arith.index_cast %parallel_loop3A_541 : i32 to index
        %parallel_loop3A_543 = tpu.vector_load %arg7[%parallel_loop3A_542] {strides = array<i32>} : memref<65536xf32, #tpu.memory_space<vmem>>, vector<16xf32>,
        %parallel_loop3A_544 = vector.shape_cast %parallel_loop3A_543 : vector<16xf32> to vector<16xf32>
        %parallel_loop3A_545 = arith.addf %parallel_loop3A_491, %parallel_loop3A_544 : vector<16xf32>
        %parallel_loop3A_546 = arith.constant 64 : i32
        %parallel_loop3A_547 = arith.addi %parallel_loop3A_521, %parallel_loop3A_546 : i32
        %parallel_loop3A_548 = arith.index_cast %parallel_loop3A_547 : i32 to index
        %parallel_loop3A_549 = tpu.vector_load %arg7[%parallel_loop3A_548] {strides = array<i32>} : memref<65536xf32, #tpu.memory_space<vmem>>, vector<16xf32>,
        %parallel_loop3A_550 = vector.shape_cast %parallel_loop3A_549 : vector<16xf32> to vector<16xf32>
        %parallel_loop3A_551 = arith.addf %parallel_loop3A_497, %parallel_loop3A_550 : vector<16xf32>
        %parallel_loop3A_552 = arith.constant 80 : i32
        %parallel_loop3A_553 = arith.addi %parallel_loop3A_521, %parallel_loop3A_552 : i32
        %parallel_loop3A_554 = arith.index_cast %parallel_loop3A_553 : i32 to index
        %parallel_loop3A_555 = tpu.vector_load %arg7[%parallel_loop3A_554] {strides = array<i32>} : memref<65536xf32, #tpu.memory_space<vmem>>, vector<16xf32>,
        %parallel_loop3A_556 = vector.shape_cast %parallel_loop3A_555 : vector<16xf32> to vector<16xf32>
        %parallel_loop3A_557 = arith.addf %parallel_loop3A_503, %parallel_loop3A_556 : vector<16xf32>
        %parallel_loop3A_558 = arith.constant 96 : i32
        %parallel_loop3A_559 = arith.addi %parallel_loop3A_521, %parallel_loop3A_558 : i32
        %parallel_loop3A_560 = arith.index_cast %parallel_loop3A_559 : i32 to index
        %parallel_loop3A_561 = tpu.vector_load %arg7[%parallel_loop3A_560] {strides = array<i32>} : memref<65536xf32, #tpu.memory_space<vmem>>, vector<16xf32>,
        %parallel_loop3A_562 = vector.shape_cast %parallel_loop3A_561 : vector<16xf32> to vector<16xf32>
        %parallel_loop3A_563 = arith.addf %parallel_loop3A_509, %parallel_loop3A_562 : vector<16xf32>
        %parallel_loop3A_564 = arith.constant 112 : i32
        %parallel_loop3A_565 = arith.addi %parallel_loop3A_521, %parallel_loop3A_564 : i32
        %parallel_loop3A_566 = arith.index_cast %parallel_loop3A_565 : i32 to index
        %parallel_loop3A_567 = tpu.vector_load %arg7[%parallel_loop3A_566] {strides = array<i32>} : memref<65536xf32, #tpu.memory_space<vmem>>, vector<16xf32>,
        %parallel_loop3A_568 = vector.shape_cast %parallel_loop3A_567 : vector<16xf32> to vector<16xf32>
        %parallel_loop3A_569 = arith.addf %parallel_loop3A_515, %parallel_loop3A_568 : vector<16xf32>
        %parallel_loop3A_570 = vector.extract_strided_slice %parallel_loop3A_415 {offsets = [3], sizes = [1], strides = [1]} : vector<16xi32> to vector<1xi32>
        %parallel_loop3A_571 = vector.extract %parallel_loop3A_570[0] : i32 from vector<1xi32>
        %parallel_loop3A_572 = arith.constant 192 : i32
        %parallel_loop3A_573 = arith.addi %parallel_loop3A_571, %parallel_loop3A_572 : i32
        %parallel_loop3A_574 = arith.constant 128 : i32
        %parallel_loop3A_575 = arith.muli %parallel_loop3A_573, %parallel_loop3A_574 : i32
        %parallel_loop3A_576 = arith.constant 0 : i32
        %parallel_loop3A_577 = arith.addi %parallel_loop3A_575, %parallel_loop3A_576 : i32
        %parallel_loop3A_578 = arith.index_cast %parallel_loop3A_577 : i32 to index
        %parallel_loop3A_579 = tpu.vector_load %arg7[%parallel_loop3A_578] {strides = array<i32>} : memref<65536xf32, #tpu.memory_space<vmem>>, vector<16xf32>,
        %parallel_loop3A_580 = vector.shape_cast %parallel_loop3A_579 : vector<16xf32> to vector<16xf32>
        %parallel_loop3A_581 = arith.addf %parallel_loop3A_527, %parallel_loop3A_580 : vector<16xf32>
        %parallel_loop3A_582 = arith.constant 16 : i32
        %parallel_loop3A_583 = arith.addi %parallel_loop3A_575, %parallel_loop3A_582 : i32
        %parallel_loop3A_584 = arith.index_cast %parallel_loop3A_583 : i32 to index
        %parallel_loop3A_585 = tpu.vector_load %arg7[%parallel_loop3A_584] {strides = array<i32>} : memref<65536xf32, #tpu.memory_space<vmem>>, vector<16xf32>,
        %parallel_loop3A_586 = vector.shape_cast %parallel_loop3A_585 : vector<16xf32> to vector<16xf32>
        %parallel_loop3A_587 = arith.addf %parallel_loop3A_533, %parallel_loop3A_586 : vector<16xf32>
        %parallel_loop3A_588 = arith.constant 32 : i32
        %parallel_loop3A_589 = arith.addi %parallel_loop3A_575, %parallel_loop3A_588 : i32
        %parallel_loop3A_590 = arith.index_cast %parallel_loop3A_589 : i32 to index
        %parallel_loop3A_591 = tpu.vector_load %arg7[%parallel_loop3A_590] {strides = array<i32>} : memref<65536xf32, #tpu.memory_space<vmem>>, vector<16xf32>,
        %parallel_loop3A_592 = vector.shape_cast %parallel_loop3A_591 : vector<16xf32> to vector<16xf32>
        %parallel_loop3A_593 = arith.addf %parallel_loop3A_539, %parallel_loop3A_592 : vector<16xf32>
        %parallel_loop3A_594 = arith.constant 48 : i32
        %parallel_loop3A_595 = arith.addi %parallel_loop3A_575, %parallel_loop3A_594 : i32
        %parallel_loop3A_596 = arith.index_cast %parallel_loop3A_595 : i32 to index
        %parallel_loop3A_597 = tpu.vector_load %arg7[%parallel_loop3A_596] {strides = array<i32>} : memref<65536xf32, #tpu.memory_space<vmem>>, vector<16xf32>,
        %parallel_loop3A_598 = vector.shape_cast %parallel_loop3A_597 : vector<16xf32> to vector<16xf32>
        %parallel_loop3A_599 = arith.addf %parallel_loop3A_545, %parallel_loop3A_598 : vector<16xf32>
        %parallel_loop3A_600 = arith.constant 64 : i32
        %parallel_loop3A_601 = arith.addi %parallel_loop3A_575, %parallel_loop3A_600 : i32
        %parallel_loop3A_602 = arith.index_cast %parallel_loop3A_601 : i32 to index
        %parallel_loop3A_603 = tpu.vector_load %arg7[%parallel_loop3A_602] {strides = array<i32>} : memref<65536xf32, #tpu.memory_space<vmem>>, vector<16xf32>,
        %parallel_loop3A_604 = vector.shape_cast %parallel_loop3A_603 : vector<16xf32> to vector<16xf32>
        %parallel_loop3A_605 = arith.addf %parallel_loop3A_551, %parallel_loop3A_604 : vector<16xf32>
        %parallel_loop3A_606 = arith.constant 80 : i32
        %parallel_loop3A_607 = arith.addi %parallel_loop3A_575, %parallel_loop3A_606 : i32
        %parallel_loop3A_608 = arith.index_cast %parallel_loop3A_607 : i32 to index
        %parallel_loop3A_609 = tpu.vector_load %arg7[%parallel_loop3A_608] {strides = array<i32>} : memref<65536xf32, #tpu.memory_space<vmem>>, vector<16xf32>,
        %parallel_loop3A_610 = vector.shape_cast %parallel_loop3A_609 : vector<16xf32> to vector<16xf32>
        %parallel_loop3A_611 = arith.addf %parallel_loop3A_557, %parallel_loop3A_610 : vector<16xf32>
        %parallel_loop3A_612 = arith.constant 96 : i32
        %parallel_loop3A_613 = arith.addi %parallel_loop3A_575, %parallel_loop3A_612 : i32
        %parallel_loop3A_614 = arith.index_cast %parallel_loop3A_613 : i32 to index
        %parallel_loop3A_615 = tpu.vector_load %arg7[%parallel_loop3A_614] {strides = array<i32>} : memref<65536xf32, #tpu.memory_space<vmem>>, vector<16xf32>,
        %parallel_loop3A_616 = vector.shape_cast %parallel_loop3A_615 : vector<16xf32> to vector<16xf32>
        %parallel_loop3A_617 = arith.addf %parallel_loop3A_563, %parallel_loop3A_616 : vector<16xf32>
        %parallel_loop3A_618 = arith.constant 112 : i32
        %parallel_loop3A_619 = arith.addi %parallel_loop3A_575, %parallel_loop3A_618 : i32
        %parallel_loop3A_620 = arith.index_cast %parallel_loop3A_619 : i32 to index
        %parallel_loop3A_621 = tpu.vector_load %arg7[%parallel_loop3A_620] {strides = array<i32>} : memref<65536xf32, #tpu.memory_space<vmem>>, vector<16xf32>,
        %parallel_loop3A_622 = vector.shape_cast %parallel_loop3A_621 : vector<16xf32> to vector<16xf32>
        %parallel_loop3A_623 = arith.addf %parallel_loop3A_569, %parallel_loop3A_622 : vector<16xf32>
        %parallel_loop3A_624 = vector.extract_strided_slice %parallel_loop3A_415 {offsets = [4], sizes = [1], strides = [1]} : vector<16xi32> to vector<1xi32>
        %parallel_loop3A_625 = vector.extract %parallel_loop3A_624[0] : i32 from vector<1xi32>
        %parallel_loop3A_626 = arith.constant 256 : i32
        %parallel_loop3A_627 = arith.addi %parallel_loop3A_625, %parallel_loop3A_626 : i32
        %parallel_loop3A_628 = arith.constant 128 : i32
        %parallel_loop3A_629 = arith.muli %parallel_loop3A_627, %parallel_loop3A_628 : i32
        %parallel_loop3A_630 = arith.constant 0 : i32
        %parallel_loop3A_631 = arith.addi %parallel_loop3A_629, %parallel_loop3A_630 : i32
        %parallel_loop3A_632 = arith.index_cast %parallel_loop3A_631 : i32 to index
        %parallel_loop3A_633 = tpu.vector_load %arg7[%parallel_loop3A_632] {strides = array<i32>} : memref<65536xf32, #tpu.memory_space<vmem>>, vector<16xf32>,
        %parallel_loop3A_634 = vector.shape_cast %parallel_loop3A_633 : vector<16xf32> to vector<16xf32>
        %parallel_loop3A_635 = arith.addf %parallel_loop3A_581, %parallel_loop3A_634 : vector<16xf32>
        %parallel_loop3A_636 = arith.constant 16 : i32
        %parallel_loop3A_637 = arith.addi %parallel_loop3A_629, %parallel_loop3A_636 : i32
        %parallel_loop3A_638 = arith.index_cast %parallel_loop3A_637 : i32 to index
        %parallel_loop3A_639 = tpu.vector_load %arg7[%parallel_loop3A_638] {strides = array<i32>} : memref<65536xf32, #tpu.memory_space<vmem>>, vector<16xf32>,
        %parallel_loop3A_640 = vector.shape_cast %parallel_loop3A_639 : vector<16xf32> to vector<16xf32>
        %parallel_loop3A_641 = arith.addf %parallel_loop3A_587, %parallel_loop3A_640 : vector<16xf32>
        %parallel_loop3A_642 = arith.constant 32 : i32
        %parallel_loop3A_643 = arith.addi %parallel_loop3A_629, %parallel_loop3A_642 : i32
        %parallel_loop3A_644 = arith.index_cast %parallel_loop3A_643 : i32 to index
        %parallel_loop3A_645 = tpu.vector_load %arg7[%parallel_loop3A_644] {strides = array<i32>} : memref<65536xf32, #tpu.memory_space<vmem>>, vector<16xf32>,
        %parallel_loop3A_646 = vector.shape_cast %parallel_loop3A_645 : vector<16xf32> to vector<16xf32>
        %parallel_loop3A_647 = arith.addf %parallel_loop3A_593, %parallel_loop3A_646 : vector<16xf32>
        %parallel_loop3A_648 = arith.constant 48 : i32
        %parallel_loop3A_649 = arith.addi %parallel_loop3A_629, %parallel_loop3A_648 : i32
        %parallel_loop3A_650 = arith.index_cast %parallel_loop3A_649 : i32 to index
        %parallel_loop3A_651 = tpu.vector_load %arg7[%parallel_loop3A_650] {strides = array<i32>} : memref<65536xf32, #tpu.memory_space<vmem>>, vector<16xf32>,
        %parallel_loop3A_652 = vector.shape_cast %parallel_loop3A_651 : vector<16xf32> to vector<16xf32>
        %parallel_loop3A_653 = arith.addf %parallel_loop3A_599, %parallel_loop3A_652 : vector<16xf32>
        %parallel_loop3A_654 = arith.constant 64 : i32
        %parallel_loop3A_655 = arith.addi %parallel_loop3A_629, %parallel_loop3A_654 : i32
        %parallel_loop3A_656 = arith.index_cast %parallel_loop3A_655 : i32 to index
        %parallel_loop3A_657 = tpu.vector_load %arg7[%parallel_loop3A_656] {strides = array<i32>} : memref<65536xf32, #tpu.memory_space<vmem>>, vector<16xf32>,
        %parallel_loop3A_658 = vector.shape_cast %parallel_loop3A_657 : vector<16xf32> to vector<16xf32>
        %parallel_loop3A_659 = arith.addf %parallel_loop3A_605, %parallel_loop3A_658 : vector<16xf32>
        %parallel_loop3A_660 = arith.constant 80 : i32
        %parallel_loop3A_661 = arith.addi %parallel_loop3A_629, %parallel_loop3A_660 : i32
        %parallel_loop3A_662 = arith.index_cast %parallel_loop3A_661 : i32 to index
        %parallel_loop3A_663 = tpu.vector_load %arg7[%parallel_loop3A_662] {strides = array<i32>} : memref<65536xf32, #tpu.memory_space<vmem>>, vector<16xf32>,
        %parallel_loop3A_664 = vector.shape_cast %parallel_loop3A_663 : vector<16xf32> to vector<16xf32>
        %parallel_loop3A_665 = arith.addf %parallel_loop3A_611, %parallel_loop3A_664 : vector<16xf32>
        %parallel_loop3A_666 = arith.constant 96 : i32
        %parallel_loop3A_667 = arith.addi %parallel_loop3A_629, %parallel_loop3A_666 : i32
        %parallel_loop3A_668 = arith.index_cast %parallel_loop3A_667 : i32 to index
        %parallel_loop3A_669 = tpu.vector_load %arg7[%parallel_loop3A_668] {strides = array<i32>} : memref<65536xf32, #tpu.memory_space<vmem>>, vector<16xf32>,
        %parallel_loop3A_670 = vector.shape_cast %parallel_loop3A_669 : vector<16xf32> to vector<16xf32>
        %parallel_loop3A_671 = arith.addf %parallel_loop3A_617, %parallel_loop3A_670 : vector<16xf32>
        %parallel_loop3A_672 = arith.constant 112 : i32
        %parallel_loop3A_673 = arith.addi %parallel_loop3A_629, %parallel_loop3A_672 : i32
        %parallel_loop3A_674 = arith.index_cast %parallel_loop3A_673 : i32 to index
        %parallel_loop3A_675 = tpu.vector_load %arg7[%parallel_loop3A_674] {strides = array<i32>} : memref<65536xf32, #tpu.memory_space<vmem>>, vector<16xf32>,
        %parallel_loop3A_676 = vector.shape_cast %parallel_loop3A_675 : vector<16xf32> to vector<16xf32>
        %parallel_loop3A_677 = arith.addf %parallel_loop3A_623, %parallel_loop3A_676 : vector<16xf32>
        %parallel_loop3A_678 = vector.extract_strided_slice %parallel_loop3A_415 {offsets = [5], sizes = [1], strides = [1]} : vector<16xi32> to vector<1xi32>
        %parallel_loop3A_679 = vector.extract %parallel_loop3A_678[0] : i32 from vector<1xi32>
        %parallel_loop3A_680 = arith.constant 320 : i32
        %parallel_loop3A_681 = arith.addi %parallel_loop3A_679, %parallel_loop3A_680 : i32
        %parallel_loop3A_682 = arith.constant 128 : i32
        %parallel_loop3A_683 = arith.muli %parallel_loop3A_681, %parallel_loop3A_682 : i32
        %parallel_loop3A_684 = arith.constant 0 : i32
        %parallel_loop3A_685 = arith.addi %parallel_loop3A_683, %parallel_loop3A_684 : i32
        %parallel_loop3A_686 = arith.index_cast %parallel_loop3A_685 : i32 to index
        %parallel_loop3A_687 = tpu.vector_load %arg7[%parallel_loop3A_686] {strides = array<i32>} : memref<65536xf32, #tpu.memory_space<vmem>>, vector<16xf32>,
        %parallel_loop3A_688 = vector.shape_cast %parallel_loop3A_687 : vector<16xf32> to vector<16xf32>
        %parallel_loop3A_689 = arith.addf %parallel_loop3A_635, %parallel_loop3A_688 : vector<16xf32>
        %parallel_loop3A_690 = arith.constant 16 : i32
        %parallel_loop3A_691 = arith.addi %parallel_loop3A_683, %parallel_loop3A_690 : i32
        %parallel_loop3A_692 = arith.index_cast %parallel_loop3A_691 : i32 to index
        %parallel_loop3A_693 = tpu.vector_load %arg7[%parallel_loop3A_692] {strides = array<i32>} : memref<65536xf32, #tpu.memory_space<vmem>>, vector<16xf32>,
        %parallel_loop3A_694 = vector.shape_cast %parallel_loop3A_693 : vector<16xf32> to vector<16xf32>
        %parallel_loop3A_695 = arith.addf %parallel_loop3A_641, %parallel_loop3A_694 : vector<16xf32>
        %parallel_loop3A_696 = arith.constant 32 : i32
        %parallel_loop3A_697 = arith.addi %parallel_loop3A_683, %parallel_loop3A_696 : i32
        %parallel_loop3A_698 = arith.index_cast %parallel_loop3A_697 : i32 to index
        %parallel_loop3A_699 = tpu.vector_load %arg7[%parallel_loop3A_698] {strides = array<i32>} : memref<65536xf32, #tpu.memory_space<vmem>>, vector<16xf32>,
        %parallel_loop3A_700 = vector.shape_cast %parallel_loop3A_699 : vector<16xf32> to vector<16xf32>
        %parallel_loop3A_701 = arith.addf %parallel_loop3A_647, %parallel_loop3A_700 : vector<16xf32>
        %parallel_loop3A_702 = arith.constant 48 : i32
        %parallel_loop3A_703 = arith.addi %parallel_loop3A_683, %parallel_loop3A_702 : i32
        %parallel_loop3A_704 = arith.index_cast %parallel_loop3A_703 : i32 to index
        %parallel_loop3A_705 = tpu.vector_load %arg7[%parallel_loop3A_704] {strides = array<i32>} : memref<65536xf32, #tpu.memory_space<vmem>>, vector<16xf32>,
        %parallel_loop3A_706 = vector.shape_cast %parallel_loop3A_705 : vector<16xf32> to vector<16xf32>
        %parallel_loop3A_707 = arith.addf %parallel_loop3A_653, %parallel_loop3A_706 : vector<16xf32>
        %parallel_loop3A_708 = arith.constant 64 : i32
        %parallel_loop3A_709 = arith.addi %parallel_loop3A_683, %parallel_loop3A_708 : i32
        %parallel_loop3A_710 = arith.index_cast %parallel_loop3A_709 : i32 to index
        %parallel_loop3A_711 = tpu.vector_load %arg7[%parallel_loop3A_710] {strides = array<i32>} : memref<65536xf32, #tpu.memory_space<vmem>>, vector<16xf32>,
        %parallel_loop3A_712 = vector.shape_cast %parallel_loop3A_711 : vector<16xf32> to vector<16xf32>
        %parallel_loop3A_713 = arith.addf %parallel_loop3A_659, %parallel_loop3A_712 : vector<16xf32>
        %parallel_loop3A_714 = arith.constant 80 : i32
        %parallel_loop3A_715 = arith.addi %parallel_loop3A_683, %parallel_loop3A_714 : i32
        %parallel_loop3A_716 = arith.index_cast %parallel_loop3A_715 : i32 to index
        %parallel_loop3A_717 = tpu.vector_load %arg7[%parallel_loop3A_716] {strides = array<i32>} : memref<65536xf32, #tpu.memory_space<vmem>>, vector<16xf32>,
        %parallel_loop3A_718 = vector.shape_cast %parallel_loop3A_717 : vector<16xf32> to vector<16xf32>
        %parallel_loop3A_719 = arith.addf %parallel_loop3A_665, %parallel_loop3A_718 : vector<16xf32>
        %parallel_loop3A_720 = arith.constant 96 : i32
        %parallel_loop3A_721 = arith.addi %parallel_loop3A_683, %parallel_loop3A_720 : i32
        %parallel_loop3A_722 = arith.index_cast %parallel_loop3A_721 : i32 to index
        %parallel_loop3A_723 = tpu.vector_load %arg7[%parallel_loop3A_722] {strides = array<i32>} : memref<65536xf32, #tpu.memory_space<vmem>>, vector<16xf32>,
        %parallel_loop3A_724 = vector.shape_cast %parallel_loop3A_723 : vector<16xf32> to vector<16xf32>
        %parallel_loop3A_725 = arith.addf %parallel_loop3A_671, %parallel_loop3A_724 : vector<16xf32>
        %parallel_loop3A_726 = arith.constant 112 : i32
        %parallel_loop3A_727 = arith.addi %parallel_loop3A_683, %parallel_loop3A_726 : i32
        %parallel_loop3A_728 = arith.index_cast %parallel_loop3A_727 : i32 to index
        %parallel_loop3A_729 = tpu.vector_load %arg7[%parallel_loop3A_728] {strides = array<i32>} : memref<65536xf32, #tpu.memory_space<vmem>>, vector<16xf32>,
        %parallel_loop3A_730 = vector.shape_cast %parallel_loop3A_729 : vector<16xf32> to vector<16xf32>
        %parallel_loop3A_731 = arith.addf %parallel_loop3A_677, %parallel_loop3A_730 : vector<16xf32>
        %parallel_loop3A_732 = vector.extract_strided_slice %parallel_loop3A_415 {offsets = [6], sizes = [1], strides = [1]} : vector<16xi32> to vector<1xi32>
        %parallel_loop3A_733 = vector.extract %parallel_loop3A_732[0] : i32 from vector<1xi32>
        %parallel_loop3A_734 = arith.constant 384 : i32
        %parallel_loop3A_735 = arith.addi %parallel_loop3A_733, %parallel_loop3A_734 : i32
        %parallel_loop3A_736 = arith.constant 128 : i32
        %parallel_loop3A_737 = arith.muli %parallel_loop3A_735, %parallel_loop3A_736 : i32
        %parallel_loop3A_738 = arith.constant 0 : i32
        %parallel_loop3A_739 = arith.addi %parallel_loop3A_737, %parallel_loop3A_738 : i32
        %parallel_loop3A_740 = arith.index_cast %parallel_loop3A_739 : i32 to index
        %parallel_loop3A_741 = tpu.vector_load %arg7[%parallel_loop3A_740] {strides = array<i32>} : memref<65536xf32, #tpu.memory_space<vmem>>, vector<16xf32>,
        %parallel_loop3A_742 = vector.shape_cast %parallel_loop3A_741 : vector<16xf32> to vector<16xf32>
        %parallel_loop3A_743 = arith.addf %parallel_loop3A_689, %parallel_loop3A_742 : vector<16xf32>
        %parallel_loop3A_744 = arith.constant 16 : i32
        %parallel_loop3A_745 = arith.addi %parallel_loop3A_737, %parallel_loop3A_744 : i32
        %parallel_loop3A_746 = arith.index_cast %parallel_loop3A_745 : i32 to index
        %parallel_loop3A_747 = tpu.vector_load %arg7[%parallel_loop3A_746] {strides = array<i32>} : memref<65536xf32, #tpu.memory_space<vmem>>, vector<16xf32>,
        %parallel_loop3A_748 = vector.shape_cast %parallel_loop3A_747 : vector<16xf32> to vector<16xf32>
        %parallel_loop3A_749 = arith.addf %parallel_loop3A_695, %parallel_loop3A_748 : vector<16xf32>
        %parallel_loop3A_750 = arith.constant 32 : i32
        %parallel_loop3A_751 = arith.addi %parallel_loop3A_737, %parallel_loop3A_750 : i32
        %parallel_loop3A_752 = arith.index_cast %parallel_loop3A_751 : i32 to index
        %parallel_loop3A_753 = tpu.vector_load %arg7[%parallel_loop3A_752] {strides = array<i32>} : memref<65536xf32, #tpu.memory_space<vmem>>, vector<16xf32>,
        %parallel_loop3A_754 = vector.shape_cast %parallel_loop3A_753 : vector<16xf32> to vector<16xf32>
        %parallel_loop3A_755 = arith.addf %parallel_loop3A_701, %parallel_loop3A_754 : vector<16xf32>
        %parallel_loop3A_756 = arith.constant 48 : i32
        %parallel_loop3A_757 = arith.addi %parallel_loop3A_737, %parallel_loop3A_756 : i32
        %parallel_loop3A_758 = arith.index_cast %parallel_loop3A_757 : i32 to index
        %parallel_loop3A_759 = tpu.vector_load %arg7[%parallel_loop3A_758] {strides = array<i32>} : memref<65536xf32, #tpu.memory_space<vmem>>, vector<16xf32>,
        %parallel_loop3A_760 = vector.shape_cast %parallel_loop3A_759 : vector<16xf32> to vector<16xf32>
        %parallel_loop3A_761 = arith.addf %parallel_loop3A_707, %parallel_loop3A_760 : vector<16xf32>
        %parallel_loop3A_762 = arith.constant 64 : i32
        %parallel_loop3A_763 = arith.addi %parallel_loop3A_737, %parallel_loop3A_762 : i32
        %parallel_loop3A_764 = arith.index_cast %parallel_loop3A_763 : i32 to index
        %parallel_loop3A_765 = tpu.vector_load %arg7[%parallel_loop3A_764] {strides = array<i32>} : memref<65536xf32, #tpu.memory_space<vmem>>, vector<16xf32>,
        %parallel_loop3A_766 = vector.shape_cast %parallel_loop3A_765 : vector<16xf32> to vector<16xf32>
        %parallel_loop3A_767 = arith.addf %parallel_loop3A_713, %parallel_loop3A_766 : vector<16xf32>
        %parallel_loop3A_768 = arith.constant 80 : i32
        %parallel_loop3A_769 = arith.addi %parallel_loop3A_737, %parallel_loop3A_768 : i32
        %parallel_loop3A_770 = arith.index_cast %parallel_loop3A_769 : i32 to index
        %parallel_loop3A_771 = tpu.vector_load %arg7[%parallel_loop3A_770] {strides = array<i32>} : memref<65536xf32, #tpu.memory_space<vmem>>, vector<16xf32>,
        %parallel_loop3A_772 = vector.shape_cast %parallel_loop3A_771 : vector<16xf32> to vector<16xf32>
        %parallel_loop3A_773 = arith.addf %parallel_loop3A_719, %parallel_loop3A_772 : vector<16xf32>
        %parallel_loop3A_774 = arith.constant 96 : i32
        %parallel_loop3A_775 = arith.addi %parallel_loop3A_737, %parallel_loop3A_774 : i32
        %parallel_loop3A_776 = arith.index_cast %parallel_loop3A_775 : i32 to index
        %parallel_loop3A_777 = tpu.vector_load %arg7[%parallel_loop3A_776] {strides = array<i32>} : memref<65536xf32, #tpu.memory_space<vmem>>, vector<16xf32>,
        %parallel_loop3A_778 = vector.shape_cast %parallel_loop3A_777 : vector<16xf32> to vector<16xf32>
        %parallel_loop3A_779 = arith.addf %parallel_loop3A_725, %parallel_loop3A_778 : vector<16xf32>
        %parallel_loop3A_780 = arith.constant 112 : i32
        %parallel_loop3A_781 = arith.addi %parallel_loop3A_737, %parallel_loop3A_780 : i32
        %parallel_loop3A_782 = arith.index_cast %parallel_loop3A_781 : i32 to index
        %parallel_loop3A_783 = tpu.vector_load %arg7[%parallel_loop3A_782] {strides = array<i32>} : memref<65536xf32, #tpu.memory_space<vmem>>, vector<16xf32>,
        %parallel_loop3A_784 = vector.shape_cast %parallel_loop3A_783 : vector<16xf32> to vector<16xf32>
        %parallel_loop3A_785 = arith.addf %parallel_loop3A_731, %parallel_loop3A_784 : vector<16xf32>
        %parallel_loop3A_786 = vector.extract_strided_slice %parallel_loop3A_415 {offsets = [7], sizes = [1], strides = [1]} : vector<16xi32> to vector<1xi32>
        %parallel_loop3A_787 = vector.extract %parallel_loop3A_786[0] : i32 from vector<1xi32>
        %parallel_loop3A_788 = arith.constant 448 : i32
        %parallel_loop3A_789 = arith.addi %parallel_loop3A_787, %parallel_loop3A_788 : i32
        %parallel_loop3A_790 = arith.constant 128 : i32
        %parallel_loop3A_791 = arith.muli %parallel_loop3A_789, %parallel_loop3A_790 : i32
        %parallel_loop3A_792 = arith.constant 0 : i32
        %parallel_loop3A_793 = arith.addi %parallel_loop3A_791, %parallel_loop3A_792 : i32
        %parallel_loop3A_794 = arith.index_cast %parallel_loop3A_793 : i32 to index
        %parallel_loop3A_795 = tpu.vector_load %arg7[%parallel_loop3A_794] {strides = array<i32>} : memref<65536xf32, #tpu.memory_space<vmem>>, vector<16xf32>,
        %parallel_loop3A_796 = vector.shape_cast %parallel_loop3A_795 : vector<16xf32> to vector<16xf32>
        %parallel_loop3A_797 = arith.addf %parallel_loop3A_743, %parallel_loop3A_796 : vector<16xf32>
        %parallel_loop3A_798 = arith.constant 16 : i32
        %parallel_loop3A_799 = arith.addi %parallel_loop3A_791, %parallel_loop3A_798 : i32
        %parallel_loop3A_800 = arith.index_cast %parallel_loop3A_799 : i32 to index
        %parallel_loop3A_801 = tpu.vector_load %arg7[%parallel_loop3A_800] {strides = array<i32>} : memref<65536xf32, #tpu.memory_space<vmem>>, vector<16xf32>,
        %parallel_loop3A_802 = vector.shape_cast %parallel_loop3A_801 : vector<16xf32> to vector<16xf32>
        %parallel_loop3A_803 = arith.addf %parallel_loop3A_749, %parallel_loop3A_802 : vector<16xf32>
        %parallel_loop3A_804 = arith.constant 32 : i32
        %parallel_loop3A_805 = arith.addi %parallel_loop3A_791, %parallel_loop3A_804 : i32
        %parallel_loop3A_806 = arith.index_cast %parallel_loop3A_805 : i32 to index
        %parallel_loop3A_807 = tpu.vector_load %arg7[%parallel_loop3A_806] {strides = array<i32>} : memref<65536xf32, #tpu.memory_space<vmem>>, vector<16xf32>,
        %parallel_loop3A_808 = vector.shape_cast %parallel_loop3A_807 : vector<16xf32> to vector<16xf32>
        %parallel_loop3A_809 = arith.addf %parallel_loop3A_755, %parallel_loop3A_808 : vector<16xf32>
        %parallel_loop3A_810 = arith.constant 48 : i32
        %parallel_loop3A_811 = arith.addi %parallel_loop3A_791, %parallel_loop3A_810 : i32
        %parallel_loop3A_812 = arith.index_cast %parallel_loop3A_811 : i32 to index
        %parallel_loop3A_813 = tpu.vector_load %arg7[%parallel_loop3A_812] {strides = array<i32>} : memref<65536xf32, #tpu.memory_space<vmem>>, vector<16xf32>,
        %parallel_loop3A_814 = vector.shape_cast %parallel_loop3A_813 : vector<16xf32> to vector<16xf32>
        %parallel_loop3A_815 = arith.addf %parallel_loop3A_761, %parallel_loop3A_814 : vector<16xf32>
        %parallel_loop3A_816 = arith.constant 64 : i32
        %parallel_loop3A_817 = arith.addi %parallel_loop3A_791, %parallel_loop3A_816 : i32
        %parallel_loop3A_818 = arith.index_cast %parallel_loop3A_817 : i32 to index
        %parallel_loop3A_819 = tpu.vector_load %arg7[%parallel_loop3A_818] {strides = array<i32>} : memref<65536xf32, #tpu.memory_space<vmem>>, vector<16xf32>,
        %parallel_loop3A_820 = vector.shape_cast %parallel_loop3A_819 : vector<16xf32> to vector<16xf32>
        %parallel_loop3A_821 = arith.addf %parallel_loop3A_767, %parallel_loop3A_820 : vector<16xf32>
        %parallel_loop3A_822 = arith.constant 80 : i32
        %parallel_loop3A_823 = arith.addi %parallel_loop3A_791, %parallel_loop3A_822 : i32
        %parallel_loop3A_824 = arith.index_cast %parallel_loop3A_823 : i32 to index
        %parallel_loop3A_825 = tpu.vector_load %arg7[%parallel_loop3A_824] {strides = array<i32>} : memref<65536xf32, #tpu.memory_space<vmem>>, vector<16xf32>,
        %parallel_loop3A_826 = vector.shape_cast %parallel_loop3A_825 : vector<16xf32> to vector<16xf32>
        %parallel_loop3A_827 = arith.addf %parallel_loop3A_773, %parallel_loop3A_826 : vector<16xf32>
        %parallel_loop3A_828 = arith.constant 96 : i32
        %parallel_loop3A_829 = arith.addi %parallel_loop3A_791, %parallel_loop3A_828 : i32
        %parallel_loop3A_830 = arith.index_cast %parallel_loop3A_829 : i32 to index
        %parallel_loop3A_831 = tpu.vector_load %arg7[%parallel_loop3A_830] {strides = array<i32>} : memref<65536xf32, #tpu.memory_space<vmem>>, vector<16xf32>,
        %parallel_loop3A_832 = vector.shape_cast %parallel_loop3A_831 : vector<16xf32> to vector<16xf32>
        %parallel_loop3A_833 = arith.addf %parallel_loop3A_779, %parallel_loop3A_832 : vector<16xf32>
        %parallel_loop3A_834 = arith.constant 112 : i32
        %parallel_loop3A_835 = arith.addi %parallel_loop3A_791, %parallel_loop3A_834 : i32
        %parallel_loop3A_836 = arith.index_cast %parallel_loop3A_835 : i32 to index
        %parallel_loop3A_837 = tpu.vector_load %arg7[%parallel_loop3A_836] {strides = array<i32>} : memref<65536xf32, #tpu.memory_space<vmem>>, vector<16xf32>,
        %parallel_loop3A_838 = vector.shape_cast %parallel_loop3A_837 : vector<16xf32> to vector<16xf32>
        %parallel_loop3A_839 = arith.addf %parallel_loop3A_785, %parallel_loop3A_838 : vector<16xf32>
        %parallel_loop3A_840 = arith.mulf %parallel_loop3A_797, %parallel_loop3A_797 : vector<16xf32>
        %parallel_loop3A_841 = arith.addf %parallel_loop3A_797, %parallel_loop3A_803 : vector<16xf32>
        %parallel_loop3A_842 = arith.mulf %parallel_loop3A_803, %parallel_loop3A_803 : vector<16xf32>
        %parallel_loop3A_843 = arith.addf %parallel_loop3A_840, %parallel_loop3A_842 : vector<16xf32>
        %parallel_loop3A_844 = arith.addf %parallel_loop3A_841, %parallel_loop3A_809 : vector<16xf32>
        %parallel_loop3A_845 = arith.mulf %parallel_loop3A_809, %parallel_loop3A_809 : vector<16xf32>
        %parallel_loop3A_846 = arith.addf %parallel_loop3A_843, %parallel_loop3A_845 : vector<16xf32>
        %parallel_loop3A_847 = arith.addf %parallel_loop3A_844, %parallel_loop3A_815 : vector<16xf32>
        %parallel_loop3A_848 = arith.mulf %parallel_loop3A_815, %parallel_loop3A_815 : vector<16xf32>
        %parallel_loop3A_849 = arith.addf %parallel_loop3A_846, %parallel_loop3A_848 : vector<16xf32>
        %parallel_loop3A_850 = arith.addf %parallel_loop3A_847, %parallel_loop3A_821 : vector<16xf32>
        %parallel_loop3A_851 = arith.mulf %parallel_loop3A_821, %parallel_loop3A_821 : vector<16xf32>
        %parallel_loop3A_852 = arith.addf %parallel_loop3A_849, %parallel_loop3A_851 : vector<16xf32>
        %parallel_loop3A_853 = arith.addf %parallel_loop3A_850, %parallel_loop3A_827 : vector<16xf32>
        %parallel_loop3A_854 = arith.mulf %parallel_loop3A_827, %parallel_loop3A_827 : vector<16xf32>
        %parallel_loop3A_855 = arith.addf %parallel_loop3A_852, %parallel_loop3A_854 : vector<16xf32>
        %parallel_loop3A_856 = arith.addf %parallel_loop3A_853, %parallel_loop3A_833 : vector<16xf32>
        %parallel_loop3A_857 = arith.mulf %parallel_loop3A_833, %parallel_loop3A_833 : vector<16xf32>
        %parallel_loop3A_858 = arith.addf %parallel_loop3A_855, %parallel_loop3A_857 : vector<16xf32>
        %parallel_loop3A_859 = arith.addf %parallel_loop3A_856, %parallel_loop3A_839 : vector<16xf32>
        %parallel_loop3A_860 = arith.mulf %parallel_loop3A_839, %parallel_loop3A_839 : vector<16xf32>
        %parallel_loop3A_861 = arith.addf %parallel_loop3A_858, %parallel_loop3A_860 : vector<16xf32>
        %parallel_loop3A_862 = tpu.iota {dimensions = array<i32: 0>} : vector<16xi32>
        %parallel_loop3A_863 = arith.constant 8 : i32
        %parallel_loop3A_864 = vector.broadcast %parallel_loop3A_863 : i32 to vector<16xi32>
        %parallel_loop3A_865 = arith.xori %parallel_loop3A_862, %parallel_loop3A_864 : vector<16xi32>
        %parallel_loop3A_866 = vector.shape_cast %parallel_loop3A_865 : vector<16xi32> to vector<16x1xi32>
        %parallel_loop3A_867 = vector.shape_cast %parallel_loop3A_866 : vector<16x1xi32> to vector<16xi32>
        %parallel_loop3A_868 = tpu.dynamic_gather %parallel_loop3A_859[%parallel_loop3A_867] in [0] : vector<16xf32>, vector<16xi32> -> vector<16xf32>
        %parallel_loop3A_869 = arith.addf %parallel_loop3A_859, %parallel_loop3A_868 : vector<16xf32>
        %parallel_loop3A_870 = tpu.iota {dimensions = array<i32: 0>} : vector<16xi32>
        %parallel_loop3A_871 = arith.constant 4 : i32
        %parallel_loop3A_872 = vector.broadcast %parallel_loop3A_871 : i32 to vector<16xi32>
        %parallel_loop3A_873 = arith.xori %parallel_loop3A_870, %parallel_loop3A_872 : vector<16xi32>
        %parallel_loop3A_874 = vector.shape_cast %parallel_loop3A_873 : vector<16xi32> to vector<16x1xi32>
        %parallel_loop3A_875 = vector.shape_cast %parallel_loop3A_874 : vector<16x1xi32> to vector<16xi32>
        %parallel_loop3A_876 = tpu.dynamic_gather %parallel_loop3A_869[%parallel_loop3A_875] in [0] : vector<16xf32>, vector<16xi32> -> vector<16xf32>
        %parallel_loop3A_877 = arith.addf %parallel_loop3A_869, %parallel_loop3A_876 : vector<16xf32>
        %parallel_loop3A_878 = tpu.iota {dimensions = array<i32: 0>} : vector<16xi32>
        %parallel_loop3A_879 = arith.constant 2 : i32
        %parallel_loop3A_880 = vector.broadcast %parallel_loop3A_879 : i32 to vector<16xi32>
        %parallel_loop3A_881 = arith.xori %parallel_loop3A_878, %parallel_loop3A_880 : vector<16xi32>
        %parallel_loop3A_882 = vector.shape_cast %parallel_loop3A_881 : vector<16xi32> to vector<16x1xi32>
        %parallel_loop3A_883 = vector.shape_cast %parallel_loop3A_882 : vector<16x1xi32> to vector<16xi32>
        %parallel_loop3A_884 = tpu.dynamic_gather %parallel_loop3A_877[%parallel_loop3A_883] in [0] : vector<16xf32>, vector<16xi32> -> vector<16xf32>
        %parallel_loop3A_885 = arith.addf %parallel_loop3A_877, %parallel_loop3A_884 : vector<16xf32>
        %parallel_loop3A_886 = tpu.iota {dimensions = array<i32: 0>} : vector<16xi32>
        %parallel_loop3A_887 = arith.constant 1 : i32
        %parallel_loop3A_888 = vector.broadcast %parallel_loop3A_887 : i32 to vector<16xi32>
        %parallel_loop3A_889 = arith.xori %parallel_loop3A_886, %parallel_loop3A_888 : vector<16xi32>
        %parallel_loop3A_890 = vector.shape_cast %parallel_loop3A_889 : vector<16xi32> to vector<16x1xi32>
        %parallel_loop3A_891 = vector.shape_cast %parallel_loop3A_890 : vector<16x1xi32> to vector<16xi32>
        %parallel_loop3A_892 = tpu.dynamic_gather %parallel_loop3A_885[%parallel_loop3A_891] in [0] : vector<16xf32>, vector<16xi32> -> vector<16xf32>
        %parallel_loop3A_893 = arith.addf %parallel_loop3A_885, %parallel_loop3A_892 : vector<16xf32>
        %parallel_loop3A_894 = arith.constant 7.812500e-03 : f32
        %parallel_loop3A_895 = vector.broadcast %parallel_loop3A_894 : f32 to vector<16xf32>
        %parallel_loop3A_896 = arith.mulf %parallel_loop3A_893, %parallel_loop3A_895 : vector<16xf32>
        %parallel_loop3A_897 = tpu.iota {dimensions = array<i32: 0>} : vector<16xi32>
        %parallel_loop3A_898 = arith.constant 8 : i32
        %parallel_loop3A_899 = vector.broadcast %parallel_loop3A_898 : i32 to vector<16xi32>
        %parallel_loop3A_900 = arith.xori %parallel_loop3A_897, %parallel_loop3A_899 : vector<16xi32>
        %parallel_loop3A_901 = vector.shape_cast %parallel_loop3A_900 : vector<16xi32> to vector<16x1xi32>
        %parallel_loop3A_902 = vector.shape_cast %parallel_loop3A_901 : vector<16x1xi32> to vector<16xi32>
        %parallel_loop3A_903 = tpu.dynamic_gather %parallel_loop3A_861[%parallel_loop3A_902] in [0] : vector<16xf32>, vector<16xi32> -> vector<16xf32>
        %parallel_loop3A_904 = arith.addf %parallel_loop3A_861, %parallel_loop3A_903 : vector<16xf32>
        %parallel_loop3A_905 = tpu.iota {dimensions = array<i32: 0>} : vector<16xi32>
        %parallel_loop3A_906 = arith.constant 4 : i32
        %parallel_loop3A_907 = vector.broadcast %parallel_loop3A_906 : i32 to vector<16xi32>
        %parallel_loop3A_908 = arith.xori %parallel_loop3A_905, %parallel_loop3A_907 : vector<16xi32>
        %parallel_loop3A_909 = vector.shape_cast %parallel_loop3A_908 : vector<16xi32> to vector<16x1xi32>
        %parallel_loop3A_910 = vector.shape_cast %parallel_loop3A_909 : vector<16x1xi32> to vector<16xi32>
        %parallel_loop3A_911 = tpu.dynamic_gather %parallel_loop3A_904[%parallel_loop3A_910] in [0] : vector<16xf32>, vector<16xi32> -> vector<16xf32>
        %parallel_loop3A_912 = arith.addf %parallel_loop3A_904, %parallel_loop3A_911 : vector<16xf32>
        %parallel_loop3A_913 = tpu.iota {dimensions = array<i32: 0>} : vector<16xi32>
        %parallel_loop3A_914 = arith.constant 2 : i32
        %parallel_loop3A_915 = vector.broadcast %parallel_loop3A_914 : i32 to vector<16xi32>
        %parallel_loop3A_916 = arith.xori %parallel_loop3A_913, %parallel_loop3A_915 : vector<16xi32>
        %parallel_loop3A_917 = vector.shape_cast %parallel_loop3A_916 : vector<16xi32> to vector<16x1xi32>
        %parallel_loop3A_918 = vector.shape_cast %parallel_loop3A_917 : vector<16x1xi32> to vector<16xi32>
        %parallel_loop3A_919 = tpu.dynamic_gather %parallel_loop3A_912[%parallel_loop3A_918] in [0] : vector<16xf32>, vector<16xi32> -> vector<16xf32>
        %parallel_loop3A_920 = arith.addf %parallel_loop3A_912, %parallel_loop3A_919 : vector<16xf32>
        %parallel_loop3A_921 = tpu.iota {dimensions = array<i32: 0>} : vector<16xi32>
        %parallel_loop3A_922 = arith.constant 1 : i32
        %parallel_loop3A_923 = vector.broadcast %parallel_loop3A_922 : i32 to vector<16xi32>
        %parallel_loop3A_924 = arith.xori %parallel_loop3A_921, %parallel_loop3A_923 : vector<16xi32>
        %parallel_loop3A_925 = vector.shape_cast %parallel_loop3A_924 : vector<16xi32> to vector<16x1xi32>
        %parallel_loop3A_926 = vector.shape_cast %parallel_loop3A_925 : vector<16x1xi32> to vector<16xi32>
        %parallel_loop3A_927 = tpu.dynamic_gather %parallel_loop3A_920[%parallel_loop3A_926] in [0] : vector<16xf32>, vector<16xi32> -> vector<16xf32>
        %parallel_loop3A_928 = arith.addf %parallel_loop3A_920, %parallel_loop3A_927 : vector<16xf32>
        %parallel_loop3A_929 = arith.constant 7.812500e-03 : f32
        %parallel_loop3A_930 = vector.broadcast %parallel_loop3A_929 : f32 to vector<16xf32>
        %parallel_loop3A_931 = arith.mulf %parallel_loop3A_928, %parallel_loop3A_930 : vector<16xf32>
        %parallel_loop3A_932 = arith.mulf %parallel_loop3A_896, %parallel_loop3A_896 : vector<16xf32>
        %parallel_loop3A_933 = arith.subf %parallel_loop3A_931, %parallel_loop3A_932 : vector<16xf32>
        %parallel_loop3A_934 = arith.constant 9.99999974E-6 : f32
        %parallel_loop3A_935 = vector.broadcast %parallel_loop3A_934 : f32 to vector<16xf32>
        %parallel_loop3A_936 = arith.addf %parallel_loop3A_933, %parallel_loop3A_935 : vector<16xf32>
        %parallel_loop3A_937 = vector.extract_strided_slice %parallel_loop3A_936 {offsets = [0], sizes = [1], strides = [1]} : vector<16xf32> to vector<1xf32>
        %parallel_loop3A_938 = vector.extract %parallel_loop3A_937[0] : f32 from vector<1xf32>
        %parallel_loop3A_939 = arith.bitcast %parallel_loop3A_938 : f32 to i32
        %parallel_loop3A_940 = arith.constant 1 : i32
        %parallel_loop3A_941 = arith.shrui %parallel_loop3A_939, %parallel_loop3A_940 : i32
        %parallel_loop3A_942 = arith.constant 1597463007 : i32
        %parallel_loop3A_943 = arith.subi %parallel_loop3A_942, %parallel_loop3A_941 : i32
        %parallel_loop3A_944 = arith.bitcast %parallel_loop3A_943 : i32 to f32
        %parallel_loop3A_945 = arith.constant 5.000000e-01 : f32
        %parallel_loop3A_946 = arith.mulf %parallel_loop3A_945, %parallel_loop3A_938 : f32
        %parallel_loop3A_947 = arith.mulf %parallel_loop3A_946, %parallel_loop3A_944 : f32
        %parallel_loop3A_948 = arith.mulf %parallel_loop3A_947, %parallel_loop3A_944 : f32
        %parallel_loop3A_949 = arith.constant 1.500000e+00 : f32
        %parallel_loop3A_950 = arith.subf %parallel_loop3A_949, %parallel_loop3A_948 : f32
        %parallel_loop3A_951 = arith.mulf %parallel_loop3A_944, %parallel_loop3A_950 : f32
        %parallel_loop3A_952 = arith.constant 5.000000e-01 : f32
        %parallel_loop3A_953 = arith.mulf %parallel_loop3A_952, %parallel_loop3A_938 : f32
        %parallel_loop3A_954 = arith.mulf %parallel_loop3A_953, %parallel_loop3A_951 : f32
        %parallel_loop3A_955 = arith.mulf %parallel_loop3A_954, %parallel_loop3A_951 : f32
        %parallel_loop3A_956 = arith.constant 1.500000e+00 : f32
        %parallel_loop3A_957 = arith.subf %parallel_loop3A_956, %parallel_loop3A_955 : f32
        %parallel_loop3A_958 = arith.mulf %parallel_loop3A_951, %parallel_loop3A_957 : f32
        %parallel_loop3A_959 = vector.broadcast %parallel_loop3A_958 : f32 to vector<16xf32>
        %parallel_loop3A_960 = arith.subf %parallel_loop3A_797, %parallel_loop3A_896 : vector<16xf32>
        %parallel_loop3A_961 = arith.mulf %parallel_loop3A_960, %parallel_loop3A_959 : vector<16xf32>
        %parallel_loop3A_962 = arith.mulf %parallel_loop3A_961, %parallel_loop3A_392 : vector<16xf32>
        %parallel_loop3A_963 = arith.addf %parallel_loop3A_962, %parallel_loop3A_400 : vector<16xf32>
        %parallel_loop3A_964 = arith.constant 1 : i32
        %parallel_loop3A_965 = arith.addi %parallel_loop3A_391, %parallel_loop3A_964 : i32
        %parallel_loop3A_966 = arith.index_cast %select_n3A_266 : i32 to index
        %parallel_loop3A_967 = arith.index_cast %parallel_loop3A_965 : i32 to index
        %parallel_loop3A_968 = arith.constant 0 : index
        %parallel_loop3A_969 = tpu.vector_load %arg9[%parallel_loop3A_966, %parallel_loop3A_967, %parallel_loop3A_968] {strides = array<i32>} : memref<2x32x128xf32, #tpu.memory_space<vmem>>, vector<1x1x16xf32>,
        %parallel_loop3A_970 = vector.shape_cast %parallel_loop3A_969 : vector<1x1x16xf32> to vector<16xf32>
        %parallel_loop3A_971 = vector.shape_cast %parallel_loop3A_963 : vector<16xf32> to vector<1x1x16xf32>
        tpu.vector_store %arg9[%parallel_loop3A_966, %parallel_loop3A_967, %parallel_loop3A_968], %parallel_loop3A_971 {strides = array<i32>} : memref<2x32x128xf32, #tpu.memory_space<vmem>>, vector<1x1x16xf32>,
        %parallel_loop3A_972 = arith.subf %parallel_loop3A_803, %parallel_loop3A_896 : vector<16xf32>
        %parallel_loop3A_973 = arith.mulf %parallel_loop3A_972, %parallel_loop3A_959 : vector<16xf32>
        %parallel_loop3A_974 = arith.mulf %parallel_loop3A_973, %parallel_loop3A_393 : vector<16xf32>
        %parallel_loop3A_975 = arith.addf %parallel_loop3A_974, %parallel_loop3A_401 : vector<16xf32>
        %parallel_loop3A_976 = arith.constant 1 : i32
        %parallel_loop3A_977 = arith.addi %parallel_loop3A_391, %parallel_loop3A_976 : i32
        %parallel_loop3A_978 = arith.index_cast %select_n3A_266 : i32 to index
        %parallel_loop3A_979 = arith.index_cast %parallel_loop3A_977 : i32 to index
        %parallel_loop3A_980 = arith.constant 16 : index
        %parallel_loop3A_981 = tpu.vector_load %arg9[%parallel_loop3A_978, %parallel_loop3A_979, %parallel_loop3A_980] {strides = array<i32>} : memref<2x32x128xf32, #tpu.memory_space<vmem>>, vector<1x1x16xf32>,
        %parallel_loop3A_982 = vector.shape_cast %parallel_loop3A_981 : vector<1x1x16xf32> to vector<16xf32>
        %parallel_loop3A_983 = vector.shape_cast %parallel_loop3A_975 : vector<16xf32> to vector<1x1x16xf32>
        tpu.vector_store %arg9[%parallel_loop3A_978, %parallel_loop3A_979, %parallel_loop3A_980], %parallel_loop3A_983 {strides = array<i32>} : memref<2x32x128xf32, #tpu.memory_space<vmem>>, vector<1x1x16xf32>,
        %parallel_loop3A_984 = arith.subf %parallel_loop3A_809, %parallel_loop3A_896 : vector<16xf32>
        %parallel_loop3A_985 = arith.mulf %parallel_loop3A_984, %parallel_loop3A_959 : vector<16xf32>
        %parallel_loop3A_986 = arith.mulf %parallel_loop3A_985, %parallel_loop3A_394 : vector<16xf32>
        %parallel_loop3A_987 = arith.addf %parallel_loop3A_986, %parallel_loop3A_402 : vector<16xf32>
        %parallel_loop3A_988 = arith.constant 1 : i32
        %parallel_loop3A_989 = arith.addi %parallel_loop3A_391, %parallel_loop3A_988 : i32
        %parallel_loop3A_990 = arith.index_cast %select_n3A_266 : i32 to index
        %parallel_loop3A_991 = arith.index_cast %parallel_loop3A_989 : i32 to index
        %parallel_loop3A_992 = arith.constant 32 : index
        %parallel_loop3A_993 = tpu.vector_load %arg9[%parallel_loop3A_990, %parallel_loop3A_991, %parallel_loop3A_992] {strides = array<i32>} : memref<2x32x128xf32, #tpu.memory_space<vmem>>, vector<1x1x16xf32>,
        %parallel_loop3A_994 = vector.shape_cast %parallel_loop3A_993 : vector<1x1x16xf32> to vector<16xf32>
        %parallel_loop3A_995 = vector.shape_cast %parallel_loop3A_987 : vector<16xf32> to vector<1x1x16xf32>
        tpu.vector_store %arg9[%parallel_loop3A_990, %parallel_loop3A_991, %parallel_loop3A_992], %parallel_loop3A_995 {strides = array<i32>} : memref<2x32x128xf32, #tpu.memory_space<vmem>>, vector<1x1x16xf32>,
        %parallel_loop3A_996 = arith.subf %parallel_loop3A_815, %parallel_loop3A_896 : vector<16xf32>
        %parallel_loop3A_997 = arith.mulf %parallel_loop3A_996, %parallel_loop3A_959 : vector<16xf32>
        %parallel_loop3A_998 = arith.mulf %parallel_loop3A_997, %parallel_loop3A_395 : vector<16xf32>
        %parallel_loop3A_999 = arith.addf %parallel_loop3A_998, %parallel_loop3A_403 : vector<16xf32>
        %parallel_loop3A_1000 = arith.constant 1 : i32
        %parallel_loop3A_1001 = arith.addi %parallel_loop3A_391, %parallel_loop3A_1000 : i32
        %parallel_loop3A_1002 = arith.index_cast %select_n3A_266 : i32 to index
        %parallel_loop3A_1003 = arith.index_cast %parallel_loop3A_1001 : i32 to index
        %parallel_loop3A_1004 = arith.constant 48 : index
        %parallel_loop3A_1005 = tpu.vector_load %arg9[%parallel_loop3A_1002, %parallel_loop3A_1003, %parallel_loop3A_1004] {strides = array<i32>} : memref<2x32x128xf32, #tpu.memory_space<vmem>>, vector<1x1x16xf32>,
        %parallel_loop3A_1006 = vector.shape_cast %parallel_loop3A_1005 : vector<1x1x16xf32> to vector<16xf32>
        %parallel_loop3A_1007 = vector.shape_cast %parallel_loop3A_999 : vector<16xf32> to vector<1x1x16xf32>
        tpu.vector_store %arg9[%parallel_loop3A_1002, %parallel_loop3A_1003, %parallel_loop3A_1004], %parallel_loop3A_1007 {strides = array<i32>} : memref<2x32x128xf32, #tpu.memory_space<vmem>>, vector<1x1x16xf32>,
        %parallel_loop3A_1008 = arith.subf %parallel_loop3A_821, %parallel_loop3A_896 : vector<16xf32>
        %parallel_loop3A_1009 = arith.mulf %parallel_loop3A_1008, %parallel_loop3A_959 : vector<16xf32>
        %parallel_loop3A_1010 = arith.mulf %parallel_loop3A_1009, %parallel_loop3A_396 : vector<16xf32>
        %parallel_loop3A_1011 = arith.addf %parallel_loop3A_1010, %parallel_loop3A_404 : vector<16xf32>
        %parallel_loop3A_1012 = arith.constant 1 : i32
        %parallel_loop3A_1013 = arith.addi %parallel_loop3A_391, %parallel_loop3A_1012 : i32
        %parallel_loop3A_1014 = arith.index_cast %select_n3A_266 : i32 to index
        %parallel_loop3A_1015 = arith.index_cast %parallel_loop3A_1013 : i32 to index
        %parallel_loop3A_1016 = arith.constant 64 : index
        %parallel_loop3A_1017 = tpu.vector_load %arg9[%parallel_loop3A_1014, %parallel_loop3A_1015, %parallel_loop3A_1016] {strides = array<i32>} : memref<2x32x128xf32, #tpu.memory_space<vmem>>, vector<1x1x16xf32>,
        %parallel_loop3A_1018 = vector.shape_cast %parallel_loop3A_1017 : vector<1x1x16xf32> to vector<16xf32>
        %parallel_loop3A_1019 = vector.shape_cast %parallel_loop3A_1011 : vector<16xf32> to vector<1x1x16xf32>
        tpu.vector_store %arg9[%parallel_loop3A_1014, %parallel_loop3A_1015, %parallel_loop3A_1016], %parallel_loop3A_1019 {strides = array<i32>} : memref<2x32x128xf32, #tpu.memory_space<vmem>>, vector<1x1x16xf32>,
        %parallel_loop3A_1020 = arith.subf %parallel_loop3A_827, %parallel_loop3A_896 : vector<16xf32>
        %parallel_loop3A_1021 = arith.mulf %parallel_loop3A_1020, %parallel_loop3A_959 : vector<16xf32>
        %parallel_loop3A_1022 = arith.mulf %parallel_loop3A_1021, %parallel_loop3A_397 : vector<16xf32>
        %parallel_loop3A_1023 = arith.addf %parallel_loop3A_1022, %parallel_loop3A_405 : vector<16xf32>
        %parallel_loop3A_1024 = arith.constant 1 : i32
        %parallel_loop3A_1025 = arith.addi %parallel_loop3A_391, %parallel_loop3A_1024 : i32
        %parallel_loop3A_1026 = arith.index_cast %select_n3A_266 : i32 to index
        %parallel_loop3A_1027 = arith.index_cast %parallel_loop3A_1025 : i32 to index
        %parallel_loop3A_1028 = arith.constant 80 : index
        %parallel_loop3A_1029 = tpu.vector_load %arg9[%parallel_loop3A_1026, %parallel_loop3A_1027, %parallel_loop3A_1028] {strides = array<i32>} : memref<2x32x128xf32, #tpu.memory_space<vmem>>, vector<1x1x16xf32>,
        %parallel_loop3A_1030 = vector.shape_cast %parallel_loop3A_1029 : vector<1x1x16xf32> to vector<16xf32>
        %parallel_loop3A_1031 = vector.shape_cast %parallel_loop3A_1023 : vector<16xf32> to vector<1x1x16xf32>
        tpu.vector_store %arg9[%parallel_loop3A_1026, %parallel_loop3A_1027, %parallel_loop3A_1028], %parallel_loop3A_1031 {strides = array<i32>} : memref<2x32x128xf32, #tpu.memory_space<vmem>>, vector<1x1x16xf32>,
        %parallel_loop3A_1032 = arith.subf %parallel_loop3A_833, %parallel_loop3A_896 : vector<16xf32>
        %parallel_loop3A_1033 = arith.mulf %parallel_loop3A_1032, %parallel_loop3A_959 : vector<16xf32>
        %parallel_loop3A_1034 = arith.mulf %parallel_loop3A_1033, %parallel_loop3A_398 : vector<16xf32>
        %parallel_loop3A_1035 = arith.addf %parallel_loop3A_1034, %parallel_loop3A_406 : vector<16xf32>
        %parallel_loop3A_1036 = arith.constant 1 : i32
        %parallel_loop3A_1037 = arith.addi %parallel_loop3A_391, %parallel_loop3A_1036 : i32
        %parallel_loop3A_1038 = arith.index_cast %select_n3A_266 : i32 to index
        %parallel_loop3A_1039 = arith.index_cast %parallel_loop3A_1037 : i32 to index
        %parallel_loop3A_1040 = arith.constant 96 : index
        %parallel_loop3A_1041 = tpu.vector_load %arg9[%parallel_loop3A_1038, %parallel_loop3A_1039, %parallel_loop3A_1040] {strides = array<i32>} : memref<2x32x128xf32, #tpu.memory_space<vmem>>, vector<1x1x16xf32>,
        %parallel_loop3A_1042 = vector.shape_cast %parallel_loop3A_1041 : vector<1x1x16xf32> to vector<16xf32>
        %parallel_loop3A_1043 = vector.shape_cast %parallel_loop3A_1035 : vector<16xf32> to vector<1x1x16xf32>
        tpu.vector_store %arg9[%parallel_loop3A_1038, %parallel_loop3A_1039, %parallel_loop3A_1040], %parallel_loop3A_1043 {strides = array<i32>} : memref<2x32x128xf32, #tpu.memory_space<vmem>>, vector<1x1x16xf32>,
        %parallel_loop3A_1044 = arith.subf %parallel_loop3A_839, %parallel_loop3A_896 : vector<16xf32>
        %parallel_loop3A_1045 = arith.mulf %parallel_loop3A_1044, %parallel_loop3A_959 : vector<16xf32>
        %parallel_loop3A_1046 = arith.mulf %parallel_loop3A_1045, %parallel_loop3A_399 : vector<16xf32>
        %parallel_loop3A_1047 = arith.addf %parallel_loop3A_1046, %parallel_loop3A_407 : vector<16xf32>
        %parallel_loop3A_1048 = arith.constant 1 : i32
        %parallel_loop3A_1049 = arith.addi %parallel_loop3A_391, %parallel_loop3A_1048 : i32
        %parallel_loop3A_1050 = arith.index_cast %select_n3A_266 : i32 to index
        %parallel_loop3A_1051 = arith.index_cast %parallel_loop3A_1049 : i32 to index
        %parallel_loop3A_1052 = arith.constant 112 : index
        %parallel_loop3A_1053 = tpu.vector_load %arg9[%parallel_loop3A_1050, %parallel_loop3A_1051, %parallel_loop3A_1052] {strides = array<i32>} : memref<2x32x128xf32, #tpu.memory_space<vmem>>, vector<1x1x16xf32>,
        %parallel_loop3A_1054 = vector.shape_cast %parallel_loop3A_1053 : vector<1x1x16xf32> to vector<16xf32>
        %parallel_loop3A_1055 = vector.shape_cast %parallel_loop3A_1047 : vector<16xf32> to vector<1x1x16xf32>
        tpu.vector_store %arg9[%parallel_loop3A_1050, %parallel_loop3A_1051, %parallel_loop3A_1052], %parallel_loop3A_1055 {strides = array<i32>} : memref<2x32x128xf32, #tpu.memory_space<vmem>>, vector<1x1x16xf32>,
        scf.yield %parallel_loop3A_392, %parallel_loop3A_393, %parallel_loop3A_394, %parallel_loop3A_395, %parallel_loop3A_396, %parallel_loop3A_397, %parallel_loop3A_398, %parallel_loop3A_399, %parallel_loop3A_400, %parallel_loop3A_401, %parallel_loop3A_402, %parallel_loop3A_403, %parallel_loop3A_404, %parallel_loop3A_405, %parallel_loop3A_406, %parallel_loop3A_407 : vector<16xf32>, vector<16xf32>, vector<16xf32>, vector<16xf32>, vector<16xf32>, vector<16xf32>, vector<16xf32>, vector<16xf32>, vector<16xf32>, vector<16xf32>, vector<16xf32>, vector<16xf32>, vector<16xf32>, vector<16xf32>, vector<16xf32>, vector<16xf32>
      } {sc.loop_unroll_factor = 2 : i64, sc.parallel_access}
      %dma_start3A_379 = arith.constant 0 : i32
      %dma_start3A_380 = arith.constant 0 : i32
      %dma_start3A_381 = tpu.memref_slice %arg9[%select_n3A_266, %dma_start3A_379, %dma_start3A_380] : memref<2x32x128xf32, #tpu.memory_space<vmem>> -> memref<1x32x128xf32, #tpu.memory_space<vmem>>
      %dma_start3A_382 = tpu.memref_squeeze %dma_start3A_381 : memref<1x32x128xf32, #tpu.memory_space<vmem>> -> memref<32x128xf32, #tpu.memory_space<vmem>>
      %dma_start3A_383 = arith.constant 0 : i32
      %dma_start3A_384 = tpu.memref_slice %arg6[%mul3A_375, %dma_start3A_383] : memref<262144x128xf32, #tpu.memory_space<hbm>> -> memref<32x128xf32, #tpu.memory_space<hbm>>
      %dma_start3A_385 = arith.constant 0 : i32
      %dma_start3A_386 = tpu.memref_slice %arg6[%mul3A_375, %dma_start3A_385] : memref<262144x128xf32, #tpu.memory_space<hbm>> -> memref<32x128xf32, #tpu.memory_space<hbm>>
      %dma_start3A_387 = arith.constant 0 : i32
      %dma_start3A_388 = arith.constant 0 : i32
      %dma_start3A_389 = tpu.memref_slice %arg9[%select_n3A_266, %dma_start3A_387, %dma_start3A_388] : memref<2x32x128xf32, #tpu.memory_space<vmem>> -> memref<1x32x128xf32, #tpu.memory_space<vmem>>
      %dma_start3A_390 = tpu.memref_squeeze %dma_start3A_389 : memref<1x32x128xf32, #tpu.memory_space<vmem>> -> memref<32x128xf32, #tpu.memory_space<vmem>>
      tpu.enqueue_dma source(%dma_start3A_390 : memref<32x128xf32, #tpu.memory_space<vmem>>) target(%dma_start3A_386 : memref<32x128xf32, #tpu.memory_space<hbm>>) target_semaphore(%arg13 : memref<!tpu.dma_semaphore, #tpu.memory_space<semaphore_mem>>)
    }
    %while3A_217 = arith.constant 1 : i32
    scf.for %while3A_257 = %while3A_215 to %while3A_211 step %while3A_217  : i32 {
      %jit3A = arith.constant 2 : i32
      %eq3A = arith.constant 0 : i32
      %eq3A_258 = arith.cmpi eq, %jit3A, %eq3A : i32
      %jit3A_259 = arith.constant 1 : i32
      %select_n3A = arith.select %eq3A_258, %jit3A_259, %jit3A : i32
      %rem3A = arith.remsi %while3A_257, %select_n3A : i32
      %ne3A = arith.constant 0 : i32
      %ne3A_260 = arith.cmpi ne, %rem3A, %ne3A : i32
      %lt3A = arith.constant 0 : i32
      %lt3A_261 = arith.cmpi slt, %rem3A, %lt3A : i32
      %lt3A_262 = arith.constant 0 : i32
      %lt3A_263 = arith.cmpi slt, %select_n3A, %lt3A_262 : i32
      %ne3A_264 = arith.xori %lt3A_261, %lt3A_263 : i1
      %and3A = arith.andi %ne3A_264, %ne3A_260 : i1
      %add3A_265 = arith.addi %rem3A, %select_n3A : i32
      %select_n3A_266 = arith.select %and3A, %add3A_265, %rem3A : i32
      %add3A_267 = arith.addi %mul3A_69, %while3A_257 : i32
      %dma_wait3A_268 = arith.constant 0 : i32
      %dma_wait3A_269 = tpu.memref_slice %arg8[%dma_wait3A_268] : memref<512xi32, #tpu.memory_space<vmem>> -> memref<248xi32, #tpu.memory_space<vmem>>
      %dma_wait3A_270 = arith.constant 0 : i32
      %dma_wait3A_271 = tpu.memref_slice %arg2[%dma_wait3A_270] : memref<1906624xi32, #tpu.memory_space<hbm>> -> memref<248xi32, #tpu.memory_space<hbm>>
      %dma_wait3A_272 = arith.constant 0 : i32
      %dma_wait3A_273 = tpu.memref_slice %arg8[%dma_wait3A_272] : memref<512xi32, #tpu.memory_space<vmem>> -> memref<248xi32, #tpu.memory_space<vmem>>
      %dma_wait3A_274 = arith.constant 0 : i32
      %dma_wait3A_275 = tpu.memref_slice %arg2[%dma_wait3A_274] : memref<1906624xi32, #tpu.memory_space<hbm>> -> memref<248xi32, #tpu.memory_space<hbm>>
      tpu.wait_dma2 semaphore(%arg12 : memref<!tpu.dma_semaphore, #tpu.memory_space<semaphore_mem>>) src(%dma_wait3A_275 : memref<248xi32, #tpu.memory_space<hbm>>) dst(%dma_wait3A_273 : memref<248xi32, #tpu.memory_space<vmem>>)
      %add3A_276 = arith.constant 1 : i32
      %add3A_277 = arith.addi %while3A_257, %add3A_276 : i32
      %lt3A_278 = arith.cmpi slt, %add3A_277, %min3A_73 : i32
      %convert_element_type3A = arith.extui %lt3A_278 : i1 to i32
      %cond3A = arith.constant 0 : i32
      %cond3A_279 = arith.cmpi ne, %convert_element_type3A, %cond3A : i32
      scf.if %cond3A_279 {
        %add3A_391 = arith.constant 1 : i32
        %add3A_392 = arith.addi %add3A_267, %add3A_391 : i32
        %mul3A_393 = arith.constant 248 : i32
        %mul3A_394 = arith.muli %add3A_392, %mul3A_393 : i32
        %sub3A_395 = arith.constant 1 : i32
        %sub3A_396 = arith.subi %sub3A_395, %select_n3A_266 : i32
        %mul3A_397 = arith.constant 256 : i32
        %mul3A_398 = arith.muli %sub3A_396, %mul3A_397 : i32
        %dma_start3A_399 = tpu.memref_slice %arg8[%mul3A_398] : memref<512xi32, #tpu.memory_space<vmem>> -> memref<248xi32, #tpu.memory_space<vmem>>
        %dma_start3A_400 = tpu.memref_slice %arg2[%mul3A_394] : memref<1906624xi32, #tpu.memory_space<hbm>> -> memref<248xi32, #tpu.memory_space<hbm>>
        %dma_start3A_401 = tpu.memref_slice %arg8[%mul3A_398] : memref<512xi32, #tpu.memory_space<vmem>> -> memref<248xi32, #tpu.memory_space<vmem>>
        %dma_start3A_402 = tpu.memref_slice %arg2[%mul3A_394] : memref<1906624xi32, #tpu.memory_space<hbm>> -> memref<248xi32, #tpu.memory_space<hbm>>
        tpu.enqueue_dma source(%dma_start3A_402 : memref<248xi32, #tpu.memory_space<hbm>>) target(%dma_start3A_401 : memref<248xi32, #tpu.memory_space<vmem>>) target_semaphore(%arg12 : memref<!tpu.dma_semaphore, #tpu.memory_space<semaphore_mem>>)
      } else {
      }
      %ge3A = arith.constant 2 : i32
      %ge3A_280 = arith.cmpi sge, %while3A_257, %ge3A : i32
      %convert_element_type3A_281 = arith.extui %ge3A_280 : i1 to i32
      %cond3A_282 = arith.constant 0 : i32
      %cond3A_283 = arith.cmpi ne, %convert_element_type3A_281, %cond3A_282 : i32
      scf.if %cond3A_283 {
        %dma_wait3A_391 = arith.constant 0 : i32
        %dma_wait3A_392 = arith.constant 0 : i32
        %dma_wait3A_393 = tpu.memref_slice %arg9[%select_n3A_266, %dma_wait3A_391, %dma_wait3A_392] : memref<2x32x128xf32, #tpu.memory_space<vmem>> -> memref<1x32x128xf32, #tpu.memory_space<vmem>>
        %dma_wait3A_394 = tpu.memref_squeeze %dma_wait3A_393 : memref<1x32x128xf32, #tpu.memory_space<vmem>> -> memref<32x128xf32, #tpu.memory_space<vmem>>
        %dma_wait3A_395 = arith.constant 0 : i32
        %dma_wait3A_396 = arith.constant 0 : i32
        %dma_wait3A_397 = tpu.memref_slice %arg6[%dma_wait3A_395, %dma_wait3A_396] : memref<262144x128xf32, #tpu.memory_space<hbm>> -> memref<32x128xf32, #tpu.memory_space<hbm>>
        %dma_wait3A_398 = arith.constant 0 : i32
        %dma_wait3A_399 = arith.constant 0 : i32
        %dma_wait3A_400 = tpu.memref_slice %arg9[%select_n3A_266, %dma_wait3A_398, %dma_wait3A_399] : memref<2x32x128xf32, #tpu.memory_space<vmem>> -> memref<1x32x128xf32, #tpu.memory_space<vmem>>
        %dma_wait3A_401 = tpu.memref_squeeze %dma_wait3A_400 : memref<1x32x128xf32, #tpu.memory_space<vmem>> -> memref<32x128xf32, #tpu.memory_space<vmem>>
        %dma_wait3A_402 = arith.constant 0 : i32
        %dma_wait3A_403 = arith.constant 0 : i32
        %dma_wait3A_404 = tpu.memref_slice %arg6[%dma_wait3A_402, %dma_wait3A_403] : memref<262144x128xf32, #tpu.memory_space<hbm>> -> memref<32x128xf32, #tpu.memory_space<hbm>>
        tpu.wait_dma2 semaphore(%arg13 : memref<!tpu.dma_semaphore, #tpu.memory_space<semaphore_mem>>) src(%dma_wait3A_404 : memref<32x128xf32, #tpu.memory_space<hbm>>) dst(%dma_wait3A_401 : memref<32x128xf32, #tpu.memory_space<vmem>>)
      } else {
      }
      %jit3A_284 = arith.constant 961 : i32
      %div3A = arith.divsi %add3A_267, %jit3A_284 : i32
      %sign3A = arith.constant 0 : i32
      %sign3A_285 = arith.cmpi sgt, %add3A_267, %sign3A : i32
      %sign3A_286 = arith.extui %sign3A_285 : i1 to i32
      %sign3A_287 = arith.constant 0 : i32
      %sign3A_288 = arith.cmpi slt, %add3A_267, %sign3A_287 : i32
      %sign3A_289 = arith.extui %sign3A_288 : i1 to i32
      %sign3A_290 = arith.subi %sign3A_286, %sign3A_289 : i32
      %sign3A_291 = arith.constant 0 : i32
      %sign3A_292 = arith.cmpi sgt, %jit3A_284, %sign3A_291 : i32
      %sign3A_293 = arith.extui %sign3A_292 : i1 to i32
      %sign3A_294 = arith.constant 0 : i32
      %sign3A_295 = arith.cmpi slt, %jit3A_284, %sign3A_294 : i32
      %sign3A_296 = arith.extui %sign3A_295 : i1 to i32
      %sign3A_297 = arith.subi %sign3A_293, %sign3A_296 : i32
      %ne3A_298 = arith.cmpi ne, %sign3A_290, %sign3A_297 : i32
      %rem3A_299 = arith.remsi %add3A_267, %jit3A_284 : i32
      %ne3A_300 = arith.constant 0 : i32
      %ne3A_301 = arith.cmpi ne, %rem3A_299, %ne3A_300 : i32
      %and3A_302 = arith.andi %ne3A_298, %ne3A_301 : i1
      %sub3A_303 = arith.constant 1 : i32
      %sub3A_304 = arith.subi %div3A, %sub3A_303 : i32
      %select_n3A_305 = arith.select %and3A_302, %sub3A_304, %div3A : i32
      %jit3A_306 = arith.constant 961 : i32
      %eq3A_307 = arith.constant 0 : i32
      %eq3A_308 = arith.cmpi eq, %jit3A_306, %eq3A_307 : i32
      %jit3A_309 = arith.constant 1 : i32
      %select_n3A_310 = arith.select %eq3A_308, %jit3A_309, %jit3A_306 : i32
      %rem3A_311 = arith.remsi %add3A_267, %select_n3A_310 : i32
      %ne3A_312 = arith.constant 0 : i32
      %ne3A_313 = arith.cmpi ne, %rem3A_311, %ne3A_312 : i32
      %lt3A_314 = arith.constant 0 : i32
      %lt3A_315 = arith.cmpi slt, %rem3A_311, %lt3A_314 : i32
      %lt3A_316 = arith.constant 0 : i32
      %lt3A_317 = arith.cmpi slt, %select_n3A_310, %lt3A_316 : i32
      %ne3A_318 = arith.xori %lt3A_315, %lt3A_317 : i1
      %and3A_319 = arith.andi %ne3A_318, %ne3A_313 : i1
      %add3A_320 = arith.addi %rem3A_311, %select_n3A_310 : i32
      %select_n3A_321 = arith.select %and3A_319, %add3A_320, %rem3A_311 : i32
      %jit3A_322 = arith.constant 31 : i32
      %div3A_323 = arith.divsi %select_n3A_321, %jit3A_322 : i32
      %sign3A_324 = arith.constant 0 : i32
      %sign3A_325 = arith.cmpi sgt, %select_n3A_321, %sign3A_324 : i32
      %sign3A_326 = arith.extui %sign3A_325 : i1 to i32
      %sign3A_327 = arith.constant 0 : i32
      %sign3A_328 = arith.cmpi slt, %select_n3A_321, %sign3A_327 : i32
      %sign3A_329 = arith.extui %sign3A_328 : i1 to i32
      %sign3A_330 = arith.subi %sign3A_326, %sign3A_329 : i32
      %sign3A_331 = arith.constant 0 : i32
      %sign3A_332 = arith.cmpi sgt, %jit3A_322, %sign3A_331 : i32
      %sign3A_333 = arith.extui %sign3A_332 : i1 to i32
      %sign3A_334 = arith.constant 0 : i32
      %sign3A_335 = arith.cmpi slt, %jit3A_322, %sign3A_334 : i32
      %sign3A_336 = arith.extui %sign3A_335 : i1 to i32
      %sign3A_337 = arith.subi %sign3A_333, %sign3A_336 : i32
      %ne3A_338 = arith.cmpi ne, %sign3A_330, %sign3A_337 : i32
      %rem3A_339 = arith.remsi %select_n3A_321, %jit3A_322 : i32
      %ne3A_340 = arith.constant 0 : i32
      %ne3A_341 = arith.cmpi ne, %rem3A_339, %ne3A_340 : i32
      %and3A_342 = arith.andi %ne3A_338, %ne3A_341 : i1
      %sub3A_343 = arith.constant 1 : i32
      %sub3A_344 = arith.subi %div3A_323, %sub3A_343 : i32
      %select_n3A_345 = arith.select %and3A_342, %sub3A_344, %div3A_323 : i32
      %jit3A_346 = arith.constant 31 : i32
      %eq3A_347 = arith.constant 0 : i32
      %eq3A_348 = arith.cmpi eq, %jit3A_346, %eq3A_347 : i32
      %jit3A_349 = arith.constant 1 : i32
      %select_n3A_350 = arith.select %eq3A_348, %jit3A_349, %jit3A_346 : i32
      %rem3A_351 = arith.remsi %select_n3A_321, %select_n3A_350 : i32
      %ne3A_352 = arith.constant 0 : i32
      %ne3A_353 = arith.cmpi ne, %rem3A_351, %ne3A_352 : i32
      %lt3A_354 = arith.constant 0 : i32
      %lt3A_355 = arith.cmpi slt, %rem3A_351, %lt3A_354 : i32
      %lt3A_356 = arith.constant 0 : i32
      %lt3A_357 = arith.cmpi slt, %select_n3A_350, %lt3A_356 : i32
      %ne3A_358 = arith.xori %lt3A_355, %lt3A_357 : i1
      %and3A_359 = arith.andi %ne3A_358, %ne3A_353 : i1
      %add3A_360 = arith.addi %rem3A_351, %select_n3A_350 : i32
      %select_n3A_361 = arith.select %and3A_359, %add3A_360, %rem3A_351 : i32
      %mul3A_362 = arith.constant 32 : i32
      %mul3A_363 = arith.muli %select_n3A_305, %mul3A_362 : i32
      %mul3A_364 = arith.constant 32 : i32
      %mul3A_365 = arith.muli %mul3A_363, %mul3A_364 : i32
      %add3A_366 = arith.constant 1 : i32
      %add3A_367 = arith.addi %select_n3A_345, %add3A_366 : i32
      %mul3A_368 = arith.constant 32 : i32
      %mul3A_369 = arith.muli %add3A_367, %mul3A_368 : i32
      %add3A_370 = arith.addi %mul3A_365, %mul3A_369 : i32
      %add3A_371 = arith.constant 1 : i32
      %add3A_372 = arith.addi %select_n3A_361, %add3A_371 : i32
      %add3A_373 = arith.addi %add3A_370, %add3A_372 : i32
      %mul3A_374 = arith.constant 32 : i32
      %mul3A_375 = arith.muli %add3A_373, %mul3A_374 : i32
      %parallel_loop3A = arith.constant 0 : i32
      %parallel_loop3A_376 = arith.constant 31 : i32
      %parallel_loop3A_377 = arith.constant 1 : i32
      %parallel_loop3A_378:16 = scf.for %parallel_loop3A_391 = %parallel_loop3A to %parallel_loop3A_376 step %parallel_loop3A_377 iter_args(%parallel_loop3A_392 = %get3A_22, %parallel_loop3A_393 = %get3A_25, %parallel_loop3A_394 = %get3A_28, %parallel_loop3A_395 = %get3A_31, %parallel_loop3A_396 = %get3A_34, %parallel_loop3A_397 = %get3A_37, %parallel_loop3A_398 = %get3A_40, %parallel_loop3A_399 = %get3A_43, %parallel_loop3A_400 = %get3A_46, %parallel_loop3A_401 = %get3A_49, %parallel_loop3A_402 = %get3A_52, %parallel_loop3A_403 = %get3A_55, %parallel_loop3A_404 = %get3A_58, %parallel_loop3A_405 = %get3A_61, %parallel_loop3A_406 = %get3A_64, %parallel_loop3A_407 = %get3A_67) -> (vector<16xf32>, vector<16xf32>, vector<16xf32>, vector<16xf32>, vector<16xf32>, vector<16xf32>, vector<16xf32>, vector<16xf32>, vector<16xf32>, vector<16xf32>, vector<16xf32>, vector<16xf32>, vector<16xf32>, vector<16xf32>, vector<16xf32>, vector<16xf32>)  : i32 {
        %parallel_loop3A_408 = arith.constant 256 : i32
        %parallel_loop3A_409 = arith.muli %select_n3A_266, %parallel_loop3A_408 : i32
        %parallel_loop3A_410 = arith.constant 8 : i32
        %parallel_loop3A_411 = arith.muli %parallel_loop3A_391, %parallel_loop3A_410 : i32
        %parallel_loop3A_412 = arith.addi %parallel_loop3A_409, %parallel_loop3A_411 : i32
        %parallel_loop3A_413 = arith.index_cast %parallel_loop3A_412 : i32 to index
        %parallel_loop3A_414 = tpu.vector_load %arg8[%parallel_loop3A_413] {strides = array<i32>} : memref<512xi32, #tpu.memory_space<vmem>>, vector<16xi32>,
        %parallel_loop3A_415 = vector.shape_cast %parallel_loop3A_414 : vector<16xi32> to vector<16xi32>
        %parallel_loop3A_416 = vector.extract_strided_slice %parallel_loop3A_415 {offsets = [0], sizes = [1], strides = [1]} : vector<16xi32> to vector<1xi32>
        %parallel_loop3A_417 = vector.extract %parallel_loop3A_416[0] : i32 from vector<1xi32>
        %parallel_loop3A_418 = arith.constant 0 : i32
        %parallel_loop3A_419 = arith.addi %parallel_loop3A_417, %parallel_loop3A_418 : i32
        %parallel_loop3A_420 = arith.constant 128 : i32
        %parallel_loop3A_421 = arith.muli %parallel_loop3A_419, %parallel_loop3A_420 : i32
        %parallel_loop3A_422 = arith.constant 0 : i32
        %parallel_loop3A_423 = arith.addi %parallel_loop3A_421, %parallel_loop3A_422 : i32
        %parallel_loop3A_424 = arith.index_cast %parallel_loop3A_423 : i32 to index
        %parallel_loop3A_425 = tpu.vector_load %arg7[%parallel_loop3A_424] {strides = array<i32>} : memref<65536xf32, #tpu.memory_space<vmem>>, vector<16xf32>,
        %parallel_loop3A_426 = vector.shape_cast %parallel_loop3A_425 : vector<16xf32> to vector<16xf32>
        %parallel_loop3A_427 = arith.constant 16 : i32
        %parallel_loop3A_428 = arith.addi %parallel_loop3A_421, %parallel_loop3A_427 : i32
        %parallel_loop3A_429 = arith.index_cast %parallel_loop3A_428 : i32 to index
        %parallel_loop3A_430 = tpu.vector_load %arg7[%parallel_loop3A_429] {strides = array<i32>} : memref<65536xf32, #tpu.memory_space<vmem>>, vector<16xf32>,
        %parallel_loop3A_431 = vector.shape_cast %parallel_loop3A_430 : vector<16xf32> to vector<16xf32>
        %parallel_loop3A_432 = arith.constant 32 : i32
        %parallel_loop3A_433 = arith.addi %parallel_loop3A_421, %parallel_loop3A_432 : i32
        %parallel_loop3A_434 = arith.index_cast %parallel_loop3A_433 : i32 to index
        %parallel_loop3A_435 = tpu.vector_load %arg7[%parallel_loop3A_434] {strides = array<i32>} : memref<65536xf32, #tpu.memory_space<vmem>>, vector<16xf32>,
        %parallel_loop3A_436 = vector.shape_cast %parallel_loop3A_435 : vector<16xf32> to vector<16xf32>
        %parallel_loop3A_437 = arith.constant 48 : i32
        %parallel_loop3A_438 = arith.addi %parallel_loop3A_421, %parallel_loop3A_437 : i32
        %parallel_loop3A_439 = arith.index_cast %parallel_loop3A_438 : i32 to index
        %parallel_loop3A_440 = tpu.vector_load %arg7[%parallel_loop3A_439] {strides = array<i32>} : memref<65536xf32, #tpu.memory_space<vmem>>, vector<16xf32>,
        %parallel_loop3A_441 = vector.shape_cast %parallel_loop3A_440 : vector<16xf32> to vector<16xf32>
        %parallel_loop3A_442 = arith.constant 64 : i32
        %parallel_loop3A_443 = arith.addi %parallel_loop3A_421, %parallel_loop3A_442 : i32
        %parallel_loop3A_444 = arith.index_cast %parallel_loop3A_443 : i32 to index
        %parallel_loop3A_445 = tpu.vector_load %arg7[%parallel_loop3A_444] {strides = array<i32>} : memref<65536xf32, #tpu.memory_space<vmem>>, vector<16xf32>,
        %parallel_loop3A_446 = vector.shape_cast %parallel_loop3A_445 : vector<16xf32> to vector<16xf32>
        %parallel_loop3A_447 = arith.constant 80 : i32
        %parallel_loop3A_448 = arith.addi %parallel_loop3A_421, %parallel_loop3A_447 : i32
        %parallel_loop3A_449 = arith.index_cast %parallel_loop3A_448 : i32 to index
        %parallel_loop3A_450 = tpu.vector_load %arg7[%parallel_loop3A_449] {strides = array<i32>} : memref<65536xf32, #tpu.memory_space<vmem>>, vector<16xf32>,
        %parallel_loop3A_451 = vector.shape_cast %parallel_loop3A_450 : vector<16xf32> to vector<16xf32>
        %parallel_loop3A_452 = arith.constant 96 : i32
        %parallel_loop3A_453 = arith.addi %parallel_loop3A_421, %parallel_loop3A_452 : i32
        %parallel_loop3A_454 = arith.index_cast %parallel_loop3A_453 : i32 to index
        %parallel_loop3A_455 = tpu.vector_load %arg7[%parallel_loop3A_454] {strides = array<i32>} : memref<65536xf32, #tpu.memory_space<vmem>>, vector<16xf32>,
        %parallel_loop3A_456 = vector.shape_cast %parallel_loop3A_455 : vector<16xf32> to vector<16xf32>
        %parallel_loop3A_457 = arith.constant 112 : i32
        %parallel_loop3A_458 = arith.addi %parallel_loop3A_421, %parallel_loop3A_457 : i32
        %parallel_loop3A_459 = arith.index_cast %parallel_loop3A_458 : i32 to index
        %parallel_loop3A_460 = tpu.vector_load %arg7[%parallel_loop3A_459] {strides = array<i32>} : memref<65536xf32, #tpu.memory_space<vmem>>, vector<16xf32>,
        %parallel_loop3A_461 = vector.shape_cast %parallel_loop3A_460 : vector<16xf32> to vector<16xf32>
        %parallel_loop3A_462 = vector.extract_strided_slice %parallel_loop3A_415 {offsets = [1], sizes = [1], strides = [1]} : vector<16xi32> to vector<1xi32>
        %parallel_loop3A_463 = vector.extract %parallel_loop3A_462[0] : i32 from vector<1xi32>
        %parallel_loop3A_464 = arith.constant 64 : i32
        %parallel_loop3A_465 = arith.addi %parallel_loop3A_463, %parallel_loop3A_464 : i32
        %parallel_loop3A_466 = arith.constant 128 : i32
        %parallel_loop3A_467 = arith.muli %parallel_loop3A_465, %parallel_loop3A_466 : i32
        %parallel_loop3A_468 = arith.constant 0 : i32
        %parallel_loop3A_469 = arith.addi %parallel_loop3A_467, %parallel_loop3A_468 : i32
        %parallel_loop3A_470 = arith.index_cast %parallel_loop3A_469 : i32 to index
        %parallel_loop3A_471 = tpu.vector_load %arg7[%parallel_loop3A_470] {strides = array<i32>} : memref<65536xf32, #tpu.memory_space<vmem>>, vector<16xf32>,
        %parallel_loop3A_472 = vector.shape_cast %parallel_loop3A_471 : vector<16xf32> to vector<16xf32>
        %parallel_loop3A_473 = arith.addf %parallel_loop3A_426, %parallel_loop3A_472 : vector<16xf32>
        %parallel_loop3A_474 = arith.constant 16 : i32
        %parallel_loop3A_475 = arith.addi %parallel_loop3A_467, %parallel_loop3A_474 : i32
        %parallel_loop3A_476 = arith.index_cast %parallel_loop3A_475 : i32 to index
        %parallel_loop3A_477 = tpu.vector_load %arg7[%parallel_loop3A_476] {strides = array<i32>} : memref<65536xf32, #tpu.memory_space<vmem>>, vector<16xf32>,
        %parallel_loop3A_478 = vector.shape_cast %parallel_loop3A_477 : vector<16xf32> to vector<16xf32>
        %parallel_loop3A_479 = arith.addf %parallel_loop3A_431, %parallel_loop3A_478 : vector<16xf32>
        %parallel_loop3A_480 = arith.constant 32 : i32
        %parallel_loop3A_481 = arith.addi %parallel_loop3A_467, %parallel_loop3A_480 : i32
        %parallel_loop3A_482 = arith.index_cast %parallel_loop3A_481 : i32 to index
        %parallel_loop3A_483 = tpu.vector_load %arg7[%parallel_loop3A_482] {strides = array<i32>} : memref<65536xf32, #tpu.memory_space<vmem>>, vector<16xf32>,
        %parallel_loop3A_484 = vector.shape_cast %parallel_loop3A_483 : vector<16xf32> to vector<16xf32>
        %parallel_loop3A_485 = arith.addf %parallel_loop3A_436, %parallel_loop3A_484 : vector<16xf32>
        %parallel_loop3A_486 = arith.constant 48 : i32
        %parallel_loop3A_487 = arith.addi %parallel_loop3A_467, %parallel_loop3A_486 : i32
        %parallel_loop3A_488 = arith.index_cast %parallel_loop3A_487 : i32 to index
        %parallel_loop3A_489 = tpu.vector_load %arg7[%parallel_loop3A_488] {strides = array<i32>} : memref<65536xf32, #tpu.memory_space<vmem>>, vector<16xf32>,
        %parallel_loop3A_490 = vector.shape_cast %parallel_loop3A_489 : vector<16xf32> to vector<16xf32>
        %parallel_loop3A_491 = arith.addf %parallel_loop3A_441, %parallel_loop3A_490 : vector<16xf32>
        %parallel_loop3A_492 = arith.constant 64 : i32
        %parallel_loop3A_493 = arith.addi %parallel_loop3A_467, %parallel_loop3A_492 : i32
        %parallel_loop3A_494 = arith.index_cast %parallel_loop3A_493 : i32 to index
        %parallel_loop3A_495 = tpu.vector_load %arg7[%parallel_loop3A_494] {strides = array<i32>} : memref<65536xf32, #tpu.memory_space<vmem>>, vector<16xf32>,
        %parallel_loop3A_496 = vector.shape_cast %parallel_loop3A_495 : vector<16xf32> to vector<16xf32>
        %parallel_loop3A_497 = arith.addf %parallel_loop3A_446, %parallel_loop3A_496 : vector<16xf32>
        %parallel_loop3A_498 = arith.constant 80 : i32
        %parallel_loop3A_499 = arith.addi %parallel_loop3A_467, %parallel_loop3A_498 : i32
        %parallel_loop3A_500 = arith.index_cast %parallel_loop3A_499 : i32 to index
        %parallel_loop3A_501 = tpu.vector_load %arg7[%parallel_loop3A_500] {strides = array<i32>} : memref<65536xf32, #tpu.memory_space<vmem>>, vector<16xf32>,
        %parallel_loop3A_502 = vector.shape_cast %parallel_loop3A_501 : vector<16xf32> to vector<16xf32>
        %parallel_loop3A_503 = arith.addf %parallel_loop3A_451, %parallel_loop3A_502 : vector<16xf32>
        %parallel_loop3A_504 = arith.constant 96 : i32
        %parallel_loop3A_505 = arith.addi %parallel_loop3A_467, %parallel_loop3A_504 : i32
        %parallel_loop3A_506 = arith.index_cast %parallel_loop3A_505 : i32 to index
        %parallel_loop3A_507 = tpu.vector_load %arg7[%parallel_loop3A_506] {strides = array<i32>} : memref<65536xf32, #tpu.memory_space<vmem>>, vector<16xf32>,
        %parallel_loop3A_508 = vector.shape_cast %parallel_loop3A_507 : vector<16xf32> to vector<16xf32>
        %parallel_loop3A_509 = arith.addf %parallel_loop3A_456, %parallel_loop3A_508 : vector<16xf32>
        %parallel_loop3A_510 = arith.constant 112 : i32
        %parallel_loop3A_511 = arith.addi %parallel_loop3A_467, %parallel_loop3A_510 : i32
        %parallel_loop3A_512 = arith.index_cast %parallel_loop3A_511 : i32 to index
        %parallel_loop3A_513 = tpu.vector_load %arg7[%parallel_loop3A_512] {strides = array<i32>} : memref<65536xf32, #tpu.memory_space<vmem>>, vector<16xf32>,
        %parallel_loop3A_514 = vector.shape_cast %parallel_loop3A_513 : vector<16xf32> to vector<16xf32>
        %parallel_loop3A_515 = arith.addf %parallel_loop3A_461, %parallel_loop3A_514 : vector<16xf32>
        %parallel_loop3A_516 = vector.extract_strided_slice %parallel_loop3A_415 {offsets = [2], sizes = [1], strides = [1]} : vector<16xi32> to vector<1xi32>
        %parallel_loop3A_517 = vector.extract %parallel_loop3A_516[0] : i32 from vector<1xi32>
        %parallel_loop3A_518 = arith.constant 128 : i32
        %parallel_loop3A_519 = arith.addi %parallel_loop3A_517, %parallel_loop3A_518 : i32
        %parallel_loop3A_520 = arith.constant 128 : i32
        %parallel_loop3A_521 = arith.muli %parallel_loop3A_519, %parallel_loop3A_520 : i32
        %parallel_loop3A_522 = arith.constant 0 : i32
        %parallel_loop3A_523 = arith.addi %parallel_loop3A_521, %parallel_loop3A_522 : i32
        %parallel_loop3A_524 = arith.index_cast %parallel_loop3A_523 : i32 to index
        %parallel_loop3A_525 = tpu.vector_load %arg7[%parallel_loop3A_524] {strides = array<i32>} : memref<65536xf32, #tpu.memory_space<vmem>>, vector<16xf32>,
        %parallel_loop3A_526 = vector.shape_cast %parallel_loop3A_525 : vector<16xf32> to vector<16xf32>
        %parallel_loop3A_527 = arith.addf %parallel_loop3A_473, %parallel_loop3A_526 : vector<16xf32>
        %parallel_loop3A_528 = arith.constant 16 : i32
        %parallel_loop3A_529 = arith.addi %parallel_loop3A_521, %parallel_loop3A_528 : i32
        %parallel_loop3A_530 = arith.index_cast %parallel_loop3A_529 : i32 to index
        %parallel_loop3A_531 = tpu.vector_load %arg7[%parallel_loop3A_530] {strides = array<i32>} : memref<65536xf32, #tpu.memory_space<vmem>>, vector<16xf32>,
        %parallel_loop3A_532 = vector.shape_cast %parallel_loop3A_531 : vector<16xf32> to vector<16xf32>
        %parallel_loop3A_533 = arith.addf %parallel_loop3A_479, %parallel_loop3A_532 : vector<16xf32>
        %parallel_loop3A_534 = arith.constant 32 : i32
        %parallel_loop3A_535 = arith.addi %parallel_loop3A_521, %parallel_loop3A_534 : i32
        %parallel_loop3A_536 = arith.index_cast %parallel_loop3A_535 : i32 to index
        %parallel_loop3A_537 = tpu.vector_load %arg7[%parallel_loop3A_536] {strides = array<i32>} : memref<65536xf32, #tpu.memory_space<vmem>>, vector<16xf32>,
        %parallel_loop3A_538 = vector.shape_cast %parallel_loop3A_537 : vector<16xf32> to vector<16xf32>
        %parallel_loop3A_539 = arith.addf %parallel_loop3A_485, %parallel_loop3A_538 : vector<16xf32>
        %parallel_loop3A_540 = arith.constant 48 : i32
        %parallel_loop3A_541 = arith.addi %parallel_loop3A_521, %parallel_loop3A_540 : i32
        %parallel_loop3A_542 = arith.index_cast %parallel_loop3A_541 : i32 to index
        %parallel_loop3A_543 = tpu.vector_load %arg7[%parallel_loop3A_542] {strides = array<i32>} : memref<65536xf32, #tpu.memory_space<vmem>>, vector<16xf32>,
        %parallel_loop3A_544 = vector.shape_cast %parallel_loop3A_543 : vector<16xf32> to vector<16xf32>
        %parallel_loop3A_545 = arith.addf %parallel_loop3A_491, %parallel_loop3A_544 : vector<16xf32>
        %parallel_loop3A_546 = arith.constant 64 : i32
        %parallel_loop3A_547 = arith.addi %parallel_loop3A_521, %parallel_loop3A_546 : i32
        %parallel_loop3A_548 = arith.index_cast %parallel_loop3A_547 : i32 to index
        %parallel_loop3A_549 = tpu.vector_load %arg7[%parallel_loop3A_548] {strides = array<i32>} : memref<65536xf32, #tpu.memory_space<vmem>>, vector<16xf32>,
        %parallel_loop3A_550 = vector.shape_cast %parallel_loop3A_549 : vector<16xf32> to vector<16xf32>
        %parallel_loop3A_551 = arith.addf %parallel_loop3A_497, %parallel_loop3A_550 : vector<16xf32>
        %parallel_loop3A_552 = arith.constant 80 : i32
        %parallel_loop3A_553 = arith.addi %parallel_loop3A_521, %parallel_loop3A_552 : i32
        %parallel_loop3A_554 = arith.index_cast %parallel_loop3A_553 : i32 to index
        %parallel_loop3A_555 = tpu.vector_load %arg7[%parallel_loop3A_554] {strides = array<i32>} : memref<65536xf32, #tpu.memory_space<vmem>>, vector<16xf32>,
        %parallel_loop3A_556 = vector.shape_cast %parallel_loop3A_555 : vector<16xf32> to vector<16xf32>
        %parallel_loop3A_557 = arith.addf %parallel_loop3A_503, %parallel_loop3A_556 : vector<16xf32>
        %parallel_loop3A_558 = arith.constant 96 : i32
        %parallel_loop3A_559 = arith.addi %parallel_loop3A_521, %parallel_loop3A_558 : i32
        %parallel_loop3A_560 = arith.index_cast %parallel_loop3A_559 : i32 to index
        %parallel_loop3A_561 = tpu.vector_load %arg7[%parallel_loop3A_560] {strides = array<i32>} : memref<65536xf32, #tpu.memory_space<vmem>>, vector<16xf32>,
        %parallel_loop3A_562 = vector.shape_cast %parallel_loop3A_561 : vector<16xf32> to vector<16xf32>
        %parallel_loop3A_563 = arith.addf %parallel_loop3A_509, %parallel_loop3A_562 : vector<16xf32>
        %parallel_loop3A_564 = arith.constant 112 : i32
        %parallel_loop3A_565 = arith.addi %parallel_loop3A_521, %parallel_loop3A_564 : i32
        %parallel_loop3A_566 = arith.index_cast %parallel_loop3A_565 : i32 to index
        %parallel_loop3A_567 = tpu.vector_load %arg7[%parallel_loop3A_566] {strides = array<i32>} : memref<65536xf32, #tpu.memory_space<vmem>>, vector<16xf32>,
        %parallel_loop3A_568 = vector.shape_cast %parallel_loop3A_567 : vector<16xf32> to vector<16xf32>
        %parallel_loop3A_569 = arith.addf %parallel_loop3A_515, %parallel_loop3A_568 : vector<16xf32>
        %parallel_loop3A_570 = vector.extract_strided_slice %parallel_loop3A_415 {offsets = [3], sizes = [1], strides = [1]} : vector<16xi32> to vector<1xi32>
        %parallel_loop3A_571 = vector.extract %parallel_loop3A_570[0] : i32 from vector<1xi32>
        %parallel_loop3A_572 = arith.constant 192 : i32
        %parallel_loop3A_573 = arith.addi %parallel_loop3A_571, %parallel_loop3A_572 : i32
        %parallel_loop3A_574 = arith.constant 128 : i32
        %parallel_loop3A_575 = arith.muli %parallel_loop3A_573, %parallel_loop3A_574 : i32
        %parallel_loop3A_576 = arith.constant 0 : i32
        %parallel_loop3A_577 = arith.addi %parallel_loop3A_575, %parallel_loop3A_576 : i32
        %parallel_loop3A_578 = arith.index_cast %parallel_loop3A_577 : i32 to index
        %parallel_loop3A_579 = tpu.vector_load %arg7[%parallel_loop3A_578] {strides = array<i32>} : memref<65536xf32, #tpu.memory_space<vmem>>, vector<16xf32>,
        %parallel_loop3A_580 = vector.shape_cast %parallel_loop3A_579 : vector<16xf32> to vector<16xf32>
        %parallel_loop3A_581 = arith.addf %parallel_loop3A_527, %parallel_loop3A_580 : vector<16xf32>
        %parallel_loop3A_582 = arith.constant 16 : i32
        %parallel_loop3A_583 = arith.addi %parallel_loop3A_575, %parallel_loop3A_582 : i32
        %parallel_loop3A_584 = arith.index_cast %parallel_loop3A_583 : i32 to index
        %parallel_loop3A_585 = tpu.vector_load %arg7[%parallel_loop3A_584] {strides = array<i32>} : memref<65536xf32, #tpu.memory_space<vmem>>, vector<16xf32>,
        %parallel_loop3A_586 = vector.shape_cast %parallel_loop3A_585 : vector<16xf32> to vector<16xf32>
        %parallel_loop3A_587 = arith.addf %parallel_loop3A_533, %parallel_loop3A_586 : vector<16xf32>
        %parallel_loop3A_588 = arith.constant 32 : i32
        %parallel_loop3A_589 = arith.addi %parallel_loop3A_575, %parallel_loop3A_588 : i32
        %parallel_loop3A_590 = arith.index_cast %parallel_loop3A_589 : i32 to index
        %parallel_loop3A_591 = tpu.vector_load %arg7[%parallel_loop3A_590] {strides = array<i32>} : memref<65536xf32, #tpu.memory_space<vmem>>, vector<16xf32>,
        %parallel_loop3A_592 = vector.shape_cast %parallel_loop3A_591 : vector<16xf32> to vector<16xf32>
        %parallel_loop3A_593 = arith.addf %parallel_loop3A_539, %parallel_loop3A_592 : vector<16xf32>
        %parallel_loop3A_594 = arith.constant 48 : i32
        %parallel_loop3A_595 = arith.addi %parallel_loop3A_575, %parallel_loop3A_594 : i32
        %parallel_loop3A_596 = arith.index_cast %parallel_loop3A_595 : i32 to index
        %parallel_loop3A_597 = tpu.vector_load %arg7[%parallel_loop3A_596] {strides = array<i32>} : memref<65536xf32, #tpu.memory_space<vmem>>, vector<16xf32>,
        %parallel_loop3A_598 = vector.shape_cast %parallel_loop3A_597 : vector<16xf32> to vector<16xf32>
        %parallel_loop3A_599 = arith.addf %parallel_loop3A_545, %parallel_loop3A_598 : vector<16xf32>
        %parallel_loop3A_600 = arith.constant 64 : i32
        %parallel_loop3A_601 = arith.addi %parallel_loop3A_575, %parallel_loop3A_600 : i32
        %parallel_loop3A_602 = arith.index_cast %parallel_loop3A_601 : i32 to index
        %parallel_loop3A_603 = tpu.vector_load %arg7[%parallel_loop3A_602] {strides = array<i32>} : memref<65536xf32, #tpu.memory_space<vmem>>, vector<16xf32>,
        %parallel_loop3A_604 = vector.shape_cast %parallel_loop3A_603 : vector<16xf32> to vector<16xf32>
        %parallel_loop3A_605 = arith.addf %parallel_loop3A_551, %parallel_loop3A_604 : vector<16xf32>
        %parallel_loop3A_606 = arith.constant 80 : i32
        %parallel_loop3A_607 = arith.addi %parallel_loop3A_575, %parallel_loop3A_606 : i32
        %parallel_loop3A_608 = arith.index_cast %parallel_loop3A_607 : i32 to index
        %parallel_loop3A_609 = tpu.vector_load %arg7[%parallel_loop3A_608] {strides = array<i32>} : memref<65536xf32, #tpu.memory_space<vmem>>, vector<16xf32>,
        %parallel_loop3A_610 = vector.shape_cast %parallel_loop3A_609 : vector<16xf32> to vector<16xf32>
        %parallel_loop3A_611 = arith.addf %parallel_loop3A_557, %parallel_loop3A_610 : vector<16xf32>
        %parallel_loop3A_612 = arith.constant 96 : i32
        %parallel_loop3A_613 = arith.addi %parallel_loop3A_575, %parallel_loop3A_612 : i32
        %parallel_loop3A_614 = arith.index_cast %parallel_loop3A_613 : i32 to index
        %parallel_loop3A_615 = tpu.vector_load %arg7[%parallel_loop3A_614] {strides = array<i32>} : memref<65536xf32, #tpu.memory_space<vmem>>, vector<16xf32>,
        %parallel_loop3A_616 = vector.shape_cast %parallel_loop3A_615 : vector<16xf32> to vector<16xf32>
        %parallel_loop3A_617 = arith.addf %parallel_loop3A_563, %parallel_loop3A_616 : vector<16xf32>
        %parallel_loop3A_618 = arith.constant 112 : i32
        %parallel_loop3A_619 = arith.addi %parallel_loop3A_575, %parallel_loop3A_618 : i32
        %parallel_loop3A_620 = arith.index_cast %parallel_loop3A_619 : i32 to index
        %parallel_loop3A_621 = tpu.vector_load %arg7[%parallel_loop3A_620] {strides = array<i32>} : memref<65536xf32, #tpu.memory_space<vmem>>, vector<16xf32>,
        %parallel_loop3A_622 = vector.shape_cast %parallel_loop3A_621 : vector<16xf32> to vector<16xf32>
        %parallel_loop3A_623 = arith.addf %parallel_loop3A_569, %parallel_loop3A_622 : vector<16xf32>
        %parallel_loop3A_624 = vector.extract_strided_slice %parallel_loop3A_415 {offsets = [4], sizes = [1], strides = [1]} : vector<16xi32> to vector<1xi32>
        %parallel_loop3A_625 = vector.extract %parallel_loop3A_624[0] : i32 from vector<1xi32>
        %parallel_loop3A_626 = arith.constant 256 : i32
        %parallel_loop3A_627 = arith.addi %parallel_loop3A_625, %parallel_loop3A_626 : i32
        %parallel_loop3A_628 = arith.constant 128 : i32
        %parallel_loop3A_629 = arith.muli %parallel_loop3A_627, %parallel_loop3A_628 : i32
        %parallel_loop3A_630 = arith.constant 0 : i32
        %parallel_loop3A_631 = arith.addi %parallel_loop3A_629, %parallel_loop3A_630 : i32
        %parallel_loop3A_632 = arith.index_cast %parallel_loop3A_631 : i32 to index
        %parallel_loop3A_633 = tpu.vector_load %arg7[%parallel_loop3A_632] {strides = array<i32>} : memref<65536xf32, #tpu.memory_space<vmem>>, vector<16xf32>,
        %parallel_loop3A_634 = vector.shape_cast %parallel_loop3A_633 : vector<16xf32> to vector<16xf32>
        %parallel_loop3A_635 = arith.addf %parallel_loop3A_581, %parallel_loop3A_634 : vector<16xf32>
        %parallel_loop3A_636 = arith.constant 16 : i32
        %parallel_loop3A_637 = arith.addi %parallel_loop3A_629, %parallel_loop3A_636 : i32
        %parallel_loop3A_638 = arith.index_cast %parallel_loop3A_637 : i32 to index
        %parallel_loop3A_639 = tpu.vector_load %arg7[%parallel_loop3A_638] {strides = array<i32>} : memref<65536xf32, #tpu.memory_space<vmem>>, vector<16xf32>,
        %parallel_loop3A_640 = vector.shape_cast %parallel_loop3A_639 : vector<16xf32> to vector<16xf32>
        %parallel_loop3A_641 = arith.addf %parallel_loop3A_587, %parallel_loop3A_640 : vector<16xf32>
        %parallel_loop3A_642 = arith.constant 32 : i32
        %parallel_loop3A_643 = arith.addi %parallel_loop3A_629, %parallel_loop3A_642 : i32
        %parallel_loop3A_644 = arith.index_cast %parallel_loop3A_643 : i32 to index
        %parallel_loop3A_645 = tpu.vector_load %arg7[%parallel_loop3A_644] {strides = array<i32>} : memref<65536xf32, #tpu.memory_space<vmem>>, vector<16xf32>,
        %parallel_loop3A_646 = vector.shape_cast %parallel_loop3A_645 : vector<16xf32> to vector<16xf32>
        %parallel_loop3A_647 = arith.addf %parallel_loop3A_593, %parallel_loop3A_646 : vector<16xf32>
        %parallel_loop3A_648 = arith.constant 48 : i32
        %parallel_loop3A_649 = arith.addi %parallel_loop3A_629, %parallel_loop3A_648 : i32
        %parallel_loop3A_650 = arith.index_cast %parallel_loop3A_649 : i32 to index
        %parallel_loop3A_651 = tpu.vector_load %arg7[%parallel_loop3A_650] {strides = array<i32>} : memref<65536xf32, #tpu.memory_space<vmem>>, vector<16xf32>,
        %parallel_loop3A_652 = vector.shape_cast %parallel_loop3A_651 : vector<16xf32> to vector<16xf32>
        %parallel_loop3A_653 = arith.addf %parallel_loop3A_599, %parallel_loop3A_652 : vector<16xf32>
        %parallel_loop3A_654 = arith.constant 64 : i32
        %parallel_loop3A_655 = arith.addi %parallel_loop3A_629, %parallel_loop3A_654 : i32
        %parallel_loop3A_656 = arith.index_cast %parallel_loop3A_655 : i32 to index
        %parallel_loop3A_657 = tpu.vector_load %arg7[%parallel_loop3A_656] {strides = array<i32>} : memref<65536xf32, #tpu.memory_space<vmem>>, vector<16xf32>,
        %parallel_loop3A_658 = vector.shape_cast %parallel_loop3A_657 : vector<16xf32> to vector<16xf32>
        %parallel_loop3A_659 = arith.addf %parallel_loop3A_605, %parallel_loop3A_658 : vector<16xf32>
        %parallel_loop3A_660 = arith.constant 80 : i32
        %parallel_loop3A_661 = arith.addi %parallel_loop3A_629, %parallel_loop3A_660 : i32
        %parallel_loop3A_662 = arith.index_cast %parallel_loop3A_661 : i32 to index
        %parallel_loop3A_663 = tpu.vector_load %arg7[%parallel_loop3A_662] {strides = array<i32>} : memref<65536xf32, #tpu.memory_space<vmem>>, vector<16xf32>,
        %parallel_loop3A_664 = vector.shape_cast %parallel_loop3A_663 : vector<16xf32> to vector<16xf32>
        %parallel_loop3A_665 = arith.addf %parallel_loop3A_611, %parallel_loop3A_664 : vector<16xf32>
        %parallel_loop3A_666 = arith.constant 96 : i32
        %parallel_loop3A_667 = arith.addi %parallel_loop3A_629, %parallel_loop3A_666 : i32
        %parallel_loop3A_668 = arith.index_cast %parallel_loop3A_667 : i32 to index
        %parallel_loop3A_669 = tpu.vector_load %arg7[%parallel_loop3A_668] {strides = array<i32>} : memref<65536xf32, #tpu.memory_space<vmem>>, vector<16xf32>,
        %parallel_loop3A_670 = vector.shape_cast %parallel_loop3A_669 : vector<16xf32> to vector<16xf32>
        %parallel_loop3A_671 = arith.addf %parallel_loop3A_617, %parallel_loop3A_670 : vector<16xf32>
        %parallel_loop3A_672 = arith.constant 112 : i32
        %parallel_loop3A_673 = arith.addi %parallel_loop3A_629, %parallel_loop3A_672 : i32
        %parallel_loop3A_674 = arith.index_cast %parallel_loop3A_673 : i32 to index
        %parallel_loop3A_675 = tpu.vector_load %arg7[%parallel_loop3A_674] {strides = array<i32>} : memref<65536xf32, #tpu.memory_space<vmem>>, vector<16xf32>,
        %parallel_loop3A_676 = vector.shape_cast %parallel_loop3A_675 : vector<16xf32> to vector<16xf32>
        %parallel_loop3A_677 = arith.addf %parallel_loop3A_623, %parallel_loop3A_676 : vector<16xf32>
        %parallel_loop3A_678 = vector.extract_strided_slice %parallel_loop3A_415 {offsets = [5], sizes = [1], strides = [1]} : vector<16xi32> to vector<1xi32>
        %parallel_loop3A_679 = vector.extract %parallel_loop3A_678[0] : i32 from vector<1xi32>
        %parallel_loop3A_680 = arith.constant 320 : i32
        %parallel_loop3A_681 = arith.addi %parallel_loop3A_679, %parallel_loop3A_680 : i32
        %parallel_loop3A_682 = arith.constant 128 : i32
        %parallel_loop3A_683 = arith.muli %parallel_loop3A_681, %parallel_loop3A_682 : i32
        %parallel_loop3A_684 = arith.constant 0 : i32
        %parallel_loop3A_685 = arith.addi %parallel_loop3A_683, %parallel_loop3A_684 : i32
        %parallel_loop3A_686 = arith.index_cast %parallel_loop3A_685 : i32 to index
        %parallel_loop3A_687 = tpu.vector_load %arg7[%parallel_loop3A_686] {strides = array<i32>} : memref<65536xf32, #tpu.memory_space<vmem>>, vector<16xf32>,
        %parallel_loop3A_688 = vector.shape_cast %parallel_loop3A_687 : vector<16xf32> to vector<16xf32>
        %parallel_loop3A_689 = arith.addf %parallel_loop3A_635, %parallel_loop3A_688 : vector<16xf32>
        %parallel_loop3A_690 = arith.constant 16 : i32
        %parallel_loop3A_691 = arith.addi %parallel_loop3A_683, %parallel_loop3A_690 : i32
        %parallel_loop3A_692 = arith.index_cast %parallel_loop3A_691 : i32 to index
        %parallel_loop3A_693 = tpu.vector_load %arg7[%parallel_loop3A_692] {strides = array<i32>} : memref<65536xf32, #tpu.memory_space<vmem>>, vector<16xf32>,
        %parallel_loop3A_694 = vector.shape_cast %parallel_loop3A_693 : vector<16xf32> to vector<16xf32>
        %parallel_loop3A_695 = arith.addf %parallel_loop3A_641, %parallel_loop3A_694 : vector<16xf32>
        %parallel_loop3A_696 = arith.constant 32 : i32
        %parallel_loop3A_697 = arith.addi %parallel_loop3A_683, %parallel_loop3A_696 : i32
        %parallel_loop3A_698 = arith.index_cast %parallel_loop3A_697 : i32 to index
        %parallel_loop3A_699 = tpu.vector_load %arg7[%parallel_loop3A_698] {strides = array<i32>} : memref<65536xf32, #tpu.memory_space<vmem>>, vector<16xf32>,
        %parallel_loop3A_700 = vector.shape_cast %parallel_loop3A_699 : vector<16xf32> to vector<16xf32>
        %parallel_loop3A_701 = arith.addf %parallel_loop3A_647, %parallel_loop3A_700 : vector<16xf32>
        %parallel_loop3A_702 = arith.constant 48 : i32
        %parallel_loop3A_703 = arith.addi %parallel_loop3A_683, %parallel_loop3A_702 : i32
        %parallel_loop3A_704 = arith.index_cast %parallel_loop3A_703 : i32 to index
        %parallel_loop3A_705 = tpu.vector_load %arg7[%parallel_loop3A_704] {strides = array<i32>} : memref<65536xf32, #tpu.memory_space<vmem>>, vector<16xf32>,
        %parallel_loop3A_706 = vector.shape_cast %parallel_loop3A_705 : vector<16xf32> to vector<16xf32>
        %parallel_loop3A_707 = arith.addf %parallel_loop3A_653, %parallel_loop3A_706 : vector<16xf32>
        %parallel_loop3A_708 = arith.constant 64 : i32
        %parallel_loop3A_709 = arith.addi %parallel_loop3A_683, %parallel_loop3A_708 : i32
        %parallel_loop3A_710 = arith.index_cast %parallel_loop3A_709 : i32 to index
        %parallel_loop3A_711 = tpu.vector_load %arg7[%parallel_loop3A_710] {strides = array<i32>} : memref<65536xf32, #tpu.memory_space<vmem>>, vector<16xf32>,
        %parallel_loop3A_712 = vector.shape_cast %parallel_loop3A_711 : vector<16xf32> to vector<16xf32>
        %parallel_loop3A_713 = arith.addf %parallel_loop3A_659, %parallel_loop3A_712 : vector<16xf32>
        %parallel_loop3A_714 = arith.constant 80 : i32
        %parallel_loop3A_715 = arith.addi %parallel_loop3A_683, %parallel_loop3A_714 : i32
        %parallel_loop3A_716 = arith.index_cast %parallel_loop3A_715 : i32 to index
        %parallel_loop3A_717 = tpu.vector_load %arg7[%parallel_loop3A_716] {strides = array<i32>} : memref<65536xf32, #tpu.memory_space<vmem>>, vector<16xf32>,
        %parallel_loop3A_718 = vector.shape_cast %parallel_loop3A_717 : vector<16xf32> to vector<16xf32>
        %parallel_loop3A_719 = arith.addf %parallel_loop3A_665, %parallel_loop3A_718 : vector<16xf32>
        %parallel_loop3A_720 = arith.constant 96 : i32
        %parallel_loop3A_721 = arith.addi %parallel_loop3A_683, %parallel_loop3A_720 : i32
        %parallel_loop3A_722 = arith.index_cast %parallel_loop3A_721 : i32 to index
        %parallel_loop3A_723 = tpu.vector_load %arg7[%parallel_loop3A_722] {strides = array<i32>} : memref<65536xf32, #tpu.memory_space<vmem>>, vector<16xf32>,
        %parallel_loop3A_724 = vector.shape_cast %parallel_loop3A_723 : vector<16xf32> to vector<16xf32>
        %parallel_loop3A_725 = arith.addf %parallel_loop3A_671, %parallel_loop3A_724 : vector<16xf32>
        %parallel_loop3A_726 = arith.constant 112 : i32
        %parallel_loop3A_727 = arith.addi %parallel_loop3A_683, %parallel_loop3A_726 : i32
        %parallel_loop3A_728 = arith.index_cast %parallel_loop3A_727 : i32 to index
        %parallel_loop3A_729 = tpu.vector_load %arg7[%parallel_loop3A_728] {strides = array<i32>} : memref<65536xf32, #tpu.memory_space<vmem>>, vector<16xf32>,
        %parallel_loop3A_730 = vector.shape_cast %parallel_loop3A_729 : vector<16xf32> to vector<16xf32>
        %parallel_loop3A_731 = arith.addf %parallel_loop3A_677, %parallel_loop3A_730 : vector<16xf32>
        %parallel_loop3A_732 = vector.extract_strided_slice %parallel_loop3A_415 {offsets = [6], sizes = [1], strides = [1]} : vector<16xi32> to vector<1xi32>
        %parallel_loop3A_733 = vector.extract %parallel_loop3A_732[0] : i32 from vector<1xi32>
        %parallel_loop3A_734 = arith.constant 384 : i32
        %parallel_loop3A_735 = arith.addi %parallel_loop3A_733, %parallel_loop3A_734 : i32
        %parallel_loop3A_736 = arith.constant 128 : i32
        %parallel_loop3A_737 = arith.muli %parallel_loop3A_735, %parallel_loop3A_736 : i32
        %parallel_loop3A_738 = arith.constant 0 : i32
        %parallel_loop3A_739 = arith.addi %parallel_loop3A_737, %parallel_loop3A_738 : i32
        %parallel_loop3A_740 = arith.index_cast %parallel_loop3A_739 : i32 to index
        %parallel_loop3A_741 = tpu.vector_load %arg7[%parallel_loop3A_740] {strides = array<i32>} : memref<65536xf32, #tpu.memory_space<vmem>>, vector<16xf32>,
        %parallel_loop3A_742 = vector.shape_cast %parallel_loop3A_741 : vector<16xf32> to vector<16xf32>
        %parallel_loop3A_743 = arith.addf %parallel_loop3A_689, %parallel_loop3A_742 : vector<16xf32>
        %parallel_loop3A_744 = arith.constant 16 : i32
        %parallel_loop3A_745 = arith.addi %parallel_loop3A_737, %parallel_loop3A_744 : i32
        %parallel_loop3A_746 = arith.index_cast %parallel_loop3A_745 : i32 to index
        %parallel_loop3A_747 = tpu.vector_load %arg7[%parallel_loop3A_746] {strides = array<i32>} : memref<65536xf32, #tpu.memory_space<vmem>>, vector<16xf32>,
        %parallel_loop3A_748 = vector.shape_cast %parallel_loop3A_747 : vector<16xf32> to vector<16xf32>
        %parallel_loop3A_749 = arith.addf %parallel_loop3A_695, %parallel_loop3A_748 : vector<16xf32>
        %parallel_loop3A_750 = arith.constant 32 : i32
        %parallel_loop3A_751 = arith.addi %parallel_loop3A_737, %parallel_loop3A_750 : i32
        %parallel_loop3A_752 = arith.index_cast %parallel_loop3A_751 : i32 to index
        %parallel_loop3A_753 = tpu.vector_load %arg7[%parallel_loop3A_752] {strides = array<i32>} : memref<65536xf32, #tpu.memory_space<vmem>>, vector<16xf32>,
        %parallel_loop3A_754 = vector.shape_cast %parallel_loop3A_753 : vector<16xf32> to vector<16xf32>
        %parallel_loop3A_755 = arith.addf %parallel_loop3A_701, %parallel_loop3A_754 : vector<16xf32>
        %parallel_loop3A_756 = arith.constant 48 : i32
        %parallel_loop3A_757 = arith.addi %parallel_loop3A_737, %parallel_loop3A_756 : i32
        %parallel_loop3A_758 = arith.index_cast %parallel_loop3A_757 : i32 to index
        %parallel_loop3A_759 = tpu.vector_load %arg7[%parallel_loop3A_758] {strides = array<i32>} : memref<65536xf32, #tpu.memory_space<vmem>>, vector<16xf32>,
        %parallel_loop3A_760 = vector.shape_cast %parallel_loop3A_759 : vector<16xf32> to vector<16xf32>
        %parallel_loop3A_761 = arith.addf %parallel_loop3A_707, %parallel_loop3A_760 : vector<16xf32>
        %parallel_loop3A_762 = arith.constant 64 : i32
        %parallel_loop3A_763 = arith.addi %parallel_loop3A_737, %parallel_loop3A_762 : i32
        %parallel_loop3A_764 = arith.index_cast %parallel_loop3A_763 : i32 to index
        %parallel_loop3A_765 = tpu.vector_load %arg7[%parallel_loop3A_764] {strides = array<i32>} : memref<65536xf32, #tpu.memory_space<vmem>>, vector<16xf32>,
        %parallel_loop3A_766 = vector.shape_cast %parallel_loop3A_765 : vector<16xf32> to vector<16xf32>
        %parallel_loop3A_767 = arith.addf %parallel_loop3A_713, %parallel_loop3A_766 : vector<16xf32>
        %parallel_loop3A_768 = arith.constant 80 : i32
        %parallel_loop3A_769 = arith.addi %parallel_loop3A_737, %parallel_loop3A_768 : i32
        %parallel_loop3A_770 = arith.index_cast %parallel_loop3A_769 : i32 to index
        %parallel_loop3A_771 = tpu.vector_load %arg7[%parallel_loop3A_770] {strides = array<i32>} : memref<65536xf32, #tpu.memory_space<vmem>>, vector<16xf32>,
        %parallel_loop3A_772 = vector.shape_cast %parallel_loop3A_771 : vector<16xf32> to vector<16xf32>
        %parallel_loop3A_773 = arith.addf %parallel_loop3A_719, %parallel_loop3A_772 : vector<16xf32>
        %parallel_loop3A_774 = arith.constant 96 : i32
        %parallel_loop3A_775 = arith.addi %parallel_loop3A_737, %parallel_loop3A_774 : i32
        %parallel_loop3A_776 = arith.index_cast %parallel_loop3A_775 : i32 to index
        %parallel_loop3A_777 = tpu.vector_load %arg7[%parallel_loop3A_776] {strides = array<i32>} : memref<65536xf32, #tpu.memory_space<vmem>>, vector<16xf32>,
        %parallel_loop3A_778 = vector.shape_cast %parallel_loop3A_777 : vector<16xf32> to vector<16xf32>
        %parallel_loop3A_779 = arith.addf %parallel_loop3A_725, %parallel_loop3A_778 : vector<16xf32>
        %parallel_loop3A_780 = arith.constant 112 : i32
        %parallel_loop3A_781 = arith.addi %parallel_loop3A_737, %parallel_loop3A_780 : i32
        %parallel_loop3A_782 = arith.index_cast %parallel_loop3A_781 : i32 to index
        %parallel_loop3A_783 = tpu.vector_load %arg7[%parallel_loop3A_782] {strides = array<i32>} : memref<65536xf32, #tpu.memory_space<vmem>>, vector<16xf32>,
        %parallel_loop3A_784 = vector.shape_cast %parallel_loop3A_783 : vector<16xf32> to vector<16xf32>
        %parallel_loop3A_785 = arith.addf %parallel_loop3A_731, %parallel_loop3A_784 : vector<16xf32>
        %parallel_loop3A_786 = vector.extract_strided_slice %parallel_loop3A_415 {offsets = [7], sizes = [1], strides = [1]} : vector<16xi32> to vector<1xi32>
        %parallel_loop3A_787 = vector.extract %parallel_loop3A_786[0] : i32 from vector<1xi32>
        %parallel_loop3A_788 = arith.constant 448 : i32
        %parallel_loop3A_789 = arith.addi %parallel_loop3A_787, %parallel_loop3A_788 : i32
        %parallel_loop3A_790 = arith.constant 128 : i32
        %parallel_loop3A_791 = arith.muli %parallel_loop3A_789, %parallel_loop3A_790 : i32
        %parallel_loop3A_792 = arith.constant 0 : i32
        %parallel_loop3A_793 = arith.addi %parallel_loop3A_791, %parallel_loop3A_792 : i32
        %parallel_loop3A_794 = arith.index_cast %parallel_loop3A_793 : i32 to index
        %parallel_loop3A_795 = tpu.vector_load %arg7[%parallel_loop3A_794] {strides = array<i32>} : memref<65536xf32, #tpu.memory_space<vmem>>, vector<16xf32>,
        %parallel_loop3A_796 = vector.shape_cast %parallel_loop3A_795 : vector<16xf32> to vector<16xf32>
        %parallel_loop3A_797 = arith.addf %parallel_loop3A_743, %parallel_loop3A_796 : vector<16xf32>
        %parallel_loop3A_798 = arith.constant 16 : i32
        %parallel_loop3A_799 = arith.addi %parallel_loop3A_791, %parallel_loop3A_798 : i32
        %parallel_loop3A_800 = arith.index_cast %parallel_loop3A_799 : i32 to index
        %parallel_loop3A_801 = tpu.vector_load %arg7[%parallel_loop3A_800] {strides = array<i32>} : memref<65536xf32, #tpu.memory_space<vmem>>, vector<16xf32>,
        %parallel_loop3A_802 = vector.shape_cast %parallel_loop3A_801 : vector<16xf32> to vector<16xf32>
        %parallel_loop3A_803 = arith.addf %parallel_loop3A_749, %parallel_loop3A_802 : vector<16xf32>
        %parallel_loop3A_804 = arith.constant 32 : i32
        %parallel_loop3A_805 = arith.addi %parallel_loop3A_791, %parallel_loop3A_804 : i32
        %parallel_loop3A_806 = arith.index_cast %parallel_loop3A_805 : i32 to index
        %parallel_loop3A_807 = tpu.vector_load %arg7[%parallel_loop3A_806] {strides = array<i32>} : memref<65536xf32, #tpu.memory_space<vmem>>, vector<16xf32>,
        %parallel_loop3A_808 = vector.shape_cast %parallel_loop3A_807 : vector<16xf32> to vector<16xf32>
        %parallel_loop3A_809 = arith.addf %parallel_loop3A_755, %parallel_loop3A_808 : vector<16xf32>
        %parallel_loop3A_810 = arith.constant 48 : i32
        %parallel_loop3A_811 = arith.addi %parallel_loop3A_791, %parallel_loop3A_810 : i32
        %parallel_loop3A_812 = arith.index_cast %parallel_loop3A_811 : i32 to index
        %parallel_loop3A_813 = tpu.vector_load %arg7[%parallel_loop3A_812] {strides = array<i32>} : memref<65536xf32, #tpu.memory_space<vmem>>, vector<16xf32>,
        %parallel_loop3A_814 = vector.shape_cast %parallel_loop3A_813 : vector<16xf32> to vector<16xf32>
        %parallel_loop3A_815 = arith.addf %parallel_loop3A_761, %parallel_loop3A_814 : vector<16xf32>
        %parallel_loop3A_816 = arith.constant 64 : i32
        %parallel_loop3A_817 = arith.addi %parallel_loop3A_791, %parallel_loop3A_816 : i32
        %parallel_loop3A_818 = arith.index_cast %parallel_loop3A_817 : i32 to index
        %parallel_loop3A_819 = tpu.vector_load %arg7[%parallel_loop3A_818] {strides = array<i32>} : memref<65536xf32, #tpu.memory_space<vmem>>, vector<16xf32>,
        %parallel_loop3A_820 = vector.shape_cast %parallel_loop3A_819 : vector<16xf32> to vector<16xf32>
        %parallel_loop3A_821 = arith.addf %parallel_loop3A_767, %parallel_loop3A_820 : vector<16xf32>
        %parallel_loop3A_822 = arith.constant 80 : i32
        %parallel_loop3A_823 = arith.addi %parallel_loop3A_791, %parallel_loop3A_822 : i32
        %parallel_loop3A_824 = arith.index_cast %parallel_loop3A_823 : i32 to index
        %parallel_loop3A_825 = tpu.vector_load %arg7[%parallel_loop3A_824] {strides = array<i32>} : memref<65536xf32, #tpu.memory_space<vmem>>, vector<16xf32>,
        %parallel_loop3A_826 = vector.shape_cast %parallel_loop3A_825 : vector<16xf32> to vector<16xf32>
        %parallel_loop3A_827 = arith.addf %parallel_loop3A_773, %parallel_loop3A_826 : vector<16xf32>
        %parallel_loop3A_828 = arith.constant 96 : i32
        %parallel_loop3A_829 = arith.addi %parallel_loop3A_791, %parallel_loop3A_828 : i32
        %parallel_loop3A_830 = arith.index_cast %parallel_loop3A_829 : i32 to index
        %parallel_loop3A_831 = tpu.vector_load %arg7[%parallel_loop3A_830] {strides = array<i32>} : memref<65536xf32, #tpu.memory_space<vmem>>, vector<16xf32>,
        %parallel_loop3A_832 = vector.shape_cast %parallel_loop3A_831 : vector<16xf32> to vector<16xf32>
        %parallel_loop3A_833 = arith.addf %parallel_loop3A_779, %parallel_loop3A_832 : vector<16xf32>
        %parallel_loop3A_834 = arith.constant 112 : i32
        %parallel_loop3A_835 = arith.addi %parallel_loop3A_791, %parallel_loop3A_834 : i32
        %parallel_loop3A_836 = arith.index_cast %parallel_loop3A_835 : i32 to index
        %parallel_loop3A_837 = tpu.vector_load %arg7[%parallel_loop3A_836] {strides = array<i32>} : memref<65536xf32, #tpu.memory_space<vmem>>, vector<16xf32>,
        %parallel_loop3A_838 = vector.shape_cast %parallel_loop3A_837 : vector<16xf32> to vector<16xf32>
        %parallel_loop3A_839 = arith.addf %parallel_loop3A_785, %parallel_loop3A_838 : vector<16xf32>
        %parallel_loop3A_840 = arith.mulf %parallel_loop3A_797, %parallel_loop3A_797 : vector<16xf32>
        %parallel_loop3A_841 = arith.addf %parallel_loop3A_797, %parallel_loop3A_803 : vector<16xf32>
        %parallel_loop3A_842 = arith.mulf %parallel_loop3A_803, %parallel_loop3A_803 : vector<16xf32>
        %parallel_loop3A_843 = arith.addf %parallel_loop3A_840, %parallel_loop3A_842 : vector<16xf32>
        %parallel_loop3A_844 = arith.addf %parallel_loop3A_841, %parallel_loop3A_809 : vector<16xf32>
        %parallel_loop3A_845 = arith.mulf %parallel_loop3A_809, %parallel_loop3A_809 : vector<16xf32>
        %parallel_loop3A_846 = arith.addf %parallel_loop3A_843, %parallel_loop3A_845 : vector<16xf32>
        %parallel_loop3A_847 = arith.addf %parallel_loop3A_844, %parallel_loop3A_815 : vector<16xf32>
        %parallel_loop3A_848 = arith.mulf %parallel_loop3A_815, %parallel_loop3A_815 : vector<16xf32>
        %parallel_loop3A_849 = arith.addf %parallel_loop3A_846, %parallel_loop3A_848 : vector<16xf32>
        %parallel_loop3A_850 = arith.addf %parallel_loop3A_847, %parallel_loop3A_821 : vector<16xf32>
        %parallel_loop3A_851 = arith.mulf %parallel_loop3A_821, %parallel_loop3A_821 : vector<16xf32>
        %parallel_loop3A_852 = arith.addf %parallel_loop3A_849, %parallel_loop3A_851 : vector<16xf32>
        %parallel_loop3A_853 = arith.addf %parallel_loop3A_850, %parallel_loop3A_827 : vector<16xf32>
        %parallel_loop3A_854 = arith.mulf %parallel_loop3A_827, %parallel_loop3A_827 : vector<16xf32>
        %parallel_loop3A_855 = arith.addf %parallel_loop3A_852, %parallel_loop3A_854 : vector<16xf32>
        %parallel_loop3A_856 = arith.addf %parallel_loop3A_853, %parallel_loop3A_833 : vector<16xf32>
        %parallel_loop3A_857 = arith.mulf %parallel_loop3A_833, %parallel_loop3A_833 : vector<16xf32>
        %parallel_loop3A_858 = arith.addf %parallel_loop3A_855, %parallel_loop3A_857 : vector<16xf32>
        %parallel_loop3A_859 = arith.addf %parallel_loop3A_856, %parallel_loop3A_839 : vector<16xf32>
        %parallel_loop3A_860 = arith.mulf %parallel_loop3A_839, %parallel_loop3A_839 : vector<16xf32>
        %parallel_loop3A_861 = arith.addf %parallel_loop3A_858, %parallel_loop3A_860 : vector<16xf32>
        %parallel_loop3A_862 = tpu.iota {dimensions = array<i32: 0>} : vector<16xi32>
        %parallel_loop3A_863 = arith.constant 8 : i32
        %parallel_loop3A_864 = vector.broadcast %parallel_loop3A_863 : i32 to vector<16xi32>
        %parallel_loop3A_865 = arith.xori %parallel_loop3A_862, %parallel_loop3A_864 : vector<16xi32>
        %parallel_loop3A_866 = vector.shape_cast %parallel_loop3A_865 : vector<16xi32> to vector<16x1xi32>
        %parallel_loop3A_867 = vector.shape_cast %parallel_loop3A_866 : vector<16x1xi32> to vector<16xi32>
        %parallel_loop3A_868 = tpu.dynamic_gather %parallel_loop3A_859[%parallel_loop3A_867] in [0] : vector<16xf32>, vector<16xi32> -> vector<16xf32>
        %parallel_loop3A_869 = arith.addf %parallel_loop3A_859, %parallel_loop3A_868 : vector<16xf32>
        %parallel_loop3A_870 = tpu.iota {dimensions = array<i32: 0>} : vector<16xi32>
        %parallel_loop3A_871 = arith.constant 4 : i32
        %parallel_loop3A_872 = vector.broadcast %parallel_loop3A_871 : i32 to vector<16xi32>
        %parallel_loop3A_873 = arith.xori %parallel_loop3A_870, %parallel_loop3A_872 : vector<16xi32>
        %parallel_loop3A_874 = vector.shape_cast %parallel_loop3A_873 : vector<16xi32> to vector<16x1xi32>
        %parallel_loop3A_875 = vector.shape_cast %parallel_loop3A_874 : vector<16x1xi32> to vector<16xi32>
        %parallel_loop3A_876 = tpu.dynamic_gather %parallel_loop3A_869[%parallel_loop3A_875] in [0] : vector<16xf32>, vector<16xi32> -> vector<16xf32>
        %parallel_loop3A_877 = arith.addf %parallel_loop3A_869, %parallel_loop3A_876 : vector<16xf32>
        %parallel_loop3A_878 = tpu.iota {dimensions = array<i32: 0>} : vector<16xi32>
        %parallel_loop3A_879 = arith.constant 2 : i32
        %parallel_loop3A_880 = vector.broadcast %parallel_loop3A_879 : i32 to vector<16xi32>
        %parallel_loop3A_881 = arith.xori %parallel_loop3A_878, %parallel_loop3A_880 : vector<16xi32>
        %parallel_loop3A_882 = vector.shape_cast %parallel_loop3A_881 : vector<16xi32> to vector<16x1xi32>
        %parallel_loop3A_883 = vector.shape_cast %parallel_loop3A_882 : vector<16x1xi32> to vector<16xi32>
        %parallel_loop3A_884 = tpu.dynamic_gather %parallel_loop3A_877[%parallel_loop3A_883] in [0] : vector<16xf32>, vector<16xi32> -> vector<16xf32>
        %parallel_loop3A_885 = arith.addf %parallel_loop3A_877, %parallel_loop3A_884 : vector<16xf32>
        %parallel_loop3A_886 = tpu.iota {dimensions = array<i32: 0>} : vector<16xi32>
        %parallel_loop3A_887 = arith.constant 1 : i32
        %parallel_loop3A_888 = vector.broadcast %parallel_loop3A_887 : i32 to vector<16xi32>
        %parallel_loop3A_889 = arith.xori %parallel_loop3A_886, %parallel_loop3A_888 : vector<16xi32>
        %parallel_loop3A_890 = vector.shape_cast %parallel_loop3A_889 : vector<16xi32> to vector<16x1xi32>
        %parallel_loop3A_891 = vector.shape_cast %parallel_loop3A_890 : vector<16x1xi32> to vector<16xi32>
        %parallel_loop3A_892 = tpu.dynamic_gather %parallel_loop3A_885[%parallel_loop3A_891] in [0] : vector<16xf32>, vector<16xi32> -> vector<16xf32>
        %parallel_loop3A_893 = arith.addf %parallel_loop3A_885, %parallel_loop3A_892 : vector<16xf32>
        %parallel_loop3A_894 = arith.constant 7.812500e-03 : f32
        %parallel_loop3A_895 = vector.broadcast %parallel_loop3A_894 : f32 to vector<16xf32>
        %parallel_loop3A_896 = arith.mulf %parallel_loop3A_893, %parallel_loop3A_895 : vector<16xf32>
        %parallel_loop3A_897 = tpu.iota {dimensions = array<i32: 0>} : vector<16xi32>
        %parallel_loop3A_898 = arith.constant 8 : i32
        %parallel_loop3A_899 = vector.broadcast %parallel_loop3A_898 : i32 to vector<16xi32>
        %parallel_loop3A_900 = arith.xori %parallel_loop3A_897, %parallel_loop3A_899 : vector<16xi32>
        %parallel_loop3A_901 = vector.shape_cast %parallel_loop3A_900 : vector<16xi32> to vector<16x1xi32>
        %parallel_loop3A_902 = vector.shape_cast %parallel_loop3A_901 : vector<16x1xi32> to vector<16xi32>
        %parallel_loop3A_903 = tpu.dynamic_gather %parallel_loop3A_861[%parallel_loop3A_902] in [0] : vector<16xf32>, vector<16xi32> -> vector<16xf32>
        %parallel_loop3A_904 = arith.addf %parallel_loop3A_861, %parallel_loop3A_903 : vector<16xf32>
        %parallel_loop3A_905 = tpu.iota {dimensions = array<i32: 0>} : vector<16xi32>
        %parallel_loop3A_906 = arith.constant 4 : i32
        %parallel_loop3A_907 = vector.broadcast %parallel_loop3A_906 : i32 to vector<16xi32>
        %parallel_loop3A_908 = arith.xori %parallel_loop3A_905, %parallel_loop3A_907 : vector<16xi32>
        %parallel_loop3A_909 = vector.shape_cast %parallel_loop3A_908 : vector<16xi32> to vector<16x1xi32>
        %parallel_loop3A_910 = vector.shape_cast %parallel_loop3A_909 : vector<16x1xi32> to vector<16xi32>
        %parallel_loop3A_911 = tpu.dynamic_gather %parallel_loop3A_904[%parallel_loop3A_910] in [0] : vector<16xf32>, vector<16xi32> -> vector<16xf32>
        %parallel_loop3A_912 = arith.addf %parallel_loop3A_904, %parallel_loop3A_911 : vector<16xf32>
        %parallel_loop3A_913 = tpu.iota {dimensions = array<i32: 0>} : vector<16xi32>
        %parallel_loop3A_914 = arith.constant 2 : i32
        %parallel_loop3A_915 = vector.broadcast %parallel_loop3A_914 : i32 to vector<16xi32>
        %parallel_loop3A_916 = arith.xori %parallel_loop3A_913, %parallel_loop3A_915 : vector<16xi32>
        %parallel_loop3A_917 = vector.shape_cast %parallel_loop3A_916 : vector<16xi32> to vector<16x1xi32>
        %parallel_loop3A_918 = vector.shape_cast %parallel_loop3A_917 : vector<16x1xi32> to vector<16xi32>
        %parallel_loop3A_919 = tpu.dynamic_gather %parallel_loop3A_912[%parallel_loop3A_918] in [0] : vector<16xf32>, vector<16xi32> -> vector<16xf32>
        %parallel_loop3A_920 = arith.addf %parallel_loop3A_912, %parallel_loop3A_919 : vector<16xf32>
        %parallel_loop3A_921 = tpu.iota {dimensions = array<i32: 0>} : vector<16xi32>
        %parallel_loop3A_922 = arith.constant 1 : i32
        %parallel_loop3A_923 = vector.broadcast %parallel_loop3A_922 : i32 to vector<16xi32>
        %parallel_loop3A_924 = arith.xori %parallel_loop3A_921, %parallel_loop3A_923 : vector<16xi32>
        %parallel_loop3A_925 = vector.shape_cast %parallel_loop3A_924 : vector<16xi32> to vector<16x1xi32>
        %parallel_loop3A_926 = vector.shape_cast %parallel_loop3A_925 : vector<16x1xi32> to vector<16xi32>
        %parallel_loop3A_927 = tpu.dynamic_gather %parallel_loop3A_920[%parallel_loop3A_926] in [0] : vector<16xf32>, vector<16xi32> -> vector<16xf32>
        %parallel_loop3A_928 = arith.addf %parallel_loop3A_920, %parallel_loop3A_927 : vector<16xf32>
        %parallel_loop3A_929 = arith.constant 7.812500e-03 : f32
        %parallel_loop3A_930 = vector.broadcast %parallel_loop3A_929 : f32 to vector<16xf32>
        %parallel_loop3A_931 = arith.mulf %parallel_loop3A_928, %parallel_loop3A_930 : vector<16xf32>
        %parallel_loop3A_932 = arith.mulf %parallel_loop3A_896, %parallel_loop3A_896 : vector<16xf32>
        %parallel_loop3A_933 = arith.subf %parallel_loop3A_931, %parallel_loop3A_932 : vector<16xf32>
        %parallel_loop3A_934 = arith.constant 9.99999974E-6 : f32
        %parallel_loop3A_935 = vector.broadcast %parallel_loop3A_934 : f32 to vector<16xf32>
        %parallel_loop3A_936 = arith.addf %parallel_loop3A_933, %parallel_loop3A_935 : vector<16xf32>
        %parallel_loop3A_937 = vector.extract_strided_slice %parallel_loop3A_936 {offsets = [0], sizes = [1], strides = [1]} : vector<16xf32> to vector<1xf32>
        %parallel_loop3A_938 = vector.extract %parallel_loop3A_937[0] : f32 from vector<1xf32>
        %parallel_loop3A_939 = arith.bitcast %parallel_loop3A_938 : f32 to i32
        %parallel_loop3A_940 = arith.constant 1 : i32
        %parallel_loop3A_941 = arith.shrui %parallel_loop3A_939, %parallel_loop3A_940 : i32
        %parallel_loop3A_942 = arith.constant 1597463007 : i32
        %parallel_loop3A_943 = arith.subi %parallel_loop3A_942, %parallel_loop3A_941 : i32
        %parallel_loop3A_944 = arith.bitcast %parallel_loop3A_943 : i32 to f32
        %parallel_loop3A_945 = arith.constant 5.000000e-01 : f32
        %parallel_loop3A_946 = arith.mulf %parallel_loop3A_945, %parallel_loop3A_938 : f32
        %parallel_loop3A_947 = arith.mulf %parallel_loop3A_946, %parallel_loop3A_944 : f32
        %parallel_loop3A_948 = arith.mulf %parallel_loop3A_947, %parallel_loop3A_944 : f32
        %parallel_loop3A_949 = arith.constant 1.500000e+00 : f32
        %parallel_loop3A_950 = arith.subf %parallel_loop3A_949, %parallel_loop3A_948 : f32
        %parallel_loop3A_951 = arith.mulf %parallel_loop3A_944, %parallel_loop3A_950 : f32
        %parallel_loop3A_952 = arith.constant 5.000000e-01 : f32
        %parallel_loop3A_953 = arith.mulf %parallel_loop3A_952, %parallel_loop3A_938 : f32
        %parallel_loop3A_954 = arith.mulf %parallel_loop3A_953, %parallel_loop3A_951 : f32
        %parallel_loop3A_955 = arith.mulf %parallel_loop3A_954, %parallel_loop3A_951 : f32
        %parallel_loop3A_956 = arith.constant 1.500000e+00 : f32
        %parallel_loop3A_957 = arith.subf %parallel_loop3A_956, %parallel_loop3A_955 : f32
        %parallel_loop3A_958 = arith.mulf %parallel_loop3A_951, %parallel_loop3A_957 : f32
        %parallel_loop3A_959 = vector.broadcast %parallel_loop3A_958 : f32 to vector<16xf32>
        %parallel_loop3A_960 = arith.subf %parallel_loop3A_797, %parallel_loop3A_896 : vector<16xf32>
        %parallel_loop3A_961 = arith.mulf %parallel_loop3A_960, %parallel_loop3A_959 : vector<16xf32>
        %parallel_loop3A_962 = arith.mulf %parallel_loop3A_961, %parallel_loop3A_392 : vector<16xf32>
        %parallel_loop3A_963 = arith.addf %parallel_loop3A_962, %parallel_loop3A_400 : vector<16xf32>
        %parallel_loop3A_964 = arith.constant 1 : i32
        %parallel_loop3A_965 = arith.addi %parallel_loop3A_391, %parallel_loop3A_964 : i32
        %parallel_loop3A_966 = arith.index_cast %select_n3A_266 : i32 to index
        %parallel_loop3A_967 = arith.index_cast %parallel_loop3A_965 : i32 to index
        %parallel_loop3A_968 = arith.constant 0 : index
        %parallel_loop3A_969 = tpu.vector_load %arg9[%parallel_loop3A_966, %parallel_loop3A_967, %parallel_loop3A_968] {strides = array<i32>} : memref<2x32x128xf32, #tpu.memory_space<vmem>>, vector<1x1x16xf32>,
        %parallel_loop3A_970 = vector.shape_cast %parallel_loop3A_969 : vector<1x1x16xf32> to vector<16xf32>
        %parallel_loop3A_971 = vector.shape_cast %parallel_loop3A_963 : vector<16xf32> to vector<1x1x16xf32>
        tpu.vector_store %arg9[%parallel_loop3A_966, %parallel_loop3A_967, %parallel_loop3A_968], %parallel_loop3A_971 {strides = array<i32>} : memref<2x32x128xf32, #tpu.memory_space<vmem>>, vector<1x1x16xf32>,
        %parallel_loop3A_972 = arith.subf %parallel_loop3A_803, %parallel_loop3A_896 : vector<16xf32>
        %parallel_loop3A_973 = arith.mulf %parallel_loop3A_972, %parallel_loop3A_959 : vector<16xf32>
        %parallel_loop3A_974 = arith.mulf %parallel_loop3A_973, %parallel_loop3A_393 : vector<16xf32>
        %parallel_loop3A_975 = arith.addf %parallel_loop3A_974, %parallel_loop3A_401 : vector<16xf32>
        %parallel_loop3A_976 = arith.constant 1 : i32
        %parallel_loop3A_977 = arith.addi %parallel_loop3A_391, %parallel_loop3A_976 : i32
        %parallel_loop3A_978 = arith.index_cast %select_n3A_266 : i32 to index
        %parallel_loop3A_979 = arith.index_cast %parallel_loop3A_977 : i32 to index
        %parallel_loop3A_980 = arith.constant 16 : index
        %parallel_loop3A_981 = tpu.vector_load %arg9[%parallel_loop3A_978, %parallel_loop3A_979, %parallel_loop3A_980] {strides = array<i32>} : memref<2x32x128xf32, #tpu.memory_space<vmem>>, vector<1x1x16xf32>,
        %parallel_loop3A_982 = vector.shape_cast %parallel_loop3A_981 : vector<1x1x16xf32> to vector<16xf32>
        %parallel_loop3A_983 = vector.shape_cast %parallel_loop3A_975 : vector<16xf32> to vector<1x1x16xf32>
        tpu.vector_store %arg9[%parallel_loop3A_978, %parallel_loop3A_979, %parallel_loop3A_980], %parallel_loop3A_983 {strides = array<i32>} : memref<2x32x128xf32, #tpu.memory_space<vmem>>, vector<1x1x16xf32>,
        %parallel_loop3A_984 = arith.subf %parallel_loop3A_809, %parallel_loop3A_896 : vector<16xf32>
        %parallel_loop3A_985 = arith.mulf %parallel_loop3A_984, %parallel_loop3A_959 : vector<16xf32>
        %parallel_loop3A_986 = arith.mulf %parallel_loop3A_985, %parallel_loop3A_394 : vector<16xf32>
        %parallel_loop3A_987 = arith.addf %parallel_loop3A_986, %parallel_loop3A_402 : vector<16xf32>
        %parallel_loop3A_988 = arith.constant 1 : i32
        %parallel_loop3A_989 = arith.addi %parallel_loop3A_391, %parallel_loop3A_988 : i32
        %parallel_loop3A_990 = arith.index_cast %select_n3A_266 : i32 to index
        %parallel_loop3A_991 = arith.index_cast %parallel_loop3A_989 : i32 to index
        %parallel_loop3A_992 = arith.constant 32 : index
        %parallel_loop3A_993 = tpu.vector_load %arg9[%parallel_loop3A_990, %parallel_loop3A_991, %parallel_loop3A_992] {strides = array<i32>} : memref<2x32x128xf32, #tpu.memory_space<vmem>>, vector<1x1x16xf32>,
        %parallel_loop3A_994 = vector.shape_cast %parallel_loop3A_993 : vector<1x1x16xf32> to vector<16xf32>
        %parallel_loop3A_995 = vector.shape_cast %parallel_loop3A_987 : vector<16xf32> to vector<1x1x16xf32>
        tpu.vector_store %arg9[%parallel_loop3A_990, %parallel_loop3A_991, %parallel_loop3A_992], %parallel_loop3A_995 {strides = array<i32>} : memref<2x32x128xf32, #tpu.memory_space<vmem>>, vector<1x1x16xf32>,
        %parallel_loop3A_996 = arith.subf %parallel_loop3A_815, %parallel_loop3A_896 : vector<16xf32>
        %parallel_loop3A_997 = arith.mulf %parallel_loop3A_996, %parallel_loop3A_959 : vector<16xf32>
        %parallel_loop3A_998 = arith.mulf %parallel_loop3A_997, %parallel_loop3A_395 : vector<16xf32>
        %parallel_loop3A_999 = arith.addf %parallel_loop3A_998, %parallel_loop3A_403 : vector<16xf32>
        %parallel_loop3A_1000 = arith.constant 1 : i32
        %parallel_loop3A_1001 = arith.addi %parallel_loop3A_391, %parallel_loop3A_1000 : i32
        %parallel_loop3A_1002 = arith.index_cast %select_n3A_266 : i32 to index
        %parallel_loop3A_1003 = arith.index_cast %parallel_loop3A_1001 : i32 to index
        %parallel_loop3A_1004 = arith.constant 48 : index
        %parallel_loop3A_1005 = tpu.vector_load %arg9[%parallel_loop3A_1002, %parallel_loop3A_1003, %parallel_loop3A_1004] {strides = array<i32>} : memref<2x32x128xf32, #tpu.memory_space<vmem>>, vector<1x1x16xf32>,
        %parallel_loop3A_1006 = vector.shape_cast %parallel_loop3A_1005 : vector<1x1x16xf32> to vector<16xf32>
        %parallel_loop3A_1007 = vector.shape_cast %parallel_loop3A_999 : vector<16xf32> to vector<1x1x16xf32>
        tpu.vector_store %arg9[%parallel_loop3A_1002, %parallel_loop3A_1003, %parallel_loop3A_1004], %parallel_loop3A_1007 {strides = array<i32>} : memref<2x32x128xf32, #tpu.memory_space<vmem>>, vector<1x1x16xf32>,
        %parallel_loop3A_1008 = arith.subf %parallel_loop3A_821, %parallel_loop3A_896 : vector<16xf32>
        %parallel_loop3A_1009 = arith.mulf %parallel_loop3A_1008, %parallel_loop3A_959 : vector<16xf32>
        %parallel_loop3A_1010 = arith.mulf %parallel_loop3A_1009, %parallel_loop3A_396 : vector<16xf32>
        %parallel_loop3A_1011 = arith.addf %parallel_loop3A_1010, %parallel_loop3A_404 : vector<16xf32>
        %parallel_loop3A_1012 = arith.constant 1 : i32
        %parallel_loop3A_1013 = arith.addi %parallel_loop3A_391, %parallel_loop3A_1012 : i32
        %parallel_loop3A_1014 = arith.index_cast %select_n3A_266 : i32 to index
        %parallel_loop3A_1015 = arith.index_cast %parallel_loop3A_1013 : i32 to index
        %parallel_loop3A_1016 = arith.constant 64 : index
        %parallel_loop3A_1017 = tpu.vector_load %arg9[%parallel_loop3A_1014, %parallel_loop3A_1015, %parallel_loop3A_1016] {strides = array<i32>} : memref<2x32x128xf32, #tpu.memory_space<vmem>>, vector<1x1x16xf32>,
        %parallel_loop3A_1018 = vector.shape_cast %parallel_loop3A_1017 : vector<1x1x16xf32> to vector<16xf32>
        %parallel_loop3A_1019 = vector.shape_cast %parallel_loop3A_1011 : vector<16xf32> to vector<1x1x16xf32>
        tpu.vector_store %arg9[%parallel_loop3A_1014, %parallel_loop3A_1015, %parallel_loop3A_1016], %parallel_loop3A_1019 {strides = array<i32>} : memref<2x32x128xf32, #tpu.memory_space<vmem>>, vector<1x1x16xf32>,
        %parallel_loop3A_1020 = arith.subf %parallel_loop3A_827, %parallel_loop3A_896 : vector<16xf32>
        %parallel_loop3A_1021 = arith.mulf %parallel_loop3A_1020, %parallel_loop3A_959 : vector<16xf32>
        %parallel_loop3A_1022 = arith.mulf %parallel_loop3A_1021, %parallel_loop3A_397 : vector<16xf32>
        %parallel_loop3A_1023 = arith.addf %parallel_loop3A_1022, %parallel_loop3A_405 : vector<16xf32>
        %parallel_loop3A_1024 = arith.constant 1 : i32
        %parallel_loop3A_1025 = arith.addi %parallel_loop3A_391, %parallel_loop3A_1024 : i32
        %parallel_loop3A_1026 = arith.index_cast %select_n3A_266 : i32 to index
        %parallel_loop3A_1027 = arith.index_cast %parallel_loop3A_1025 : i32 to index
        %parallel_loop3A_1028 = arith.constant 80 : index
        %parallel_loop3A_1029 = tpu.vector_load %arg9[%parallel_loop3A_1026, %parallel_loop3A_1027, %parallel_loop3A_1028] {strides = array<i32>} : memref<2x32x128xf32, #tpu.memory_space<vmem>>, vector<1x1x16xf32>,
        %parallel_loop3A_1030 = vector.shape_cast %parallel_loop3A_1029 : vector<1x1x16xf32> to vector<16xf32>
        %parallel_loop3A_1031 = vector.shape_cast %parallel_loop3A_1023 : vector<16xf32> to vector<1x1x16xf32>
        tpu.vector_store %arg9[%parallel_loop3A_1026, %parallel_loop3A_1027, %parallel_loop3A_1028], %parallel_loop3A_1031 {strides = array<i32>} : memref<2x32x128xf32, #tpu.memory_space<vmem>>, vector<1x1x16xf32>,
        %parallel_loop3A_1032 = arith.subf %parallel_loop3A_833, %parallel_loop3A_896 : vector<16xf32>
        %parallel_loop3A_1033 = arith.mulf %parallel_loop3A_1032, %parallel_loop3A_959 : vector<16xf32>
        %parallel_loop3A_1034 = arith.mulf %parallel_loop3A_1033, %parallel_loop3A_398 : vector<16xf32>
        %parallel_loop3A_1035 = arith.addf %parallel_loop3A_1034, %parallel_loop3A_406 : vector<16xf32>
        %parallel_loop3A_1036 = arith.constant 1 : i32
        %parallel_loop3A_1037 = arith.addi %parallel_loop3A_391, %parallel_loop3A_1036 : i32
        %parallel_loop3A_1038 = arith.index_cast %select_n3A_266 : i32 to index
        %parallel_loop3A_1039 = arith.index_cast %parallel_loop3A_1037 : i32 to index
        %parallel_loop3A_1040 = arith.constant 96 : index
        %parallel_loop3A_1041 = tpu.vector_load %arg9[%parallel_loop3A_1038, %parallel_loop3A_1039, %parallel_loop3A_1040] {strides = array<i32>} : memref<2x32x128xf32, #tpu.memory_space<vmem>>, vector<1x1x16xf32>,
        %parallel_loop3A_1042 = vector.shape_cast %parallel_loop3A_1041 : vector<1x1x16xf32> to vector<16xf32>
        %parallel_loop3A_1043 = vector.shape_cast %parallel_loop3A_1035 : vector<16xf32> to vector<1x1x16xf32>
        tpu.vector_store %arg9[%parallel_loop3A_1038, %parallel_loop3A_1039, %parallel_loop3A_1040], %parallel_loop3A_1043 {strides = array<i32>} : memref<2x32x128xf32, #tpu.memory_space<vmem>>, vector<1x1x16xf32>,
        %parallel_loop3A_1044 = arith.subf %parallel_loop3A_839, %parallel_loop3A_896 : vector<16xf32>
        %parallel_loop3A_1045 = arith.mulf %parallel_loop3A_1044, %parallel_loop3A_959 : vector<16xf32>
        %parallel_loop3A_1046 = arith.mulf %parallel_loop3A_1045, %parallel_loop3A_399 : vector<16xf32>
        %parallel_loop3A_1047 = arith.addf %parallel_loop3A_1046, %parallel_loop3A_407 : vector<16xf32>
        %parallel_loop3A_1048 = arith.constant 1 : i32
        %parallel_loop3A_1049 = arith.addi %parallel_loop3A_391, %parallel_loop3A_1048 : i32
        %parallel_loop3A_1050 = arith.index_cast %select_n3A_266 : i32 to index
        %parallel_loop3A_1051 = arith.index_cast %parallel_loop3A_1049 : i32 to index
        %parallel_loop3A_1052 = arith.constant 112 : index
        %parallel_loop3A_1053 = tpu.vector_load %arg9[%parallel_loop3A_1050, %parallel_loop3A_1051, %parallel_loop3A_1052] {strides = array<i32>} : memref<2x32x128xf32, #tpu.memory_space<vmem>>, vector<1x1x16xf32>,
        %parallel_loop3A_1054 = vector.shape_cast %parallel_loop3A_1053 : vector<1x1x16xf32> to vector<16xf32>
        %parallel_loop3A_1055 = vector.shape_cast %parallel_loop3A_1047 : vector<16xf32> to vector<1x1x16xf32>
        tpu.vector_store %arg9[%parallel_loop3A_1050, %parallel_loop3A_1051, %parallel_loop3A_1052], %parallel_loop3A_1055 {strides = array<i32>} : memref<2x32x128xf32, #tpu.memory_space<vmem>>, vector<1x1x16xf32>,
        scf.yield %parallel_loop3A_392, %parallel_loop3A_393, %parallel_loop3A_394, %parallel_loop3A_395, %parallel_loop3A_396, %parallel_loop3A_397, %parallel_loop3A_398, %parallel_loop3A_399, %parallel_loop3A_400, %parallel_loop3A_401, %parallel_loop3A_402, %parallel_loop3A_403, %parallel_loop3A_404, %parallel_loop3A_405, %parallel_loop3A_406, %parallel_loop3A_407 : vector<16xf32>, vector<16xf32>, vector<16xf32>, vector<16xf32>, vector<16xf32>, vector<16xf32>, vector<16xf32>, vector<16xf32>, vector<16xf32>, vector<16xf32>, vector<16xf32>, vector<16xf32>, vector<16xf32>, vector<16xf32>, vector<16xf32>, vector<16xf32>
      } {sc.loop_unroll_factor = 2 : i64, sc.parallel_access}
      %dma_start3A_379 = arith.constant 0 : i32
      %dma_start3A_380 = arith.constant 0 : i32
      %dma_start3A_381 = tpu.memref_slice %arg9[%select_n3A_266, %dma_start3A_379, %dma_start3A_380] : memref<2x32x128xf32, #tpu.memory_space<vmem>> -> memref<1x32x128xf32, #tpu.memory_space<vmem>>
      %dma_start3A_382 = tpu.memref_squeeze %dma_start3A_381 : memref<1x32x128xf32, #tpu.memory_space<vmem>> -> memref<32x128xf32, #tpu.memory_space<vmem>>
      %dma_start3A_383 = arith.constant 0 : i32
      %dma_start3A_384 = tpu.memref_slice %arg6[%mul3A_375, %dma_start3A_383] : memref<262144x128xf32, #tpu.memory_space<hbm>> -> memref<32x128xf32, #tpu.memory_space<hbm>>
      %dma_start3A_385 = arith.constant 0 : i32
      %dma_start3A_386 = tpu.memref_slice %arg6[%mul3A_375, %dma_start3A_385] : memref<262144x128xf32, #tpu.memory_space<hbm>> -> memref<32x128xf32, #tpu.memory_space<hbm>>
      %dma_start3A_387 = arith.constant 0 : i32
      %dma_start3A_388 = arith.constant 0 : i32
      %dma_start3A_389 = tpu.memref_slice %arg9[%select_n3A_266, %dma_start3A_387, %dma_start3A_388] : memref<2x32x128xf32, #tpu.memory_space<vmem>> -> memref<1x32x128xf32, #tpu.memory_space<vmem>>
      %dma_start3A_390 = tpu.memref_squeeze %dma_start3A_389 : memref<1x32x128xf32, #tpu.memory_space<vmem>> -> memref<32x128xf32, #tpu.memory_space<vmem>>
      tpu.enqueue_dma source(%dma_start3A_390 : memref<32x128xf32, #tpu.memory_space<vmem>>) target(%dma_start3A_386 : memref<32x128xf32, #tpu.memory_space<hbm>>) target_semaphore(%arg13 : memref<!tpu.dma_semaphore, #tpu.memory_space<semaphore_mem>>)
    }
    %dma_wait3A = arith.constant 0 : i32
    %dma_wait3A_218 = arith.constant 0 : i32
    %dma_wait3A_219 = arith.constant 0 : i32
    %dma_wait3A_220 = tpu.memref_slice %arg9[%dma_wait3A, %dma_wait3A_218, %dma_wait3A_219] : memref<2x32x128xf32, #tpu.memory_space<vmem>> -> memref<1x32x128xf32, #tpu.memory_space<vmem>>
    %dma_wait3A_221 = tpu.memref_squeeze %dma_wait3A_220 : memref<1x32x128xf32, #tpu.memory_space<vmem>> -> memref<32x128xf32, #tpu.memory_space<vmem>>
    %dma_wait3A_222 = arith.constant 0 : i32
    %dma_wait3A_223 = arith.constant 0 : i32
    %dma_wait3A_224 = tpu.memref_slice %arg6[%dma_wait3A_222, %dma_wait3A_223] : memref<262144x128xf32, #tpu.memory_space<hbm>> -> memref<32x128xf32, #tpu.memory_space<hbm>>
    %dma_wait3A_225 = arith.constant 0 : i32
    %dma_wait3A_226 = arith.constant 0 : i32
    %dma_wait3A_227 = tpu.memref_slice %arg9[%dma_wait3A, %dma_wait3A_225, %dma_wait3A_226] : memref<2x32x128xf32, #tpu.memory_space<vmem>> -> memref<1x32x128xf32, #tpu.memory_space<vmem>>
    %dma_wait3A_228 = tpu.memref_squeeze %dma_wait3A_227 : memref<1x32x128xf32, #tpu.memory_space<vmem>> -> memref<32x128xf32, #tpu.memory_space<vmem>>
    %dma_wait3A_229 = arith.constant 0 : i32
    %dma_wait3A_230 = arith.constant 0 : i32
    %dma_wait3A_231 = tpu.memref_slice %arg6[%dma_wait3A_229, %dma_wait3A_230] : memref<262144x128xf32, #tpu.memory_space<hbm>> -> memref<32x128xf32, #tpu.memory_space<hbm>>
    tpu.wait_dma2 semaphore(%arg13 : memref<!tpu.dma_semaphore, #tpu.memory_space<semaphore_mem>>) src(%dma_wait3A_231 : memref<32x128xf32, #tpu.memory_space<hbm>>) dst(%dma_wait3A_228 : memref<32x128xf32, #tpu.memory_space<vmem>>)
    %dma_wait3A_232 = arith.constant 1 : i32
    %dma_wait3A_233 = arith.constant 0 : i32
    %dma_wait3A_234 = arith.constant 0 : i32
    %dma_wait3A_235 = tpu.memref_slice %arg9[%dma_wait3A_232, %dma_wait3A_233, %dma_wait3A_234] : memref<2x32x128xf32, #tpu.memory_space<vmem>> -> memref<1x32x128xf32, #tpu.memory_space<vmem>>
    %dma_wait3A_236 = tpu.memref_squeeze %dma_wait3A_235 : memref<1x32x128xf32, #tpu.memory_space<vmem>> -> memref<32x128xf32, #tpu.memory_space<vmem>>
    %dma_wait3A_237 = arith.constant 0 : i32
    %dma_wait3A_238 = arith.constant 0 : i32
    %dma_wait3A_239 = tpu.memref_slice %arg6[%dma_wait3A_237, %dma_wait3A_238] : memref<262144x128xf32, #tpu.memory_space<hbm>> -> memref<32x128xf32, #tpu.memory_space<hbm>>
    %dma_wait3A_240 = arith.constant 0 : i32
    %dma_wait3A_241 = arith.constant 0 : i32
    %dma_wait3A_242 = tpu.memref_slice %arg9[%dma_wait3A_232, %dma_wait3A_240, %dma_wait3A_241] : memref<2x32x128xf32, #tpu.memory_space<vmem>> -> memref<1x32x128xf32, #tpu.memory_space<vmem>>
    %dma_wait3A_243 = tpu.memref_squeeze %dma_wait3A_242 : memref<1x32x128xf32, #tpu.memory_space<vmem>> -> memref<32x128xf32, #tpu.memory_space<vmem>>
    %dma_wait3A_244 = arith.constant 0 : i32
    %dma_wait3A_245 = arith.constant 0 : i32
    %dma_wait3A_246 = tpu.memref_slice %arg6[%dma_wait3A_244, %dma_wait3A_245] : memref<262144x128xf32, #tpu.memory_space<hbm>> -> memref<32x128xf32, #tpu.memory_space<hbm>>
    tpu.wait_dma2 semaphore(%arg13 : memref<!tpu.dma_semaphore, #tpu.memory_space<semaphore_mem>>) src(%dma_wait3A_246 : memref<32x128xf32, #tpu.memory_space<hbm>>) dst(%dma_wait3A_243 : memref<32x128xf32, #tpu.memory_space<vmem>>)
    %while3A_247 = arith.constant 0 : i32
    %while3A_248 = arith.constant 0 : i32
    %while3A_249 = arith.subi %min3A_11, %while3A_248 : i32
    %while3A_250 = arith.addi %while3A_248, %while3A_249 : i32
    %while3A_251 = arith.constant 1 : i32
    %while3A_252 = arith.divsi %while3A_249, %while3A_251 : i32
    %while3A_253 = arith.muli %while3A_252, %while3A_251 : i32
    %while3A_254 = arith.addi %while3A_248, %while3A_253 : i32
    %while3A_255 = arith.constant 1 : i32
    scf.for %while3A_257 = %while3A_248 to %while3A_254 step %while3A_255  : i32 {
      %dma_wait3A_258 = arith.constant 0 : i32
      %dma_wait3A_259 = arith.constant 0 : i32
      %dma_wait3A_260 = tpu.memref_slice %arg6[%dma_wait3A_258, %dma_wait3A_259] : memref<262144x128xf32, #tpu.memory_space<hbm>> -> memref<32x128xf32, #tpu.memory_space<hbm>>
      %dma_wait3A_261 = arith.constant 0 : i32
      %dma_wait3A_262 = arith.constant 0 : i32
      %dma_wait3A_263 = tpu.memref_slice %arg6[%dma_wait3A_261, %dma_wait3A_262] : memref<262144x128xf32, #tpu.memory_space<hbm>> -> memref<32x128xf32, #tpu.memory_space<hbm>>
      tpu.wait_dma2 semaphore(%arg14 : memref<!tpu.dma_semaphore, #tpu.memory_space<semaphore_mem>>) src(%dma_wait3A_263 : memref<32x128xf32, #tpu.memory_space<hbm>>) dst(%arg10 : memref<32x128xf32, #tpu.memory_space<vmem>>)
    }
    %while3A_256 = arith.constant 1 : i32
    scf.for %while3A_257 = %while3A_254 to %while3A_250 step %while3A_256  : i32 {
      %dma_wait3A_258 = arith.constant 0 : i32
      %dma_wait3A_259 = arith.constant 0 : i32
      %dma_wait3A_260 = tpu.memref_slice %arg6[%dma_wait3A_258, %dma_wait3A_259] : memref<262144x128xf32, #tpu.memory_space<hbm>> -> memref<32x128xf32, #tpu.memory_space<hbm>>
      %dma_wait3A_261 = arith.constant 0 : i32
      %dma_wait3A_262 = arith.constant 0 : i32
      %dma_wait3A_263 = tpu.memref_slice %arg6[%dma_wait3A_261, %dma_wait3A_262] : memref<262144x128xf32, #tpu.memory_space<hbm>> -> memref<32x128xf32, #tpu.memory_space<hbm>>
      tpu.wait_dma2 semaphore(%arg14 : memref<!tpu.dma_semaphore, #tpu.memory_space<semaphore_mem>>) src(%dma_wait3A_263 : memref<32x128xf32, #tpu.memory_space<hbm>>) dst(%arg10 : memref<32x128xf32, #tpu.memory_space<vmem>>)
    }
    return
  }
}

</mosaic_0001>

<sc_bundles>
// kernel: kernel.3.cloned.1.call-start
scs
__scs_entry_jumppad:
0x0: {  	(pc) =	sbr.rel $0x88, $3  }
0x1: {  	(tag) =	ssettag $0x0;
	lr =	simm.s32 $0x1  }
0x2: {  	[smem:$0x3F9D] =	sst lr;
	_ =	strace $0xD0000000  }
0x3: {  	_ = 	snop  }
0x4: {  	_ = 	snop  }
0x5: {  	_ = 	snop  }
0x6: {  	_ = 	snop  }
0x7: {  	_ = 	snop  }
__scs_overlays_trampoline_lowered:
0x8: {  	[smem:$0x3FAC] =	sst s0  }
0x9: {  	[smem:$0x3FAD] =	sst s1  }
0xa: {  	[smem:$0x3FAE] =	sst s2  }
0xb: {  	[smem:$0x3FAF] =	sst s3  }
0xc: {  	[smem:$0x3FB0] =	sst s4  }
0xd: {  	[smem:$0x3FB1] =	sst s5  }
0xe: {  	[smem:$0x3FB2] =	sst s6  }
0xf: {  	[smem:$0x3FB3] =	sst s7  }
0x10: {  	[smem:$0x3FB4] =	sst s8  }
0x11: {  	[smem:$0x3FB5] =	sst s9;
	s0 =	simm.s32 @!p0 $0x0  }
0x12: {  	s1 =	sld [smem:$0x3F9B];
	s0 =	simm.s32 @p0 $0x1  }
0x13: {  	[smem:$0x3FB6] =	sst s0;
	s0 =	simm.s32 @!p1 $0x0  }
0x14: {  	s2 =	sld [smem:$0x3F9A];
	s0 =	simm.s32 @p1 $0x1  }
0x15: {  	[smem:$0x3FB7] =	sst s0;
	s0 =	simm.s32 @!p2 $0x0  }
0x16: {  	s3 =	sld [smem:$0x3FDB];
	s0 =	simm.s32 @p2 $0x1  }
0x17: {  	s4 =	simm.s32 $0x1BF5;
	[smem:$0x3FB9] =	sst s0  }
0x18: {  	s0 =	sld [smem:$0x3F9C];
	_ =	swait.ge [sflag:s4], $0x0  }
0x19: {  	s7 =	sld [smem:$0x3F9D]  }
0x1a: {  	s8 =	sadd.s32 $0xFFFFE003, lr  }
0x1b: {  	s9 =	sadd.s32 $0xFFFFFEF7, lr;
	s5 =	simm.s32 $0xFFFFFFFF;
	p2 =	slt.u32 s8, $0xFFFFF086  }
0x1c: {  	p1 =	slt.u32 s9, $0xF7A;
	s5 =	simm.s32 @!p2 $0x0  }
0x1d: {  	s5 =	simm.s32 @p1 $0x1;
	p0 =	seq.s32 s7, s2  }
0x1e: {  	s7 =	smul.u32 @!p0 $0xF7A, s2;
	p2 =	seq.s32 @!p0 s5, $0x0  }
0x1f: {  	s9 =	smul.u32 $0xF7A, s1;
	s8 =	simm.s32 @!p0 $0x1BF5;
	p2 =	por !p2, p0  }
0x20: {  	[sflag:s8] =	ssyncset.s32 @!p0 $0xFFFFF086;
	s6 =	sadd.s32 @!p0 s3, s7;
	s7 =	simm.s32 @!p0 $0x108  }
0x21: {  	s3 =	sadd.s32 s3, s9;
	s6 =	sadd.s32 @!p0 $0x88, s6;
	s7 =	simm.s32 @p2 $0x1082  }
0x22: {  	[simem:s7], [sflag:s8] =	dma.local @!p0 [hbm:s6], $0xF7A  }
0x23: {  	s9 =	sor.u32 $0xD0000000, s2;
	s6 =	simm.s32 $0x108;
	_ =	swait.ge @!p0 [sflag:s8], $0x0  }
0x24: {  	s3 =	sadd.s32 $0x88, s3;
	s6 =	simm.s32 @!p1 $0x1082;
	[sflag:s4] =	ssyncset.s32 $0xFFFFF086  }
0x25: {  	[simem:s6], [sflag:s4] =	dma.local [hbm:s3], $0xF7A  }
0x26: {  	[smem:$0x3F9D] =	sst s1;
	(tag) =	ssettag s2;
	_ =	strace s9  }
0x27: {  	s1 =	sld [smem:$0x3FAD]  }
0x28: {  	s2 =	sld [smem:$0x3FAE]  }
0x29: {  	s4 =	sld [smem:$0x3FB0]  }
0x2a: {  	p0 =	seq.s32 s5, $0x0;
	s5 =	sld [smem:$0x3FB1]  }
0x2b: {  	s6 =	sld [smem:$0x3FB2]  }
0x2c: {  	s7 =	sld [smem:$0x3FB3]  }
0x2d: {  	s3 =	simm.s32 $0x108;
	s8 =	sld [smem:$0x3FB4]  }
0x2e: {  	s3 =	simm.s32 @!p0 $0x1082;
	s9 =	sld [smem:$0x3FB5]  }
0x2f: {  	lr =	sadd.s32 s0, s3;
	s0 =	sld [smem:$0x3FAC]  }
0x30: {  	s3 =	sld [smem:$0x3FAF]  }
0x31: {  	[smem:$0x3FB8] =	sst s10  }
0x32: {  	s10 =	sld [smem:$0x3FB6];
	_ =	sdelay $0x3  }
0x33: {  	p0 =	seq.s32 s10, $0x1;
	s10 =	sld [smem:$0x3FB8];
	_ =	sdelay $0x3  }
0x34: {  	[smem:$0x3FB8] =	sst s10  }
0x35: {  	s10 =	sld [smem:$0x3FB7];
	_ =	sdelay $0x3  }
0x36: {  	p1 =	seq.s32 s10, $0x1;
	s10 =	sld [smem:$0x3FB8];
	_ =	sdelay $0x3  }
0x37: {  	[smem:$0x3FB8] =	sst s10  }
0x38: {  	s10 =	sld [smem:$0x3FB9]  }
0x39: {  	_ = 	snop;
	(pc) =	sbr.ind lr, $3  }
0x3a: {  	_ = 	snop  }
0x3b: {  	_ = 	snop  }
0x3c: {  	p2 =	seq.s32 s10, $0x1;
	s10 =	sld [smem:$0x3FB8]  }
0x3d: {  	_ =	shalt  }
0x3e: {  	_ =	shalt  }
0x3f: {  	_ =	shalt  }
0x40: {  	_ =	shalt  }
0x41: {  	_ =	shalt  }
0x42: {  	_ =	shalt  }
0x43: {  	_ =	shalt  }
0x44: {  	_ =	shalt  }
0x45: {  	_ =	shalt  }
0x46: {  	_ =	shalt  }
0x47: {  	_ =	shalt  }
0x48: {  	_ =	shalt  }
0x49: {  	_ =	shalt  }
0x4a: {  	_ =	shalt  }
0x4b: {  	_ =	shalt  }
0x4c: {  	_ =	shalt  }
0x4d: {  	_ =	shalt  }
0x4e: {  	_ =	shalt  }
0x4f: {  	_ =	shalt  }
0x50: {  	_ =	shalt  }
0x51: {  	_ =	shalt  }
0x52: {  	_ =	shalt  }
0x53: {  	_ =	shalt  }
0x54: {  	_ =	shalt  }
0x55: {  	_ =	shalt  }
0x56: {  	_ =	shalt  }
0x57: {  	_ =	shalt  }
0x58: {  	_ =	shalt  }
0x59: {  	_ =	shalt  }
0x5a: {  	_ =	shalt  }
0x5b: {  	_ =	shalt  }
0x5c: {  	_ =	shalt  }
0x5d: {  	_ =	shalt  }
0x5e: {  	_ =	shalt  }
0x5f: {  	_ =	shalt  }
0x60: {  	_ =	shalt  }
0x61: {  	_ =	shalt  }
0x62: {  	_ =	shalt  }
0x63: {  	_ =	shalt  }
0x64: {  	_ =	shalt  }
0x65: {  	_ =	shalt  }
0x66: {  	_ =	shalt  }
0x67: {  	_ =	shalt  }
0x68: {  	_ =	shalt  }
0x69: {  	_ =	shalt  }
0x6a: {  	_ =	shalt  }
0x6b: {  	_ =	shalt  }
0x6c: {  	_ =	shalt  }
0x6d: {  	_ =	shalt  }
0x6e: {  	_ =	shalt  }
0x6f: {  	_ =	shalt  }
0x70: {  	_ =	shalt  }
0x71: {  	_ =	shalt  }
0x72: {  	_ =	shalt  }
0x73: {  	_ =	shalt  }
0x74: {  	_ =	shalt  }
0x75: {  	_ =	shalt  }
0x76: {  	_ =	shalt  }
0x77: {  	_ =	shalt  }
0x78: {  	_ =	shalt  }
0x79: {  	_ =	shalt  }
0x7a: {  	_ =	shalt  }
0x7b: {  	_ =	shalt  }
0x7c: {  	_ =	shalt  }
0x7d: {  	_ =	shalt  }
0x7e: {  	_ =	shalt  }
0x7f: {  	_ =	shalt  }
0x80: {  	_ =	shalt  }
0x81: {  	_ =	shalt  }
0x82: {  	_ =	shalt  }
0x83: {  	_ =	shalt  }
0x84: {  	_ =	shalt  }
0x85: {  	_ =	shalt  }
0x86: {  	_ =	shalt  }
0x87: {  	_ =	shalt  }
.Lfunc_end0:
.L_simem_size_0:
called_computation_lowered:
.L_overlay_start_0:
0x88: {  	s2 =	sld [smem:$0x3FD9]  }
0x89: {  	s3 =	sld [smem:$0x3FFE];
	_ =	sdelay $0x1  }
0x8a: {  	s1 =	srdreg.scid  }
0x8b: {  	s0 =	sand.u32 $0x1, s1  }
0x8c: {  	s17 =	sshll.u32 s0, $0xA;
	s2 =	sadd.s32 s3, s2  }
0x8d: {  	s2 =	sadd.s32 s2, s17  }
0x8e: {  	[smem:$0x3FC4] =	sst s2  }
0x8f: {  	_ = 	snop  }
0x90: {  	s2 =	sld [smem:$0x3FC8]  }
0x91: {  	s18 =	sld [smem:$0x3FC7]  }
0x92: {  	s4 =	sld [smem:$0x3FC6]  }
0x93: {  	s5 =	sld [smem:$0x3FD0];
	(tm) =	ssettm $0x1  }
0x94: {  	s6 =	sld [smem:$0x3FFB];
	_ =	sdelay $0x3  }
0x95: {  	_ =	strace s6  }
0x96: {  	s6 =	sld [smem:$0x3FFC];
	_ =	sdelay $0x3  }
0x97: {  	_ =	strace s6  }
0x98: {  	s6 =	sld [smem:$0x3FFD];
	_ =	sdelay $0x3  }
0x99: {  	_ =	strace s6  }
0x9a: {  	_ =	strace $0x8FFFFFFF  }
0x9b: {  	s19 =	sld [smem:$0x3FDB];
	_ =	sdelay $0x1  }
0x9c: {  	s7 =	simm.s32 $_scs_section_size  }
0x9d: {  	s8 =	simm.s32 $_size__tile_overlayer_lowered;
	s9 =	simm.s32 $_tile_overlayer_lowered  }
0x9e: {  	s22 =	simm.s32 $0x1BFF;
	s21 =	sshll.u32 s9, $0x1;
	s6 =	sadd.s32 s7, s19  }
0x9f: {  	s10 =	simm.s32 $0x0;
	s20 =	sshll.u32 s8, $0x1;
	s8 =	sadd.s32 s21, s6  }
0xa0: {  	[timem:s10], [sflag:s22] =	dma.local [hbm:s8], s20  }
0xa1: {  	_ =	swait.ge [sflag:s22], s20  }
0xa2: {  	s7 =	ssub.s32 $0x0, s20;
	[sflag:s22] =	ssyncset.done $0x0  }
0xa3: {  	[sflag:s22] =	ssyncadd.s32 s7;
	_ =	sdelay $0x1  }
0xa4: {  	s23 =	simm.s32 $0x1B8B  }
0xa5: {  	_ =	swait.ge [sflag:s23], $0x1  }
0xa6: {  	[sflag:s23] =	ssyncset.done $0x0  }
0xa7: {  	s25 =	simm.s32 $0x1B8E;
	s24 =	sld [smem:$0x3FFE];
	[sflag:s23] =	ssyncadd.s32 $0xFFFFFFFF  }
0xa8: {  	s26 =	simm.s32 $execute0_lowered;
	[smem:$0x3FD2] =	sst s25  }
0xa9: {  	s8 =	sshll.u32 s26, $0x1;
	_ =	strace $0x80000046;
	[dreg:$0x1] =	wrdreg $0xFFFFFFFF  }
0xaa: {  	s28 =	simm.s32 $_size_execute0_lowered;
	s6 =	sadd.s32 s6, s8;
	[dreg:$0x0] =	wrdreg $0x0  }
0xab: {  	s8 =	sshll.u32 s28, $0x1;
	[dreg:$0x2] =	wrdreg s6  }
0xac: {  	[dreg:$0x3] =	wrdreg s8  }
0xad: {  	[dreg:$0x4] =	wrdreg $0xC0  }
0xae: {  	_ =	task [dreg:s10], $0x5FFFF  }
0xaf: {  	[dreg:$0x1] =	wrdreg $0xFFFFFFFF  }
0xb0: {  	[dreg:$0x0] =	wrdreg $0x60  }
0xb1: {  	[dreg:$0x2] =	wrdreg s24  }
0xb2: {  	[dreg:$0x3] =	wrdreg s2  }
0xb3: {  	[dreg:$0x4] =	wrdreg s18  }
0xb4: {  	[dreg:$0x5] =	wrdreg s4  }
0xb5: {  	[dreg:$0x6] =	wrdreg s5  }
0xb6: {  	[dreg:$0x7] =	wrdreg $0x9  }
0xb7: {  	_ =	task.clear_ibuf [dreg:s10], $0x8FFFF;
	_ =	strace $0x90000046  }
0xb8: {  	s29 =	simm.s32 $0x9;
	_ =	strace $0x80000048  }
0xb9: {  	_ =	swait.ge [sflag:s29], $0x1  }
0xba: {  	[sflag:s29] =	ssyncadd.s32 $0xFFFFFFFF  }
0xbb: {  	_ =	strace $0x90000048  }
0xbc: {  	_ =	sfence  }
0xbd: {  	s30 =	sld [smem:$0x0];
	_ =	sdelay $0x2  }
0xbe: {  	s31 =	sshll.u32 s1, $0xD;
	s1 =	sshrl.u32 s1, $0x2  }
0xbf: {  	s3 =	sand.u32 $0x4000, s31;
	s1 =	sadd.s32 s1, s30  }
0xc0: {  	s0 =	sor.u32 s3, s0;
	s1 =	sshll.u32 s1, $0x11  }
0xc1: {  	s0 =	sor.u32 s1, s0  }
0xc2: {  	s0 =	sadd.s32 $0x8F2B, s0  }
0xc3: {  	[sflag:s0] =	ssyncadd.remote.s32 $0x1  }
0xc4: {  	_ =	sfence.sel $0xFFFF  }
0xc5: {  	[dreg:$0x0] =	wrdreg $0xFFFFFFFF;
	(pc) =	sbr.abs _section_cstart, $3  }
0xc6: {  	[dreg:$0x1] =	wrdreg $0xFFFFFFFF  }
0xc7: {  	_ =	task.clear_ibuf [dreg:s10], $0x2FFFF;
	_ =	strace $0x9FFFFFFF  }
0xc8: {  	(tm) =	ssettm $0x7FFFFFFF  }
0xc9: {  	_ =	shalt  }
tec
execute0_lowered:
.L_overlay_start_1:
0x0: {  	(tag) =	ssettag $0x1  }
0x1: {  	s0 =	rddreg [dreg:$0x0]  }
0x2: {  	s1 =	srdreg.scid;
	s9 =	stileid.u32  }
0x3: {  	s5 =	rddreg [dreg:$0x4];
	s7 =	simm.s32 $0x0;
	s16 =	simm.s32 $0x12200  }
0x4: {  	v0 =	vimm.s32 $0xFEDCBA98;
	v1 =	vimm.s32 $0x76543210;
	s21 =	simm.s32 $0x1;
	s1 =	sand.u32 $0x1, s1;
	s2 =	sshll.u32 s9, $0x1  }
0x5: {  	v2 =	vimm.s32 $0xBA98FEDC;
	[smem:$0x7FF] =	sst s7;
	s6 =	smul.u32 $0xFFFFFE1E, s9;
	s10 =	sadd.s32 $0x400, s0  }
0x6: {  	v3 =	vimm.s32 $0x32107654;
	v4 =	vimm.s32 $0xDCFE98BA;
	s28 =	sshll.u32 s9, $0x5;
	s29 =	sshll.u32 s9, $0xA;
	s2 =	sor.u32 s1, s2  }
0x7: {  	v5 =	vimm.s32 $0x54761032;
	s3 =	smul.u32 $0xFFFFFF0F, s1;
	_ =	strace $0x80000047;
	s8 =	ssub.s32 $0x2, s1  }
0x8: {  	v6 =	vimm.s32 $0xEFCDAB89;
	v7 =	vimm.s32 $0x67452301;
	s26 =	sshll.u32 s1, $0x4;
	s1 =	sshll.u32 s1, $0x9;
	s4 =	smul.u32 $0xF1, s2  }
0x9: {  	v0 =	vunpack.c.l.s4.s8 v0;
	v1 =	vunpack.c.l.s4.s8 v1;
	v2 =	vunpack.c.l.s4.s8 v2;
	[dreg:$0x7] =	wrdreg s10;
	s2 =	smul.u32 $0x1D2F, s2;
	s1 =	sor.u32 s1, s29  }
0xa: {  	v3 =	vunpack.c.l.s4.s8 v3;
	v4 =	vunpack.c.l.s4.s8 v4;
	v5 =	vunpack.c.l.s4.s8 v5;
	s24 =	sshrl.u32 s8, $0x1;
	s11 =	sadd.s32 $0xFFC20, s1;
	[dreg:$0x6] =	wrdreg s4  }
0xb: {  	v6 =	vunpack.c.l.s4.s8 v6;
	v7 =	vunpack.c.l.s4.s8 v7;
	v0 =	vunpack.c.0.s8.s32 v0;
	s0 =	ssub.s32 s8, s24;
	s2 =	sadd.s32 s10, s2;
	[dreg:$0xe] =	wrdreg s11  }
0xc: {  	v2 =	vunpack.c.0.s8.s32 v2;
	v3 =	vunpack.c.0.s8.s32 v3;
	v4 =	vunpack.c.0.s8.s32 v4;
	s25 =	sadd.s32 s6, s3;
	s0 =	smax.u32 s0, $0x1;
	[dreg:$0x9] =	wrdreg s2  }
0xd: {  	v5 =	vunpack.c.0.s8.s32 v5;
	v6 =	vunpack.c.0.s8.s32 v6;
	v7 =	vunpack.c.0.s8.s32 v7;
	s4 =	ssub.s32 $0x1E08, s4;
	s10 =	sor.u32 s26, s28;
	[dreg:$0xc] =	wrdreg s0  }
0xe: {  	v1 =	vunpack.c.0.s8.s32 v1;
	v2 =	vcombine.low v3, v2;
	s4 =	smin.u32 s4, $0xF1;
	s2 =	sadd.s32 $0x1E08, s25;
	[dreg:$0xa] =	wrdreg s10  }
0xf: {  	v3 =	vcombine.low v5, v4;
	v4 =	vand.u32 $0xF, v0;
	v5 =	vcombine.low v7, v6;
	s30 =	sxor.u32 $0x1F8, s10;
	[dreg:$0x8] =	wrdreg s4;
	s2 =	smin.u32 s2, $0xF1  }
0x10: {  	s23 =	simm.s32 $0x3;
	v0 =	vimm.f32 $0.0e+00;
	v63 =	vcombine.low v4, v1;
	s31 =	smin.u32 s30, $0x10;
	[dreg:$0xb] =	wrdreg s2  }
0x11: {  	s12 =	simm.s32 $0x0;
	s26 =	simm.s32 $0x0;
	v2 =	vand.u32 $0xF, v2;
	v3 =	vand.u32 $0xF, v3;
	v4 =	vand.u32 $0xF, v5;
	[dreg:$0xd] =	wrdreg s31  }
.LBB2_1:
0x12: {  	s0 =	simm.s32 $0x0;
	s1 =	simm.s32 $0x200  }
.LBB2_2:
0x13: {  	p0 =	sne.s32 s1, $0x3E00;
	[tilespmem:s0+$0x12270] =	vst v0  }
0x14: {  	[tilespmem:s0+$0x12200] =	vst v0  }
0x15: {  	[tilespmem:s0+$0x12210] =	vst v0  }
.Ltmp0:
0x16: {  	[tilespmem:s0+$0x12220] =	vst v0;
	(pc) =	sbr.rel @p0 .LBB2_2-.Ltmp0, $4  }
0x17: {  	[tilespmem:s0+$0x12230] =	vst v0  }
0x18: {  	[tilespmem:s0+$0x12240] =	vst v0  }
0x19: {  	[tilespmem:s0+$0x12250] =	vst v0  }
0x1a: {  	[tilespmem:s0+$0x12260] =	vst v0;
	s0 =	sshra.s32 s1, $0x2;
	s1 =	sadd.s32 $0x200, s1  }
0x1b: {  	[tilespmem:s0+$0x12270] =	vst v0  }
0x1c: {  	[tilespmem:s0+$0x12200] =	vst v0;
	s2 =	rddreg [dreg:$0xd]  }
0x1d: {  	[tilespmem:s0+$0x12210] =	vst v0;
	p0 =	sne.s32 s2, $0x1  }
.Ltmp1:
0x1e: {  	[tilespmem:s0+$0x12220] =	vst v0;
	(pc) =	sbr.rel @!p0 .LBB2_4-.Ltmp1, $4  }
0x1f: {  	[tilespmem:s0+$0x12230] =	vst v0  }
0x20: {  	[tilespmem:s0+$0x12240] =	vst v0;
	s1 =	smulhi.u32 $0x4104105, s10  }
0x21: {  	[tilespmem:s0+$0x12250] =	vst v0;
	p1 =	por $0x0, $0x0  }
0x22: {  	[tilespmem:s0+$0x12260] =	vst v0;
	[dreg:$0xf] =	wrdreg s12;
	s25 =	sadd.s32 $0xFFFFFFFF, s2;
	s4 =	ssub.s32 s10, s1  }
0x23: {  	s2 =	sshrl.u32 s4, $0x1;
	p3 =	sne.s32 s25, $0x1  }
.Ltmp2:
0x24: {  	s0 =	sadd.s32 $0x1, s10;
	s2 =	sadd.s32 s1, s2;
	(pc) =	sbr.rel @!p3 .LBB2_6-.Ltmp2, $4  }
0x25: {  	s1 =	smulhi.u32 $0x4104105, s0;
	s3 =	sshrl.u32 s2, $0x5  }
0x26: {  	s2 =	smul.u32 $0x3F, s3  }
0x27: {  	s6 =	sadd.s32 $0xFFFFFFFF, s25;
	p2 =	por $0x1, $0x1;
	s8 =	smul.u32 $0x7E0, s3  }
0x28: {  	s4 =	ssub.s32 s0, s1;
	s9 =	ssub.s32 s10, s2;
	s2 =	smov.u32 s11  }
.LBB2_7:
0x29: {  	p3 =	sne.s32 s6, $0x1;
	s8 =	ssub.s32 s2, s8  }
0x2a: {  	p4 =	slt.u32 s9, $0x20;
	s10 =	smov.u32 s0;
	s4 =	sshrl.u32 s4, $0x1  }
0x2b: {  	s0 =	sadd.s32 $0x1, s0;
	s8 =	smov.u32 @p4 s9;
	s4 =	sadd.s32 s1, s4  }
0x2c: {  	s9 =	sshll.u32 s3, $0x16;
	s1 =	smulhi.u32 $0x4104105, s0;
	s8 =	sshll.u32 s8, $0xC  }
.Ltmp3:
0x2d: {  	s3 =	sshrl.u32 s4, $0x5;
	s4 =	sadd.s32 s9, s8;
	(pc) =	sbr.rel @p3 .LBB2_7-.Ltmp3, $4  }
0x2e: {  	s8 =	smul.u32 $0x7E0, s3;
	s4 =	sshrl.u32 s4, $0x3  }
0x2f: {  	s2 =	sadd.s32 $0x20, s2;
	s9 =	smul.u32 $0x3F, s3;
	s4 =	sadd.s32 s5, s4  }
0x30: {  	[hbm4b:s4+s7] =	stream.linear.scatter [tilespmem:s16], [sflag:$0x3], $0x1000, $0x38;
	[tilespmem:$0x13300] =	vst v63  }
0x31: {  	s6 =	sadd.s32 $0xFFFFFFFF, s6;
	s9 =	ssub.s32 s10, s9;
	s4 =	ssub.s32 s0, s1  }
.LBB2_8:
0x32: {  	p3 =	slt.u32 @p2 s9, $0x20  }
0x33: {  	s6 =	ssub.s32 @p2 s2, s8;
	p3 =	por !p3, !p2  }
0x34: {  	s4 =	sshrl.u32 s4, $0x1;
	s9 =	smov.u32 @p3 s6  }
0x35: {  	s3 =	sshll.u32 @p2 s3, $0x16;
	s1 =	sadd.s32 s1, s4;
	s4 =	sshll.u32 @p2 s9, $0xC  }
0x36: {  	s3 =	sadd.s32 @p2 s3, s4  }
0x37: {  	s1 =	sshrl.u32 s1, $0x5;
	s3 =	sshrl.u32 @p2 s3, $0x3  }
0x38: {  	s14 =	smul.u32 $0x3F, s1;
	s3 =	sadd.s32 @p2 s5, s3  }
0x39: {  	[hbm4b:s3+s7] =	stream.linear.scatter @p2 [tilespmem:s16], [sflag:$0x3], $0x1000, $0x38;
	[tilespmem:$0x13300] =	vst v63  }
0x3a: {  	s2 =	sadd.s32 @p2 $0x20, s2;
	s13 =	smul.u32 $0x7E0, s1;
	s3 =	smov.u32 s11  }
0x3b: {  	s0 =	ssub.s32 s0, s14;
	s3 =	smov.u32 @p2 s2  }
0x3c: {  	p2 =	slt.u32 s0, $0x20;
	s2 =	ssub.s32 s3, s13  }
0x3d: {  	s2 =	smov.u32 @p2 s0  }
0x3e: {  	s15 =	sshll.u32 s1, $0x16;
	s17 =	sshll.u32 s2, $0xC  }
0x3f: {  	s0 =	sadd.s32 s15, s17  }
0x40: {  	s0 =	sshrl.u32 s0, $0x3  }
0x41: {  	s0 =	sadd.s32 s5, s0  }
0x42: {  	[hbm4b:s0+s7] =	stream.linear.scatter [tilespmem:s16], [sflag:$0x3], $0x1000, $0x38;
	[tilespmem:$0x13300] =	vst v63  }
0x43: {  	s18 =	rddreg [dreg:$0x1];
	s19 =	simm.s32 $0x4  }
0x44: {  	[tilespmem:s26], [sflag:$0x4] =	stream.linear.gather [hbm4b:s18+s26], $0x10000, $0x38;
	[tilespmem:$0x13300] =	vst v63  }
0x45: {  	_ =	swait.ge [sflag:s19], $0x10000  }
0x46: {  	[sflag:s19] =	ssyncset.done $0x0  }
0x47: {  	[sflag:s19] =	ssyncadd.s32 $0xFFFF0000  }
0x48: {  	s22 =	simm.s32 $0x13200;
	s20 =	rddreg [dreg:$0x2]  }
0x49: {  	[tilespmem:s22], [sflag:$0x4] =	stream.linear.gather [hbm4b:s20+s26], $0x80, $0x38;
	[tilespmem:$0x13300] =	vst v63  }
0x4a: {  	_ =	swait.ge [sflag:s19], $0x80  }
0x4b: {  	[sflag:s19] =	ssyncset.done $0x0  }
0x4c: {  	[sflag:s19] =	ssyncadd.s32 $0xFFFFFF80  }
0x4d: {  	s29 =	simm.s32 $0x13280;
	s24 =	rddreg [dreg:$0x3]  }
0x4e: {  	[tilespmem:s29], [sflag:$0x4] =	stream.linear.gather [hbm4b:s24+s26], $0x80, $0x38;
	[tilespmem:$0x13300] =	vst v63  }
0x4f: {  	_ =	swait.ge [sflag:s19], $0x80  }
0x50: {  	[sflag:s19] =	ssyncset.done $0x0  }
0x51: {  	[sflag:s19] =	ssyncadd.s32 $0xFFFFFF80  }
0x52: {  	v5 =	vld [tilespmem:$0x13200];
	_ =	sdelay $0x4  }
0x53: {  	[tilespmem:$0x1FF00] =	vst v5;
	v5 =	vld [tilespmem:$0x13210];
	_ =	sdelay $0x4  }
0x54: {  	[tilespmem:$0x1FF10] =	vst v5;
	v5 =	vld [tilespmem:$0x13220];
	_ =	sdelay $0x4  }
0x55: {  	[tilespmem:$0x1FF20] =	vst v5;
	v5 =	vld [tilespmem:$0x13230];
	_ =	sdelay $0x4  }
0x56: {  	[tilespmem:$0x1FF30] =	vst v5;
	v5 =	vld [tilespmem:$0x13240];
	_ =	sdelay $0x4  }
0x57: {  	[tilespmem:$0x1FF40] =	vst v5;
	v5 =	vld [tilespmem:$0x13250];
	_ =	sdelay $0x4  }
0x58: {  	[tilespmem:$0x1FF50] =	vst v5;
	v5 =	vld [tilespmem:$0x13260];
	_ =	sdelay $0x4  }
0x59: {  	[tilespmem:$0x1FF60] =	vst v5;
	v5 =	vld [tilespmem:$0x13270];
	_ =	sdelay $0x4  }
0x5a: {  	[tilespmem:$0x1FF70] =	vst v5;
	v5 =	vld [tilespmem:$0x13280];
	_ =	sdelay $0x3  }
0x5b: {  	v1 =	vld [tilespmem:$0x132D0]  }
0x5c: {  	[tilespmem:$0x1FF80] =	vst v5;
	v5 =	vld [tilespmem:$0x13290];
	_ =	sdelay $0x3  }
0x5d: {  	[tilespmem:$0x1FFD0] =	vst v1;
	v1 =	vld [tilespmem:$0x132E0]  }
0x5e: {  	[tilespmem:$0x1FF90] =	vst v5;
	v5 =	vld [tilespmem:$0x132A0];
	_ =	sdelay $0x3  }
0x5f: {  	[tilespmem:$0x1FFE0] =	vst v1;
	v1 =	vld [tilespmem:$0x132F0]  }
0x60: {  	[tilespmem:$0x1FFA0] =	vst v5;
	v5 =	vld [tilespmem:$0x132B0];
	_ =	sdelay $0x3  }
0x61: {  	s31 =	simm.s32 $0x10000;
	s30 =	rddreg [dreg:$0x9];
	[tilespmem:$0x1FFF0] =	vst v1  }
0x62: {  	[tilespmem:$0x1FFB0] =	vst v5;
	v5 =	vld [tilespmem:$0x132C0];
	[tilespmem:s31], [sflag:$0x1] =	stream.linear.gather [hbm4b:s30+s26], $0xF8, $0x38  }
0x63: {  	[tilespmem:$0x10200] =	vst v0  }
0x64: {  	[tilespmem:$0x10210] =	vst v0  }
0x65: {  	[tilespmem:$0x10220] =	vst v0  }
0x66: {  	[tilespmem:$0x10230] =	vst v0  }
0x67: {  	[tilespmem:$0x10240] =	vst v0  }
0x68: {  	[tilespmem:$0x10250] =	vst v0  }
0x69: {  	[tilespmem:$0x10260] =	vst v0  }
0x6a: {  	[tilespmem:$0x10270] =	vst v0  }
0x6b: {  	[tilespmem:$0x11200] =	vst v0  }
0x6c: {  	[tilespmem:$0x11210] =	vst v0  }
0x6d: {  	[tilespmem:$0x11220] =	vst v0  }
0x6e: {  	[tilespmem:$0x11230] =	vst v0  }
0x6f: {  	[tilespmem:$0x11240] =	vst v0  }
0x70: {  	[tilespmem:$0x11250] =	vst v0  }
0x71: {  	[tilespmem:$0x11260] =	vst v0  }
0x72: {  	[tilespmem:$0x11270] =	vst v0  }
0x73: {  	s28 =	simm.s32 $0x0;
	[tilespmem:$0x1FFC0] =	vst v5  }
.LBB2_9:
0x74: {  	s0 =	rddreg [dreg:$0x6]  }
0x75: {  	s1 =	smov.u32 s28;
	s28 =	sadd.s32 $0x1, s28;
	s8 =	rddreg [dreg:$0x8]  }
0x76: {  	s29 =	sadd.s32 s0, s1;
	p2 =	sge.u32 s28, s8  }
0x77: {  	_ =	swait.ge [sflag:s21], $0xF8;
	s2 =	smul.u32 @!p2 $0xF8, s29  }
0x78: {  	s0 =	sand.u32 $0x1, s1;
	[sflag:s21] =	ssyncset.done $0x0  }
0x79: {  	s4 =	rddreg [dreg:$0x7];
	s3 =	sshll.u32 @!p2 s0, $0x8;
	s2 =	sadd.s32 @!p2 $0xF8, s2  }
0x7a: {  	[sflag:s21] =	ssyncadd.s32 $0xFFFFFF08;
	s3 =	sxor.u32 @!p2 $0x100, s3;
	s2 =	sshrl.u32 @!p2 s2, $0x3  }
0x7b: {  	s3 =	sor.u32 @!p2 $0x10000, s3;
	s2 =	sadd.s32 @!p2 s4, s2;
	s4 =	simm.s32 @!p2 $0x0  }
0x7c: {  	[tilespmem:s3], [sflag:$0x1] =	stream.linear.gather @!p2 [hbm4b:s2+s4], $0xF8, $0x38;
	[tilespmem:$0x13300] =	vst v63  }
0x7d: {  	p2 =	slt.u32 s1, $0x2  }
0x7e: {  	s9 =	sand.u32 $0x80, s26;
	s1 =	simm.s32 @!p2 $0x2  }
0x7f: {  	s10 =	simm.s32 $0x8;
	s30 =	sshll.u32 s0, $0x8;
	_ =	swait.ge @!p2 [sflag:s1], $0x1000  }
0x80: {  	s11 =	sand.u32 $0x70, s26;
	s31 =	sor.u32 $0x10000, s30;
	[sflag:s1] =	ssyncset.done @!p2 $0x0  }
0x81: {  	s12 =	sand.u32 $0x80, s10;
	[sflag:s1] =	ssyncadd.s32 @!p2 $0xFFFFF000;
	s1 =	sadd.s32 s9, s31  }
0x82: {  	s13 =	sadd.s32 s12, s31;
	s2 =	sand.u32 $0x78, s10;
	s1 =	sadd.s32 s11, s1  }
0x83: {  	s14 =	sadd.s32 s2, s13;
	v21 =	vld [tilespmem:s1+$0x0]  }
0x84: {  	v22 =	vld [tilespmem:s14+$0x0];
	_ =	sdelay $0x3  }
0x85: {  	v21 =	vshll.u32 v21, $0x9  }
0x86: {  	v22 =	vshll.u32 v22, $0x9;
	v21 =	vshra.s32 v21, $0x2  }
0x87: {  	v22 =	vshra.s32 v22, $0x2;
	(v2sf) =	vpush v21, $0x0  }
0x88: {  	(v2sf) =	vpush v22, $0x5;
	_ =	sdelay $0x5  }
0x89: {  	(v2sf) =	vpush v22, $0x4;
	_ =	sdelay $0x5  }
0x8a: {  	(v2sf) =	vpush v21, $0x1  }
0x8b: {  	(v2sf) =	vpush v22, $0x3  }
0x8c: {  	s14 =	spop (v2sf)  }
0x8d: {  	v11 =	vld [tilespmem:s14+$0x0];
	s8 =	spop (v2sf)  }
0x8e: {  	v5 =	vld [tilespmem:s8+$0xA070]  }
0x8f: {  	v1 =	vld [tilespmem:s8+$0xA060]  }
0x90: {  	v34 =	vld [tilespmem:s8+$0xA050]  }
0x91: {  	(v2sf) =	vpush v21, $0x2;
	v6 =	vld [tilespmem:s8+$0xA040]  }
0x92: {  	(v2sf) =	vpush v21, $0x3;
	v40 =	vld [tilespmem:s8+$0xA030]  }
0x93: {  	(v2sf) =	vpush v22, $0x2;
	s9 =	spop (v2sf);
	v27 =	vld [tilespmem:s8+$0xA020]  }
0x94: {  	v33 =	vld [tilespmem:s9+$0x8070]  }
0x95: {  	v29 =	vld [tilespmem:s9+$0x8060]  }
0x96: {  	v32 =	vld [tilespmem:s9+$0x8050]  }
0x97: {  	v39 =	vld [tilespmem:s9+$0x8040]  }
0x98: {  	(v2sf) =	vpush v21, $0x4;
	v46 =	vld [tilespmem:s9+$0x8030]  }
0x99: {  	(v2sf) =	vpush v21, $0x5;
	s11 =	spop (v2sf);
	v26 =	vld [tilespmem:s9+$0x8020]  }
0x9a: {  	(v2sf) =	vpush v21, $0x6;
	v25 =	vld [tilespmem:s9+$0x8000];
	s10 =	spop (v2sf)  }
0x9b: {  	(v2sf) =	vpush v22, $0x6;
	v28 =	vld [tilespmem:s10+$0x6070]  }
0x9c: {  	v31 =	vld [tilespmem:s10+$0x6060]  }
0x9d: {  	v38 =	vld [tilespmem:s10+$0x6050]  }
0x9e: {  	v45 =	vld [tilespmem:s10+$0x6040]  }
0x9f: {  	(v2sf) =	vpush v22, $0x0;
	v62 =	vld [tilespmem:s10+$0x6030]  }
0xa0: {  	s13 =	spop (v2sf);
	v0 =	vld [tilespmem:s10+$0x6020]  }
0xa1: {  	v23 =	vld [tilespmem:s10+$0x6000];
	s4 =	spop (v2sf)  }
0xa2: {  	v24 =	vld [tilespmem:s10+$0x6010];
	s12 =	spop (v2sf)  }
0xa3: {  	v30 =	vld [tilespmem:s12+$0x4070]  }
0xa4: {  	v37 =	vld [tilespmem:s12+$0x4060]  }
0xa5: {  	v44 =	vld [tilespmem:s12+$0x4050]  }
0xa6: {  	(v2sf) =	vpush v22, $0x1;
	v49 =	vld [tilespmem:s12+$0x4040]  }
0xa7: {  	(v2sf) =	vpush v21, $0x7;
	s3 =	spop (v2sf);
	v59 =	vld [tilespmem:s12+$0x4030]  }
0xa8: {  	(v2sf) =	vpush v22, $0x7;
	v22 =	vld [tilespmem:s12+$0x4020];
	s2 =	spop (v2sf)  }
0xa9: {  	v60 =	vld [tilespmem:s12+$0x4000];
	s1 =	spop (v2sf)  }
0xaa: {  	v61 =	vld [tilespmem:s12+$0x4010];
	s6 =	spop (v2sf)  }
0xab: {  	v7 =	vld [tilespmem:s6+$0xC030]  }
0xac: {  	v41 =	vld [tilespmem:s6+$0xC020]  }
0xad: {  	v19 =	vld [tilespmem:s6+$0xC010]  }
0xae: {  	s15 =	spop (v2sf);
	v10 =	vld [tilespmem:s6+$0xC050]  }
0xaf: {  	v35 =	vld [tilespmem:s15+$0x70]  }
0xb0: {  	v42 =	vld [tilespmem:s15+$0x60]  }
0xb1: {  	v47 =	vld [tilespmem:s15+$0x50]  }
0xb2: {  	v50 =	vld [tilespmem:s15+$0x40]  }
0xb3: {  	v52 =	vld [tilespmem:s15+$0x30]  }
0xb4: {  	v54 =	vld [tilespmem:s15+$0x20]  }
0xb5: {  	v56 =	vld [tilespmem:s15+$0x0]  }
0xb6: {  	s17 =	spop (v2sf);
	v57 =	vld [tilespmem:s15+$0x10]  }
0xb7: {  	v36 =	vld [tilespmem:s17+$0x2070]  }
0xb8: {  	v43 =	vld [tilespmem:s17+$0x2060]  }
0xb9: {  	v48 =	vld [tilespmem:s17+$0x2050]  }
0xba: {  	v51 =	vld [tilespmem:s17+$0x2040]  }
0xbb: {  	v53 =	vld [tilespmem:s17+$0x2030]  }
0xbc: {  	v55 =	vld [tilespmem:s17+$0x2020]  }
0xbd: {  	v58 =	vld [tilespmem:s17+$0x2000];
	s10 =	spop (v2sf)  }
0xbe: {  	v21 =	vld [tilespmem:s17+$0x2010];
	s15 =	spop (v2sf)  }
0xbf: {  	v8 =	vld [tilespmem:s15+$0xE030]  }
0xc0: {  	v12 =	vld [tilespmem:s15+$0xE040]  }
0xc1: {  	v13 =	vld [tilespmem:s15+$0xE050]  }
0xc2: {  	v14 =	vadd.f32 v48, v47;
	v47 =	vld [tilespmem:s9+$0x8010]  }
0xc3: {  	v48 =	vld [tilespmem:s8+$0xA000]  }
0xc4: {  	v15 =	vadd.f32 v53, v52;
	v52 =	vld [tilespmem:s8+$0xA010]  }
0xc5: {  	v17 =	vadd.f32 v55, v54;
	v54 =	vld [tilespmem:s6+$0xC000]  }
0xc6: {  	v16 =	vadd.f32 v58, v56;
	v56 =	vld [tilespmem:s15+$0xE000]  }
0xc7: {  	v35 =	vadd.f32 v36, v35;
	v42 =	vadd.f32 v43, v42;
	v43 =	vld [tilespmem:s13+$0x4010]  }
0xc8: {  	v50 =	vadd.f32 v51, v50;
	v51 =	vld [tilespmem:s11+$0x2050]  }
0xc9: {  	v21 =	vadd.f32 v21, v57;
	v53 =	vld [tilespmem:s13+$0x4040];
	v30 =	vadd.f32 v30, v35  }
0xca: {  	v36 =	vld [tilespmem:s14+$0x70];
	v18 =	vadd.f32 v44, v14;
	v37 =	vadd.f32 v37, v42  }
0xcb: {  	v55 =	vadd.f32 v59, v15;
	v57 =	vadd.f32 v49, v50;
	v59 =	vld [tilespmem:s15+$0xE010]  }
0xcc: {  	v58 =	vadd.f32 v60, v16;
	v22 =	vadd.f32 v22, v17;
	v60 =	vld [tilespmem:s15+$0xE020]  }
0xcd: {  	v21 =	vadd.f32 v61, v21;
	v61 =	vld [tilespmem:s6+$0xC040];
	v28 =	vadd.f32 v28, v30  }
0xce: {  	v15 =	vld [tilespmem:s6+$0xC070];
	v30 =	vadd.f32 v38, v18;
	v31 =	vadd.f32 v31, v37  }
0xcf: {  	v16 =	vld [tilespmem:s15+$0xE060];
	v62 =	vadd.f32 v62, v55;
	v9 =	vadd.f32 v45, v57  }
0xd0: {  	v42 =	vld [tilespmem:s11+$0x2040];
	v23 =	vadd.f32 v23, v58;
	v22 =	vadd.f32 v0, v22  }
0xd1: {  	v49 =	vld [tilespmem:s3+$0x8010];
	v21 =	vadd.f32 v24, v21;
	v24 =	vadd.f32 v33, v28  }
0xd2: {  	v50 =	vld [tilespmem:s14+$0x50];
	v28 =	vadd.f32 v32, v30;
	v29 =	vadd.f32 v29, v31  }
0xd3: {  	v18 =	vld [tilespmem:s11+$0x2010];
	v31 =	vadd.f32 v46, v62;
	v14 =	vadd.f32 v39, v9  }
0xd4: {  	v45 =	vld [tilespmem:s4+$0x6020];
	v23 =	vadd.f32 v25, v23;
	v22 =	vadd.f32 v26, v22  }
0xd5: {  	v30 =	vld [tilespmem:s6+$0xC060];
	v21 =	vadd.f32 v47, v21;
	v17 =	vadd.f32 v5, v24  }
0xd6: {  	v33 =	vld [tilespmem:s13+$0x4000];
	v25 =	vadd.f32 v34, v28;
	v23 =	vadd.f32 v48, v23  }
0xd7: {  	v47 =	vld [tilespmem:s13+$0x4020];
	v21 =	vadd.f32 v52, v21;
	v26 =	vadd.f32 v1, v29  }
0xd8: {  	v46 =	vld [tilespmem:s4+$0x6010];
	v22 =	vadd.f32 v27, v22;
	v27 =	vadd.f32 v40, v31  }
0xd9: {  	v32 =	vld [tilespmem:s13+$0x4030];
	v23 =	vadd.f32 v54, v23;
	v24 =	vadd.f32 v19, v21  }
0xda: {  	v39 =	vld [tilespmem:s4+$0x6030];
	v31 =	vadd.f32 v41, v22;
	v27 =	vadd.f32 v7, v27  }
0xdb: {  	v34 =	vld [tilespmem:s14+$0x10];
	v44 =	vadd.f32 v10, v25;
	v37 =	vadd.f32 v15, v17  }
0xdc: {  	v28 =	vld [tilespmem:s15+$0xE070];
	v0 =	vadd.f32 v56, v23;
	v1 =	vadd.f32 v59, v24  }
0xdd: {  	v29 =	vld [tilespmem:s11+$0x2000];
	v24 =	vadd.f32 v6, v14;
	v5 =	vadd.f32 v60, v31  }
0xde: {  	v40 =	vld [tilespmem:s14+$0x20];
	v31 =	vadd.f32 v1, v0;
	v54 =	vmul.f32 v0, v0;
	v55 =	vmul.f32 v1, v1  }
0xdf: {  	v48 =	vld [tilespmem:s14+$0x30];
	v6 =	vadd.f32 v8, v27;
	v35 =	vadd.f32 v61, v24  }
0xe0: {  	v19 =	vld [tilespmem:s11+$0x2020];
	v57 =	vmul.f32 v5, v5;
	v27 =	vadd.f32 v5, v31;
	v56 =	vadd.f32 v55, v54  }
0xe1: {  	v52 =	vld [tilespmem:s3+$0x8020];
	v30 =	vadd.f32 v30, v26;
	v7 =	vadd.f32 v12, v35  }
0xe2: {  	v41 =	vld [tilespmem:s1+$0xC000];
	v58 =	vmul.f32 v6, v6;
	v27 =	vadd.f32 v6, v27;
	v38 =	vadd.f32 v57, v56  }
0xe3: {  	v8 =	vadd.f32 v13, v44;
	v44 =	vld [tilespmem:s14+$0x40];
	v10 =	vadd.f32 v28, v37  }
0xe4: {  	v37 =	vld [tilespmem:s3+$0x8000];
	v60 =	vmul.f32 v7, v7;
	v59 =	vadd.f32 v7, v27;
	v38 =	vadd.f32 v58, v38  }
0xe5: {  	v9 =	vadd.f32 v16, v30;
	v19 =	vadd.f32 v19, v40;
	v40 =	vld [tilespmem:s2+$0xA020]  }
0xe6: {  	v61 =	vmul.f32 v8, v8;
	v31 =	vld [tilespmem:s11+$0x2030];
	v30 =	vadd.f32 v8, v59;
	v38 =	vadd.f32 v60, v38  }
0xe7: {  	v35 =	vld [tilespmem:s4+$0x6000]  }
0xe8: {  	v62 =	vmul.f32 v9, v9;
	v55 =	vld [tilespmem:s2+$0xA000];
	v30 =	vadd.f32 v9, v30;
	v38 =	vadd.f32 v61, v38  }
0xe9: {  	v29 =	vadd.f32 v29, v11;
	v54 =	vld [tilespmem:s14+$0x60];
	v42 =	vadd.f32 v42, v44  }
0xea: {  	v12 =	vmul.f32 v10, v10;
	v44 =	vld [tilespmem:s1+$0xC030];
	v30 =	vadd.f32 v10, v30;
	v38 =	vadd.f32 v62, v38  }
0xeb: {  	v34 =	vadd.f32 v18, v34;
	v29 =	vadd.f32 v33, v29;
	v57 =	vld [tilespmem:s2+$0xA010]  }
0xec: {  	v56 =	vld [tilespmem:s11+$0x2060];
	v42 =	vadd.f32 v53, v42;
	v13 =	vperm.xlane v30, v63;
	v38 =	vadd.f32 v12, v38  }
0xed: {  	v58 =	vld [tilespmem:s3+$0x8030];
	v31 =	vadd.f32 v31, v48;
	v60 =	vadd.f32 v43, v34  }
0xee: {  	v29 =	vadd.f32 v35, v29;
	v59 =	vld [tilespmem:s13+$0x4050];
	v30 =	vadd.f32 v30, v13;
	v14 =	vperm.xlane v38, v63  }
0xef: {  	s17 =	simm.s32 $0x10;
	v31 =	vadd.f32 v32, v31;
	v61 =	vld [tilespmem:s4+$0x6040];
	v33 =	vadd.f32 v46, v60  }
0xf0: {  	s18 =	sand.u32 $0x80, s17;
	v43 =	vld [tilespmem:s2+$0xA030];
	v29 =	vadd.f32 v37, v29;
	v15 =	vperm.xlane v30, v2;
	v38 =	vadd.f32 v14, v38  }
0xf1: {  	s19 =	simm.s32 $0x18;
	s8 =	sadd.s32 s18, s31;
	s6 =	sand.u32 $0x70, s17;
	v31 =	vadd.f32 v39, v31;
	v39 =	vld [tilespmem:s3+$0x8040];
	v33 =	vadd.f32 v49, v33  }
0xf2: {  	s20 =	sand.u32 $0x80, s19;
	s6 =	sadd.s32 s6, s8;
	v29 =	vadd.f32 v55, v29;
	v55 =	vld [tilespmem:s2+$0xA040];
	v30 =	vadd.f32 v30, v15;
	v16 =	vperm.xlane v38, v2  }
0xf3: {  	s22 =	sand.u32 $0x78, s19;
	s24 =	sadd.s32 s20, s31;
	v33 =	vadd.f32 v57, v33;
	v13 =	vld [tilespmem:s6+$0x0]  }
0xf4: {  	s9 =	sadd.s32 s22, s24;
	v57 =	vld [tilespmem:s10+$0xE020];
	v42 =	vadd.f32 v61, v42;
	v17 =	vperm.xlane v30, v3;
	v18 =	vadd.f32 v16, v38  }
0xf5: {  	v29 =	vadd.f32 v41, v29;
	v15 =	vld [tilespmem:s9+$0x0];
	v38 =	vadd.f32 v47, v19  }
0xf6: {  	v39 =	vadd.f32 v39, v42;
	v19 =	vld [tilespmem:s4+$0x6050];
	v30 =	vadd.f32 v30, v17;
	v62 =	vperm.xlane v18, v3  }
0xf7: {  	v47 =	vld [tilespmem:s1+$0xC010];
	v45 =	vadd.f32 v45, v38;
	v17 =	vadd.f32 v51, v50  }
0xf8: {  	v51 =	vshll.u32 v13, $0x9;
	v13 =	vld [tilespmem:s3+$0x8050];
	v11 =	vperm.xlane v30, v4;
	v12 =	vadd.f32 v62, v18  }
0xf9: {  	v60 =	vadd.f32 v52, v45;
	v45 =	vld [tilespmem:s1+$0xC020];
	v46 =	vadd.f32 v59, v17  }
0xfa: {  	v39 =	vadd.f32 v55, v39;
	v16 =	vld [tilespmem:s13+$0x4060];
	v30 =	vadd.f32 v30, v11;
	v14 =	vperm.xlane v12, v4  }
0xfb: {  	v62 =	vld [tilespmem:s10+$0xE000];
	v40 =	vadd.f32 v40, v60;
	v59 =	vadd.f32 v19, v46  }
0xfc: {  	v53 =	vshll.u32 v15, $0x9;
	v11 =	vld [tilespmem:s10+$0xE010];
	v32 =	vadd.f32 v14, v12;
	v12 =	vadd.f32 v56, v54  }
0xfd: {  	v37 =	vshra.s32 v53, $0x2;
	v60 =	vld [tilespmem:s1+$0xC040];
	v14 =	vadd.f32 v58, v31;
	v31 =	vadd.f32 v47, v33  }
0xfe: {  	v52 =	vld [tilespmem:s4+$0x6060];
	v34 =	vmul.f32 $7.812500000e-03, v30;
	v53 =	vadd.f32 v13, v59;
	v40 =	vadd.f32 v45, v40  }
0xff: {  	v30 =	vld [tilespmem:s11+$0x2070];
	(v2sf) =	vpush v32, $0x0;
	v58 =	vadd.f32 v16, v12  }
0x100: {  	v18 =	vmul.f32 v34, v34;
	v16 =	vadd.f32 v62, v29;
	v61 =	vadd.f32 v43, v14  }
0x101: {  	v38 =	vshra.s32 v51, $0x2;
	v51 =	vld [tilespmem:s13+$0x4070];
	v11 =	vadd.f32 v11, v31;
	v17 =	vadd.f32 v57, v40  }
0x102: {  	v50 =	vld [tilespmem:s2+$0xA050];
	v39 =	vadd.f32 v60, v39;
	(v2sf) =	vpush v18, $0x0  }
0x103: {  	v29 =	vld [tilespmem:s10+$0xE030];
	v52 =	vadd.f32 v52, v58;
	v55 =	vadd.f32 v44, v61  }
0x104: {  	v47 =	vld [tilespmem:s4+$0x6070];
	v12 =	vmul.f32 v16, v16;
	(v2sf) =	vpush v38, $0x0;
	v30 =	vadd.f32 v30, v36  }
0x105: {  	v13 =	vld [tilespmem:s1+$0xC050];
	v62 =	vadd.f32 v11, v16;
	v14 =	vmul.f32 v11, v11;
	(v2sf) =	vpush v37, $0x5  }
0x106: {  	v33 =	vld [tilespmem:s10+$0xE040];
	(v2sf) =	vpush v37, $0x4;
	v30 =	vadd.f32 v51, v30  }
0x107: {  	v36 =	vld [tilespmem:s3+$0x8060];
	v56 =	vadd.f32 v14, v12;
	v45 =	vadd.f32 v17, v62  }
0x108: {  	v43 =	vld [tilespmem:s3+$0x8070];
	v59 =	vmul.f32 v17, v17;
	v41 =	vadd.f32 v29, v55;
	(v2sf) =	vpush v38, $0x1  }
0x109: {  	v58 =	vld [tilespmem:s10+$0xE050];
	v29 =	vadd.f32 v50, v53;
	(v2sf) =	vpush v37, $0x3  }
0x10a: {  	v30 =	vadd.f32 v47, v30;
	v51 =	vadd.f32 v59, v56  }
0x10b: {  	v48 =	vld [tilespmem:s2+$0xA060];
	v29 =	vadd.f32 v13, v29;
	(v2sf) =	vpush v38, $0x2  }
0x10c: {  	v52 =	vadd.f32 v36, v52;
	v36 =	vadd.f32 v33, v39  }
0x10d: {  	v44 =	vld [tilespmem:s2+$0xA070];
	v35 =	vmul.f32 v41, v41;
	v33 =	vadd.f32 v41, v45;
	(v2sf) =	vpush v38, $0x3  }
0x10e: {  	v57 =	vld [tilespmem:s1+$0xC060];
	v30 =	vadd.f32 v43, v30;
	v40 =	vadd.f32 v58, v29  }
0x10f: {  	v60 =	vld [tilespmem:s1+$0xC070];
	v43 =	vadd.f32 v35, v51;
	(v2sf) =	vpush v37, $0x2  }
0x110: {  	v61 =	vld [tilespmem:s10+$0xE060];
	v48 =	vadd.f32 v48, v52;
	v56 =	vadd.f32 v36, v33  }
0x111: {  	v62 =	vld [tilespmem:s10+$0xE070];
	v33 =	vsub.f32 v5, v34;
	(v2sf) =	vpush v38, $0x4  }
0x112: {  	v30 =	vadd.f32 v44, v30;
	(v2sf) =	vpush v38, $0x5;
	s12 =	spop (v2sf)  }
0x113: {  	v29 =	vadd.f32 v57, v48;
	v46 =	vadd.f32 v40, v56;
	s22 =	spop (v2sf)  }
0x114: {  	(v2sf) =	vpush v38, $0x6;
	v50 =	vadd.f32 v60, v30;
	s3 =	spop (v2sf)  }
0x115: {  	v5 =	vld [tilespmem:$0x1FF00];
	(v2sf) =	vpush v37, $0x6;
	v42 =	vadd.f32 v61, v29;
	s11 =	spop (v2sf)  }
0x116: {  	v57 =	vmul.f32 v36, v36;
	(v2sf) =	vpush v37, $0x0;
	v45 =	vadd.f32 v62, v50;
	v19 =	vld [tilespmem:s11+$0xA070]  }
0x117: {  	v59 =	vadd.f32 v42, v46;
	(v2sf) =	vpush v37, $0x1;
	v20 =	vld [tilespmem:s11+$0xA060]  }
0x118: {  	v58 =	vmul.f32 v40, v40;
	v43 =	vadd.f32 v57, v43;
	s6 =	spop (v2sf);
	(v2sf) =	vpush v38, $0x7;
	v38 =	vld [tilespmem:s11+$0xA050]  }
0x119: {  	v39 =	vadd.f32 v45, v59;
	v12 =	vld [tilespmem:s6+$0x8070]  }
0x11a: {  	v43 =	vadd.f32 v58, v43;
	v60 =	vmul.f32 v42, v42;
	s13 =	spop (v2sf);
	v31 =	vld [tilespmem:s6+$0x8060]  }
0x11b: {  	v62 =	vperm.xlane v39, v63;
	v58 =	vld [tilespmem:s6+$0x8000];
	s9 =	spop (v2sf)  }
0x11c: {  	v43 =	vadd.f32 v60, v43;
	v60 =	vld [tilespmem:s6+$0x8020];
	s19 =	spop (v2sf)  }
0x11d: {  	v39 =	vadd.f32 v39, v62;
	v62 =	vld [tilespmem:s11+$0xA020];
	s18 =	spop (v2sf)  }
0x11e: {  	v22 =	vld [tilespmem:s9+$0x6070];
	s24 =	spop (v2sf)  }
0x11f: {  	v48 =	vld [tilespmem:s24+$0x4070]  }
0x120: {  	v61 =	vmul.f32 v45, v45;
	v57 =	vld [tilespmem:s24+$0x4060]  }
0x121: {  	v59 =	vld [tilespmem:s24+$0x4050]  }
0x122: {  	v43 =	vadd.f32 v61, v43;
	v61 =	vld [tilespmem:s24+$0x4040]  }
0x123: {  	s4 =	spop (v2sf);
	v29 =	vld [tilespmem:s24+$0x4030]  }
0x124: {  	v30 =	vld [tilespmem:s24+$0x4020];
	s2 =	spop (v2sf)  }
0x125: {  	v27 =	vld [tilespmem:s24+$0x4000];
	s1 =	spop (v2sf)  }
0x126: {  	v44 =	vperm.xlane v43, v63;
	v24 =	vld [tilespmem:s24+$0x4010];
	s14 =	spop (v2sf)  }
0x127: {  	v46 =	vperm.xlane v39, v2;
	s17 =	spop (v2sf);
	v56 =	vld [tilespmem:s14+$0xC030]  }
0x128: {  	v43 =	vadd.f32 v44, v43;
	v49 =	vld [tilespmem:s17+$0x70]  }
0x129: {  	v39 =	vadd.f32 v39, v46;
	v47 =	vld [tilespmem:s17+$0x60]  }
0x12a: {  	v44 =	vperm.xlane v43, v2;
	v51 =	vld [tilespmem:s17+$0x50]  }
0x12b: {  	v46 =	vperm.xlane v39, v3;
	v50 =	vld [tilespmem:s17+$0x40]  }
0x12c: {  	v43 =	vadd.f32 v44, v43;
	v52 =	vld [tilespmem:s17+$0x30]  }
0x12d: {  	v39 =	vadd.f32 v39, v46;
	v53 =	vld [tilespmem:s17+$0x20]  }
0x12e: {  	v44 =	vperm.xlane v43, v3;
	v54 =	vld [tilespmem:s17+$0x0]  }
0x12f: {  	v55 =	vld [tilespmem:s17+$0x10];
	v46 =	vperm.xlane v39, v4  }
0x130: {  	v43 =	vadd.f32 v44, v43;
	v44 =	vsub.f32 v7, v34;
	v7 =	vld [tilespmem:$0x1FF20]  }
0x131: {  	s20 =	spop (v2sf);
	v39 =	vadd.f32 v39, v46;
	v46 =	vsub.f32 v6, v34;
	v6 =	vld [tilespmem:$0x1FF10]  }
0x132: {  	v13 =	vld [tilespmem:s20+$0x2070]  }
0x133: {  	v14 =	vld [tilespmem:s20+$0x2060]  }
0x134: {  	v15 =	vld [tilespmem:s20+$0x2050]  }
0x135: {  	v18 =	vld [tilespmem:s20+$0x2040]  }
0x136: {  	v26 =	vld [tilespmem:s20+$0x2030]  }
0x137: {  	v21 =	vperm.xlane v43, v4;
	v28 =	vld [tilespmem:s20+$0x2020]  }
0x138: {  	v32 =	vsub.f32 v0, v34;
	v35 =	vsub.f32 v1, v34;
	v23 =	vld [tilespmem:s20+$0x2000]  }
0x139: {  	v1 =	vsub.f32 v9, v34;
	v25 =	vld [tilespmem:s20+$0x2010];
	v39 =	vmul.f32 $7.812500000e-03, v39;
	v21 =	vadd.f32 v21, v43  }
0x13a: {  	v43 =	vsub.f32 v8, v34;
	v34 =	vsub.f32 v10, v34;
	v10 =	vld [tilespmem:s9+$0x6050]  }
0x13b: {  	v8 =	vld [tilespmem:s14+$0xC060];
	v0 =	vmul.f32 v39, v39  }
0x13c: {  	s15 =	smul.f32 $7.812500000e-03, s12;
	(v2sf) =	vpush v21, $0x0;
	v21 =	vld [tilespmem:s9+$0x6060]  }
0x13d: {  	(v2sf) =	vpush v0, $0x0;
	v0 =	vld [tilespmem:s6+$0x8050]  }
0x13e: {  	s8 =	ssub.f32 s15, s22;
	v49 =	vadd.f32 v13, v49;
	v13 =	vld [tilespmem:s9+$0x6040]  }
0x13f: {  	v47 =	vadd.f32 v14, v47;
	v14 =	vld [tilespmem:s9+$0x6030]  }
0x140: {  	s8 =	sadd.f32 $9.999999740e-06, s8;
	v51 =	vadd.f32 v15, v51;
	v15 =	vld [tilespmem:s9+$0x6020]  }
0x141: {  	v50 =	vadd.f32 v18, v50;
	v18 =	vld [tilespmem:s9+$0x6000]  }
0x142: {  	s22 =	sshrl.u32 s8, $0x1;
	s8 =	smul.f32 $5.000000000e-01, s8;
	v26 =	vadd.f32 v26, v52;
	v28 =	vadd.f32 v28, v53;
	v53 =	vld [tilespmem:s6+$0x8030]  }
0x143: {  	s10 =	ssub.s32 $0x5F3759DF, s22;
	v23 =	vadd.f32 v23, v54;
	v25 =	vadd.f32 v25, v55;
	v54 =	vld [tilespmem:s19+$0x4000]  }
0x144: {  	s24 =	smul.f32 s10, s8;
	(v2sf) =	vpush v37, $0x7;
	v37 =	vld [tilespmem:s11+$0xA040];
	v48 =	vadd.f32 v48, v49  }
0x145: {  	v23 =	vadd.f32 v27, v23;
	v27 =	vadd.f32 v30, v28;
	v28 =	vld [tilespmem:s9+$0x6010]  }
0x146: {  	s12 =	smul.f32 s10, s24;
	v51 =	vadd.f32 v59, v51;
	v47 =	vadd.f32 v57, v47;
	v30 =	vld [tilespmem:s6+$0x8040]  }
0x147: {  	v26 =	vadd.f32 v29, v26;
	v29 =	vadd.f32 v61, v50;
	v49 =	vld [tilespmem:s14+$0xC020]  }
0x148: {  	s12 =	ssub.f32 $1.500000000e+00, s12;
	v24 =	vadd.f32 v24, v25;
	v21 =	vadd.f32 v21, v47;
	v47 =	vld [tilespmem:s11+$0xA030]  }
0x149: {  	v25 =	vadd.f32 v10, v51;
	v51 =	vsub.f32 v11, v39;
	v11 =	vld [tilespmem:s14+$0xC040]  }
0x14a: {  	s10 =	smul.f32 s10, s12;
	v23 =	vadd.f32 v18, v23;
	v18 =	vld [tilespmem:$0x1FFF0]  }
0x14b: {  	v41 =	vsub.f32 v41, v39;
	v29 =	vadd.f32 v13, v29;
	v13 =	vld [tilespmem:$0x1FF80]  }
0x14c: {  	s8 =	smul.f32 s10, s8;
	v22 =	vadd.f32 v22, v48;
	v26 =	vadd.f32 v14, v26;
	v14 =	vld [tilespmem:$0x1FF90]  }
0x14d: {  	v36 =	vsub.f32 v36, v39;
	v27 =	vadd.f32 v15, v27;
	v15 =	vld [tilespmem:$0x1FFA0]  }
0x14e: {  	s8 =	smul.f32 s8, s10;
	v40 =	vsub.f32 v40, v39;
	v55 =	vadd.f32 v12, v22;
	v12 =	vld [tilespmem:$0x1FF70]  }
0x14f: {  	v42 =	vsub.f32 v42, v39;
	v21 =	vadd.f32 v31, v21;
	v31 =	vld [tilespmem:s6+$0x8010]  }
0x150: {  	s8 =	ssub.f32 $1.500000000e+00, s8;
	v48 =	vsub.f32 v16, v39;
	v29 =	vadd.f32 v30, v29;
	v30 =	vld [tilespmem:s11+$0xA000]  }
0x151: {  	v0 =	vadd.f32 v0, v25;
	v27 =	vadd.f32 v60, v27;
	v60 =	vld [tilespmem:s14+$0xC000]  }
0x152: {  	s12 =	smul.f32 s8, s10;
	v26 =	vadd.f32 v53, v26;
	v53 =	vsub.f32 v17, v39;
	v17 =	vld [tilespmem:s14+$0xC050]  }
0x153: {  	v39 =	vsub.f32 v45, v39;
	v45 =	vld [tilespmem:s13+$0x2030];
	v21 =	vadd.f32 v20, v21  }
0x154: {  	v34 =	vmul.f32 s12, v34;
	v28 =	vadd.f32 v28, v24;
	v52 =	vadd.f32 v19, v55;
	v55 =	vld [tilespmem:s3+$0x30]  }
0x155: {  	v59 =	vmul.f32 s12, v35;
	v27 =	vadd.f32 v62, v27;
	v21 =	vadd.f32 v8, v21;
	v8 =	vld [tilespmem:$0x1FF30]  }
0x156: {  	v24 =	vmul.f32 s12, v32;
	v0 =	vadd.f32 v38, v0;
	v28 =	vadd.f32 v31, v28;
	v31 =	vld [tilespmem:s14+$0xC010]  }
0x157: {  	s10 =	spop (v2sf);
	v22 =	vmul.f32 v34, v12;
	v62 =	vadd.f32 v49, v27;
	v49 =	vmul.f32 s12, v1;
	v1 =	vld [tilespmem:$0x1FFD0]  }
0x158: {  	v25 =	vmul.f32 s12, v33;
	v0 =	vadd.f32 v17, v0;
	v17 =	vld [tilespmem:s13+$0x2000];
	s15 =	spop (v2sf)  }
0x159: {  	v61 =	vmul.f32 v24, v5;
	v24 =	vadd.f32 v22, v18;
	v22 =	vmul.f32 v59, v6;
	v59 =	vld [tilespmem:s11+$0xA010];
	s17 =	spop (v2sf)  }
0x15a: {  	v45 =	vadd.f32 v45, v55;
	v55 =	vld [tilespmem:s19+$0x4030];
	s20 =	spop (v2sf)  }
0x15b: {  	v57 =	vmul.f32 v25, v7;
	v25 =	vadd.f32 v61, v13;
	v61 =	vld [tilespmem:s20+$0xE000]  }
0x15c: {  	v58 =	vadd.f32 v58, v23;
	v9 =	vld [tilespmem:s20+$0xE010]  }
0x15d: {  	s6 =	smul.f32 $7.812500000e-03, s15;
	v10 =	vld [tilespmem:s20+$0xE020]  }
0x15e: {  	v30 =	vadd.f32 v30, v58;
	v16 =	vld [tilespmem:s20+$0xE030];
	v28 =	vadd.f32 v59, v28  }
0x15f: {  	s6 =	ssub.f32 s6, s17;
	v19 =	vld [tilespmem:s20+$0xE040]  }
0x160: {  	v30 =	vadd.f32 v60, v30;
	v60 =	vld [tilespmem:s20+$0xE060];
	v28 =	vadd.f32 v31, v28  }
0x161: {  	s6 =	sadd.f32 $9.999999740e-06, s6;
	v31 =	vadd.f32 v47, v26;
	v47 =	vld [tilespmem:s3+$0x20]  }
0x162: {  	v29 =	vadd.f32 v37, v29;
	v27 =	vadd.f32 v9, v28;
	v9 =	vld [tilespmem:s20+$0xE050]  }
0x163: {  	v23 =	vadd.f32 v57, v15;
	s22 =	sshrl.u32 s6, $0x1;
	s6 =	smul.f32 $5.000000000e-01, s6;
	v26 =	vadd.f32 v61, v30;
	v30 =	vld [tilespmem:s14+$0xC070]  }
0x164: {  	v29 =	vadd.f32 v11, v29;
	s8 =	ssub.s32 $0x5F3759DF, s22;
	v31 =	vadd.f32 v56, v31;
	v61 =	vld [tilespmem:s20+$0xE070]  }
0x165: {  	v28 =	vadd.f32 v10, v62;
	s24 =	smul.f32 s8, s6;
	v62 =	vld [tilespmem:s3+$0x0];
	v58 =	vmul.f32 v26, v26;
	v59 =	vmul.f32 v27, v27  }
0x166: {  	v56 =	vld [tilespmem:s3+$0x10];
	v38 =	vadd.f32 v27, v26;
	v31 =	vadd.f32 v16, v31  }
0x167: {  	v10 =	vmul.f32 v28, v28;
	s11 =	smul.f32 s8, s24;
	v37 =	vadd.f32 v59, v58;
	v32 =	vadd.f32 v9, v0;
	v0 =	vld [tilespmem:s13+$0x2010]  }
0x168: {  	v46 =	vmul.f32 s12, v46;
	v38 =	vadd.f32 v28, v38;
	v30 =	vadd.f32 v30, v52;
	v52 =	vld [tilespmem:s13+$0x2020]  }
0x169: {  	v44 =	vmul.f32 s12, v44;
	v33 =	vadd.f32 v19, v29;
	s11 =	ssub.f32 $1.500000000e+00, s11;
	v9 =	vld [tilespmem:$0x1FF40];
	v29 =	vadd.f32 v10, v37  }
0x16a: {  	v16 =	vmul.f32 v31, v31;
	v11 =	vadd.f32 v31, v38;
	v37 =	vadd.f32 v17, v62;
	v62 =	vld [tilespmem:s19+$0x4020]  }
0x16b: {  	v22 =	vadd.f32 v22, v14;
	v46 =	vmul.f32 v46, v8;
	v45 =	vadd.f32 v55, v45;
	s8 =	smul.f32 s8, s11;
	v10 =	vld [tilespmem:$0x1FF50]  }
0x16c: {  	v58 =	vmul.f32 v33, v33;
	v17 =	vld [tilespmem:$0x1FFC0];
	v29 =	vadd.f32 v16, v29;
	v57 =	vadd.f32 v33, v11  }
0x16d: {  	v19 =	vmul.f32 s12, v43;
	v34 =	vadd.f32 v60, v21;
	v21 =	vadd.f32 v61, v30;
	v30 =	vld [tilespmem:s19+$0x4010];
	s6 =	smul.f32 s8, s6  }
0x16e: {  	v59 =	vmul.f32 v32, v32;
	v11 =	vld [tilespmem:$0x1FF60];
	v29 =	vadd.f32 v58, v29;
	v35 =	vadd.f32 v32, v57  }
0x16f: {  	v44 =	vmul.f32 v44, v9;
	s6 =	smul.f32 s6, s8;
	v0 =	vadd.f32 v0, v56;
	v56 =	vld [tilespmem:s18+$0x6000];
	v47 =	vadd.f32 v52, v47  }
0x170: {  	v60 =	vmul.f32 v34, v34;
	v52 =	vld [tilespmem:s18+$0x6010];
	v29 =	vadd.f32 v59, v29;
	v35 =	vadd.f32 v34, v35  }
0x171: {  	v16 =	vld [tilespmem:$0x1FFB0];
	v37 =	vadd.f32 v54, v37;
	v61 =	vmul.f32 v21, v21;
	s6 =	ssub.f32 $1.500000000e+00, s6;
	v44 =	vadd.f32 v44, v17  }
0x172: {  	v38 =	vmul.f32 v19, v10;
	v19 =	vld [tilespmem:s4+$0x8000];
	v29 =	vadd.f32 v60, v29;
	v35 =	vadd.f32 v21, v35  }
0x173: {  	v0 =	vadd.f32 v30, v0;
	v47 =	vadd.f32 v62, v47;
	v62 =	vld [tilespmem:s18+$0x6020];
	v49 =	vmul.f32 v49, v11;
	s6 =	smul.f32 s6, s8  }
0x174: {  	v54 =	vld [tilespmem:s3+$0x40];
	v37 =	vadd.f32 v56, v37;
	v29 =	vadd.f32 v61, v29;
	v58 =	vperm.xlane v35, v63  }
0x175: {  	v60 =	vld [tilespmem:s13+$0x2040];
	v0 =	vadd.f32 v52, v0;
	v48 =	vmul.f32 s6, v48;
	v51 =	vmul.f32 s6, v51  }
0x176: {  	v52 =	vld [tilespmem:s4+$0x8010];
	v53 =	vmul.f32 s6, v53;
	v30 =	vadd.f32 v35, v58;
	v59 =	vperm.xlane v29, v63  }
0x177: {  	v41 =	vmul.f32 s6, v41;
	v36 =	vmul.f32 s6, v36;
	v37 =	vadd.f32 v19, v37;
	v19 =	vld [tilespmem:s18+$0x6030]  }
0x178: {  	s8 =	simm.s32 $0x1;
	v35 =	vadd.f32 v62, v47;
	v47 =	vld [tilespmem:s19+$0x4040];
	v61 =	vperm.xlane v30, v2;
	v29 =	vadd.f32 v59, v29  }
0x179: {  	v46 =	vadd.f32 v46, v16;
	s8 =	simm.s32 @!p1 $0x0;
	v40 =	vmul.f32 s6, v40;
	v48 =	vmul.f32 v48, v5;
	v5 =	vld [tilespmem:$0x1FFE0]  }
0x17a: {  	s8 =	sshll.u32 s8, $0xC;
	v43 =	vadd.f32 v60, v54;
	v54 =	vld [tilespmem:s3+$0x50];
	v30 =	vadd.f32 v30, v61;
	v59 =	vperm.xlane v29, v2  }
0x17b: {  	v38 =	vadd.f32 v38, v1;
	s20 =	sor.u32 $0x102C0, s8;
	v51 =	vmul.f32 v51, v6;
	v53 =	vmul.f32 v53, v7;
	v61 =	vld [tilespmem:s13+$0x2050]  }
0x17c: {  	[tilespmem:s20+$0x40] =	vst v25;
	v25 =	vmul.f32 v36, v9;
	v9 =	vld [tilespmem:s3+$0x60];
	v29 =	vadd.f32 v59, v29;
	v60 =	vperm.xlane v30, v3  }
0x17d: {  	v41 =	vmul.f32 v41, v8;
	v0 =	vadd.f32 v52, v0;
	v8 =	vadd.f32 v51, v14;
	v14 =	vld [tilespmem:s13+$0x2060]  }
0x17e: {  	v48 =	vadd.f32 v48, v13;
	v59 =	vld [tilespmem:s4+$0x8020];
	v30 =	vadd.f32 v30, v60;
	v62 =	vperm.xlane v29, v3  }
0x17f: {  	[tilespmem:s20+$0x60] =	vst v23;
	v23 =	vmul.f32 v40, v10;
	v13 =	vadd.f32 v53, v15;
	v15 =	vadd.f32 v41, v16;
	v16 =	vld [tilespmem:s19+$0x4050]  }
0x180: {  	v54 =	vadd.f32 v61, v54;
	v61 =	vld [tilespmem:s2+$0xA000];
	v29 =	vadd.f32 v62, v29;
	v60 =	vperm.xlane v30, v4  }
0x181: {  	v56 =	vld [tilespmem:s18+$0x6040];
	v57 =	vadd.f32 v23, v1;
	v45 =	vadd.f32 v19, v45  }
0x182: {  	[tilespmem:s20+$0xB0] =	vst v24;
	v49 =	vadd.f32 v49, v5;
	v24 =	vadd.f32 v30, v60;
	v30 =	vld [tilespmem:s2+$0xA010];
	v62 =	vperm.xlane v29, v4  }
0x183: {  	[tilespmem:s20+$0x50] =	vst v22;
	v43 =	vadd.f32 v47, v43;
	v35 =	vadd.f32 v59, v35  }
0x184: {  	[tilespmem:s20+$0x90] =	vst v38;
	v59 =	vld [tilespmem:s1+$0xC000];
	v38 =	vadd.f32 v16, v54;
	v29 =	vadd.f32 v62, v29  }
0x185: {  	[tilespmem:s20+$0x70] =	vst v46;
	v22 =	vmul.f32 $7.812500000e-03, v24;
	v19 =	vadd.f32 v61, v37;
	v37 =	vadd.f32 v14, v9  }
0x186: {  	[tilespmem:s20+$0x80] =	vst v44;
	v58 =	vld [tilespmem:s2+$0xA020];
	v61 =	vmul.f32 s6, v39;
	v39 =	vadd.f32 v56, v43;
	(v2sf) =	vpush v29, $0x0  }
0x187: {  	v23 =	vmul.f32 s6, v42;
	[tilespmem:s20+$0xFFFFFFC0] =	vst v48;
	v29 =	vadd.f32 v25, v17;
	v0 =	vadd.f32 v30, v0;
	v30 =	vld [tilespmem:s4+$0x8030]  }
0x188: {  	v36 =	vld [tilespmem:s18+$0x6050];
	[tilespmem:s20+$0xFFFFFFD0] =	vst v8;
	v24 =	vmul.f32 v22, v22;
	v26 =	vsub.f32 v26, v22;
	v25 =	vsub.f32 v28, v22  }
0x189: {  	[tilespmem:s20+$0xFFFFFFE0] =	vst v13;
	v60 =	vld [tilespmem:s1+$0xC010];
	v28 =	vmul.f32 v23, v11;
	v23 =	vsub.f32 v31, v22;
	v31 =	vadd.f32 v59, v19  }
0x18a: {  	v44 =	vld [tilespmem:s4+$0x8040];
	[tilespmem:s20+$0xFFFFFFF0] =	vst v15;
	(v2sf) =	vpush v24, $0x0;
	v24 =	vsub.f32 v27, v22  }
0x18b: {  	v41 =	vld [tilespmem:s3+$0x70];
	[tilespmem:s20+$0x10] =	vst v57;
	v27 =	vsub.f32 v33, v22;
	v33 =	vadd.f32 v58, v35  }
0x18c: {  	v42 =	vld [tilespmem:s13+$0x2070];
	[tilespmem:s20+$0xA0] =	vst v49;
	v62 =	vadd.f32 v28, v5;
	v40 =	vadd.f32 v30, v45;
	v30 =	vmul.f32 v61, v12  }
0x18d: {  	s3 =	sshll.u32 s0, $0xC;
	v43 =	vld [tilespmem:s19+$0x4060];
	[tilespmem:s20+$0x0] =	vst v29;
	v28 =	vsub.f32 v32, v22;
	v29 =	vsub.f32 v34, v22  }
0x18e: {  	s14 =	simm.s32 $0x20;
	s0 =	sor.u32 $0x10200, s3;
	s13 =	simm.s32 $0x2;
	v34 =	vld [tilespmem:s2+$0xA030];
	v35 =	vadd.f32 v60, v0;
	[tilespmem:s20+$0x20] =	vst v62;
	v30 =	vadd.f32 v30, v18  }
.LBB2_10:
0x18f: {  	v32 =	vld [tilespmem:s1+$0xC020]  }
0x190: {  	v1 =	vld [tilespmem:$0x1FF70]  }
0x191: {  	v20 =	vld [tilespmem:$0x1FFC0];
	[tilespmem:s20+$0x30] =	vst v30  }
0x192: {  	v11 =	vld [tilespmem:s10+$0xE000]  }
0x193: {  	v12 =	vld [tilespmem:s10+$0xE010]  }
0x194: {  	v15 =	vld [tilespmem:s19+$0x4070]  }
0x195: {  	v17 =	vld [tilespmem:s18+$0x6060]  }
0x196: {  	v18 =	vld [tilespmem:s4+$0x8050]  }
0x197: {  	v19 =	vld [tilespmem:s2+$0xA040]  }
0x198: {  	v53 =	vld [tilespmem:s1+$0xC030]  }
0x199: {  	v46 =	vld [tilespmem:s10+$0xE020]  }
0x19a: {  	s6 =	sand.u32 $0x80, s14;
	s9 =	sadd.s32 $0x8, s14;
	v54 =	vld [tilespmem:s18+$0x6070]  }
0x19b: {  	s8 =	sand.u32 $0x70, s14;
	s6 =	sadd.s32 s6, s31;
	s11 =	sand.u32 $0x80, s9;
	v49 =	vld [tilespmem:s4+$0x8060];
	v0 =	vadd.f32 v42, v41  }
0x19c: {  	s9 =	sand.u32 $0x78, s9;
	s6 =	sadd.s32 s8, s6;
	s11 =	sadd.s32 s11, s31;
	v56 =	vld [tilespmem:s1+$0xC040];
	v30 =	vadd.f32 v43, v37;
	v36 =	vadd.f32 v36, v38  }
0x19d: {  	v13 =	vld [tilespmem:s6+$0x0];
	s12 =	sadd.s32 s9, s11;
	v39 =	vadd.f32 v44, v39;
	v34 =	vadd.f32 v34, v40  }
0x19e: {  	v14 =	vld [tilespmem:s12+$0x0];
	v16 =	vadd.f32 v32, v33;
	v32 =	vadd.f32 v11, v31  }
0x19f: {  	v57 =	vld [tilespmem:s10+$0xE030];
	v33 =	vadd.f32 v12, v35;
	v30 =	vadd.f32 v17, v30  }
0x1a0: {  	v55 =	vld [tilespmem:s2+$0xA050];
	v48 =	vadd.f32 v18, v36;
	v35 =	vadd.f32 v19, v39;
	s15 =	spop (v2sf)  }
0x1a1: {  	v58 =	vld [tilespmem:s4+$0x8070];
	v34 =	vadd.f32 v53, v34;
	v36 =	vadd.f32 v46, v16;
	s6 =	smul.f32 $7.812500000e-03, s15  }
0x1a2: {  	v59 =	vld [tilespmem:s2+$0xA060];
	v0 =	vadd.f32 v15, v0;
	v31 =	vshll.u32 v13, $0x9;
	v52 =	vmul.f32 v32, v32;
	s17 =	spop (v2sf)  }
0x1a3: {  	v60 =	vld [tilespmem:s1+$0xC050];
	v41 =	vshra.s32 v31, $0x2;
	v31 =	vshll.u32 v14, $0x9;
	v35 =	vadd.f32 v56, v35;
	s6 =	ssub.f32 s6, s17  }
0x1a4: {  	v50 =	vld [tilespmem:s10+$0xE040];
	v37 =	vadd.f32 v57, v34;
	v31 =	vshra.s32 v31, $0x2;
	(v2sf) =	vpush v41, $0x0  }
0x1a5: {  	v51 =	vld [tilespmem:s2+$0xA070];
	v47 =	vmul.f32 v33, v33;
	v61 =	vadd.f32 v55, v48;
	(v2sf) =	vpush v31, $0x5;
	s6 =	sadd.f32 $9.999999740e-06, s6  }
0x1a6: {  	v62 =	vld [tilespmem:s1+$0xC060];
	v8 =	vadd.f32 v49, v30;
	v0 =	vadd.f32 v54, v0  }
0x1a7: {  	v9 =	vld [tilespmem:s10+$0xE050];
	v38 =	vadd.f32 v47, v52;
	(v2sf) =	vpush v31, $0x4;
	s18 =	sshrl.u32 s6, $0x1;
	s6 =	smul.f32 $5.000000000e-01, s6  }
0x1a8: {  	v11 =	vld [tilespmem:s1+$0xC070];
	v43 =	vmul.f32 v36, v36;
	v42 =	vadd.f32 v59, v8;
	(v2sf) =	vpush v41, $0x1;
	s8 =	ssub.s32 $0x5F3759DF, s18  }
0x1a9: {  	v12 =	vld [tilespmem:s10+$0xE060];
	v14 =	vadd.f32 v60, v61;
	(v2sf) =	vpush v31, $0x3;
	s19 =	smul.f32 s8, s6  }
0x1aa: {  	v13 =	vld [tilespmem:s10+$0xE070];
	v0 =	vadd.f32 v58, v0;
	v38 =	vadd.f32 v43, v38  }
0x1ab: {  	v8 =	vld [tilespmem:$0x1FF00];
	v43 =	vadd.f32 v50, v35;
	(v2sf) =	vpush v41, $0x2;
	s9 =	smul.f32 s8, s19  }
0x1ac: {  	v10 =	vmul.f32 v37, v37;
	v47 =	vadd.f32 v9, v14;
	v9 =	vld [tilespmem:$0x1FF10];
	(v2sf) =	vpush v41, $0x3  }
0x1ad: {  	v0 =	vadd.f32 v51, v0;
	v14 =	vld [tilespmem:$0x1FF60];
	(v2sf) =	vpush v31, $0x2;
	s22 =	ssub.f32 $1.500000000e+00, s9  }
0x1ae: {  	v39 =	vadd.f32 v62, v42;
	v15 =	vmul.f32 v43, v43;
	v49 =	vadd.f32 v10, v38;
	v10 =	vld [tilespmem:$0x1FF20]  }
0x1af: {  	v0 =	vadd.f32 v11, v0;
	v11 =	vld [tilespmem:$0x1FF30];
	s4 =	smul.f32 s8, s22  }
0x1b0: {  	v40 =	vadd.f32 v15, v49;
	v49 =	vadd.f32 v12, v39;
	v12 =	vld [tilespmem:$0x1FF40]  }
0x1b1: {  	v17 =	vmul.f32 v47, v47;
	v0 =	vadd.f32 v13, v0;
	v13 =	vld [tilespmem:$0x1FF50];
	(v2sf) =	vpush v41, $0x4;
	s24 =	smul.f32 s4, s6  }
0x1b2: {  	v45 =	vadd.f32 v33, v32;
	v15 =	vld [tilespmem:$0x1FFD0];
	(v2sf) =	vpush v41, $0x5  }
0x1b3: {  	v56 =	vadd.f32 v17, v40;
	v17 =	vld [tilespmem:$0x1FF90];
	(v2sf) =	vpush v41, $0x6;
	s15 =	spop (v2sf);
	s6 =	smul.f32 s24, s4  }
0x1b4: {  	v45 =	vadd.f32 v36, v45;
	(v2sf) =	vpush v31, $0x6;
	v30 =	vld [tilespmem:s15+$0x0];
	s11 =	spop (v2sf)  }
0x1b5: {  	v22 =	vsub.f32 v21, v22;
	(v2sf) =	vpush v31, $0x0;
	v34 =	vld [tilespmem:s11+$0xA070];
	s1 =	ssub.f32 $1.500000000e+00, s6  }
0x1b6: {  	v45 =	vadd.f32 v37, v45;
	(v2sf) =	vpush v31, $0x1;
	s24 =	spop (v2sf);
	v21 =	vld [tilespmem:s11+$0xA060]  }
0x1b7: {  	v35 =	vld [tilespmem:s24+$0x8070];
	s22 =	spop (v2sf);
	s8 =	smul.f32 s1, s4  }
0x1b8: {  	v45 =	vadd.f32 v43, v45;
	v40 =	vld [tilespmem:s24+$0x8050];
	s6 =	spop (v2sf)  }
0x1b9: {  	v38 =	vld [tilespmem:s6+$0x6070];
	v22 =	vmul.f32 s8, v22  }
0x1ba: {  	v48 =	vadd.f32 v47, v45;
	s19 =	spop (v2sf);
	v45 =	vld [tilespmem:s6+$0x6060]  }
0x1bb: {  	s18 =	spop (v2sf);
	v18 =	vmul.f32 v22, v1;
	v1 =	vld [tilespmem:$0x1FFF0]  }
0x1bc: {  	s9 =	spop (v2sf);
	v16 =	vmul.f32 s8, v26;
	v26 =	vld [tilespmem:s24+$0x8060]  }
0x1bd: {  	v46 =	vld [tilespmem:s9+$0x4070]  }
0x1be: {  	v19 =	vmul.f32 s8, v24;
	v22 =	vld [tilespmem:s11+$0xA050]  }
0x1bf: {  	v42 =	vmul.f32 v16, v8;
	v16 =	vld [tilespmem:$0x1FF80]  }
0x1c0: {  	s4 =	spop (v2sf);
	v39 =	vmul.f32 v19, v9;
	v19 =	vld [tilespmem:$0x1FFB0];
	v24 =	vadd.f32 v18, v1  }
0x1c1: {  	s20 =	sadd.s32 $0x100, s20;
	v57 =	vadd.f32 v49, v48;
	s2 =	spop (v2sf);
	v18 =	vld [tilespmem:$0x1FFA0]  }
0x1c2: {  	v58 =	vmul.f32 v49, v49;
	s1 =	spop (v2sf);
	v1 =	vld [tilespmem:$0x1FFE0];
	[tilespmem:s20+$0xB0] =	vst v24  }
0x1c3: {  	v60 =	vmul.f32 v0, v0;
	v44 =	vadd.f32 v0, v57;
	v25 =	vmul.f32 s8, v25;
	s17 =	spop (v2sf);
	v24 =	vld [tilespmem:s11+$0xA040]  }
0x1c4: {  	(v2sf) =	vpush v41, $0x7;
	v59 =	vmul.f32 s8, v23;
	v27 =	vmul.f32 s8, v27;
	s12 =	spop (v2sf);
	v23 =	vld [tilespmem:s17+$0xC030]  }
0x1c5: {  	v41 =	vadd.f32 v58, v56;
	v28 =	vmul.f32 s8, v28;
	v29 =	vmul.f32 s8, v29;
	s8 =	spop (v2sf);
	v51 =	vld [tilespmem:s12+$0x70]  }
0x1c6: {  	v61 =	vperm.xlane v44, v63;
	v52 =	vld [tilespmem:s8+$0x2070]  }
0x1c7: {  	v41 =	vadd.f32 v60, v41;
	v53 =	vld [tilespmem:s9+$0x4060]  }
0x1c8: {  	v54 =	vadd.f32 v44, v61;
	v56 =	vadd.f32 v42, v16;
	v55 =	vld [tilespmem:s6+$0x6050]  }
0x1c9: {  	v62 =	vperm.xlane v41, v63;
	v25 =	vmul.f32 v25, v10;
	v48 =	vld [tilespmem:s24+$0x8040]  }
0x1ca: {  	v57 =	vperm.xlane v54, v2;
	v50 =	vmul.f32 v59, v11;
	v39 =	vadd.f32 v39, v17;
	v42 =	vld [tilespmem:s11+$0xA030];
	[tilespmem:s20+$0x40] =	vst v56  }
0x1cb: {  	v41 =	vadd.f32 v62, v41;
	v27 =	vmul.f32 v27, v12;
	v44 =	vld [tilespmem:s17+$0xC020];
	v25 =	vadd.f32 v25, v18  }
0x1cc: {  	v54 =	vadd.f32 v54, v57;
	v28 =	vmul.f32 v28, v13;
	v50 =	vadd.f32 v50, v19;
	v57 =	vld [tilespmem:s12+$0x60];
	[tilespmem:s20+$0x50] =	vst v39  }
0x1cd: {  	v60 =	vperm.xlane v41, v2;
	v29 =	vmul.f32 v29, v14;
	v27 =	vadd.f32 v27, v20;
	v58 =	vld [tilespmem:s8+$0x2060];
	[tilespmem:s20+$0x60] =	vst v25  }
0x1ce: {  	v61 =	vperm.xlane v54, v3;
	v28 =	vadd.f32 v28, v15;
	v56 =	vld [tilespmem:s9+$0x4050];
	[tilespmem:s20+$0x70] =	vst v50  }
0x1cf: {  	v41 =	vadd.f32 v60, v41;
	v25 =	vadd.f32 v29, v1;
	v50 =	vld [tilespmem:s6+$0x6040];
	[tilespmem:s20+$0x80] =	vst v27  }
0x1d0: {  	v29 =	vadd.f32 v54, v61;
	v54 =	vld [tilespmem:s24+$0x8030];
	[tilespmem:s20+$0x90] =	vst v28  }
0x1d1: {  	v62 =	vperm.xlane v41, v3;
	v59 =	vld [tilespmem:s12+$0x50];
	[tilespmem:s20+$0xA0] =	vst v25  }
0x1d2: {  	v60 =	vld [tilespmem:s8+$0x2050]  }
0x1d3: {  	v27 =	vperm.xlane v29, v4;
	v28 =	vadd.f32 v62, v41;
	v61 =	vld [tilespmem:s9+$0x4040]  }
0x1d4: {  	v1 =	vmov v4;
	v62 =	vld [tilespmem:s12+$0x40]  }
0x1d5: {  	v25 =	vadd.f32 v29, v27;
	v27 =	vperm.xlane v28, v4;
	v4 =	vmovc v3;
	v3 =	vmovc v2;
	v2 =	vmov v63;
	v63 =	vld [tilespmem:s8+$0x2040]  }
0x1d6: {  	v5 =	vld [tilespmem:s12+$0x30]  }
0x1d7: {  	v6 =	vld [tilespmem:s8+$0x2030];
	v25 =	vmul.f32 $7.812500000e-03, v25  }
0x1d8: {  	v7 =	vld [tilespmem:s12+$0x20];
	v27 =	vadd.f32 v27, v28  }
0x1d9: {  	v41 =	vsub.f32 v33, v25;
	v33 =	vsub.f32 v36, v25;
	v36 =	vld [tilespmem:s8+$0x2020]  }
0x1da: {  	v28 =	vmul.f32 v25, v25;
	v39 =	vsub.f32 v32, v25;
	v29 =	vsub.f32 v37, v25;
	v37 =	vld [tilespmem:s12+$0x0]  }
0x1db: {  	s10 =	spop (v2sf);
	v32 =	vsub.f32 v43, v25;
	v43 =	vld [tilespmem:s12+$0x10];
	(v2sf) =	vpush v27, $0x0  }
0x1dc: {  	v27 =	vsub.f32 v47, v25;
	v47 =	vld [tilespmem:s8+$0x2010];
	(v2sf) =	vpush v28, $0x0  }
0x1dd: {  	v28 =	vsub.f32 v49, v25;
	v25 =	vsub.f32 v0, v25;
	v0 =	vld [tilespmem:s8+$0x2000]  }
0x1de: {  	v49 =	vadd.f32 v52, v51;
	v51 =	vld [tilespmem:s9+$0x4030]  }
0x1df: {  	v52 =	vadd.f32 v58, v57;
	v57 =	vld [tilespmem:s9+$0x4020]  }
0x1e0: {  	v5 =	vadd.f32 v6, v5;
	v6 =	vadd.f32 v63, v62;
	v58 =	vld [tilespmem:s9+$0x4000]  }
0x1e1: {  	v63 =	vmovc v2;
	v2 =	vmovc v3;
	v3 =	vmov v4;
	v4 =	vmov v1;
	v1 =	vld [tilespmem:$0x1FF70];
	(v2sf) =	vpush v31, $0x7  }
0x1e2: {  	v31 =	vadd.f32 v60, v59;
	v59 =	vld [tilespmem:s6+$0x6010]  }
0x1e3: {  	v60 =	vadd.f32 v46, v49;
	v46 =	vld [tilespmem:s6+$0x6030]  }
0x1e4: {  	v62 =	vadd.f32 v53, v52;
	v49 =	vld [tilespmem:s6+$0x6020]  }
0x1e5: {  	v6 =	vadd.f32 v61, v6;
	v53 =	vld [tilespmem:s24+$0x8010];
	v7 =	vadd.f32 v36, v7  }
0x1e6: {  	v36 =	vld [tilespmem:s9+$0x4010];
	v31 =	vadd.f32 v56, v31;
	v60 =	vadd.f32 v38, v60  }
0x1e7: {  	v56 =	vld [tilespmem:s6+$0x6000];
	v61 =	vadd.f32 v45, v62;
	v6 =	vadd.f32 v50, v6  }
0x1e8: {  	v38 =	vld [tilespmem:s11+$0xA020];
	v0 =	vadd.f32 v0, v37;
	v37 =	vadd.f32 v47, v43  }
0x1e9: {  	v62 =	vld [tilespmem:s24+$0x8020];
	v5 =	vadd.f32 v51, v5;
	v7 =	vadd.f32 v57, v7  }
0x1ea: {  	v50 =	vld [tilespmem:s24+$0x8000];
	v31 =	vadd.f32 v55, v31;
	v35 =	vadd.f32 v35, v60  }
0x1eb: {  	v45 =	vld [tilespmem:s17+$0xC050];
	v26 =	vadd.f32 v26, v61;
	v6 =	vadd.f32 v48, v6  }
0x1ec: {  	v55 =	vld [tilespmem:s11+$0xA000];
	v0 =	vadd.f32 v58, v0;
	v5 =	vadd.f32 v46, v5  }
0x1ed: {  	v57 =	vld [tilespmem:s17+$0xC000];
	v7 =	vadd.f32 v49, v7;
	v31 =	vadd.f32 v40, v31  }
0x1ee: {  	v61 =	vld [tilespmem:s17+$0xC040];
	v36 =	vadd.f32 v36, v37;
	v46 =	vadd.f32 v34, v35;
	s8 =	spop (v2sf)  }
0x1ef: {  	v21 =	vadd.f32 v21, v26;
	v0 =	vadd.f32 v56, v0;
	v56 =	vld [tilespmem:s11+$0xA010];
	s9 =	spop (v2sf)  }
0x1f0: {  	v58 =	vld [tilespmem:s17+$0xC010];
	v6 =	vadd.f32 v24, v6;
	v36 =	vadd.f32 v59, v36;
	s6 =	smul.f32 $7.812500000e-03, s8;
	s8 =	spop (v2sf)  }
0x1f1: {  	v7 =	vadd.f32 v62, v7;
	v22 =	vadd.f32 v22, v31;
	v59 =	vld [tilespmem:s8+$0xE000]  }
0x1f2: {  	v0 =	vadd.f32 v50, v0;
	v36 =	vadd.f32 v53, v36;
	s6 =	ssub.f32 s6, s9;
	v31 =	vld [tilespmem:s8+$0xE010]  }
0x1f3: {  	v5 =	vadd.f32 v54, v5;
	v7 =	vadd.f32 v38, v7;
	v60 =	vld [tilespmem:s8+$0xE020]  }
0x1f4: {  	v0 =	vadd.f32 v55, v0;
	v26 =	vadd.f32 v56, v36;
	v62 =	vld [tilespmem:s8+$0xE030];
	s6 =	sadd.f32 $9.999999740e-06, s6  }
0x1f5: {  	v47 =	vld [tilespmem:s17+$0xC060];
	v5 =	vadd.f32 v42, v5;
	v6 =	vadd.f32 v61, v6  }
0x1f6: {  	v50 =	vld [tilespmem:s17+$0xC070];
	v0 =	vadd.f32 v57, v0;
	v24 =	vadd.f32 v58, v26;
	s12 =	sshrl.u32 s6, $0x1;
	s6 =	smul.f32 $5.000000000e-01, s6  }
0x1f7: {  	v61 =	vld [tilespmem:s19+$0x4000];
	v7 =	vadd.f32 v44, v7;
	v5 =	vadd.f32 v23, v5;
	s9 =	ssub.s32 $0x5F3759DF, s12  }
0x1f8: {  	v26 =	vadd.f32 v59, v0;
	v24 =	vadd.f32 v31, v24;
	v0 =	vld [tilespmem:s8+$0xE040];
	s24 =	smul.f32 s9, s6  }
0x1f9: {  	v23 =	vadd.f32 v60, v7;
	v7 =	vld [tilespmem:s8+$0xE050];
	v31 =	vadd.f32 v62, v5  }
0x1fa: {  	v5 =	vld [tilespmem:s8+$0xE060];
	v34 =	vmul.f32 v26, v26;
	v48 =	vadd.f32 v24, v26;
	v49 =	vmul.f32 v24, v24;
	s11 =	smul.f32 s9, s24  }
0x1fb: {  	v21 =	vadd.f32 v47, v21;
	v53 =	vld [tilespmem:s15+$0x10]  }
0x1fc: {  	v56 =	vld [tilespmem:s22+$0x2000];
	v52 =	vmul.f32 v23, v23;
	v51 =	vadd.f32 v49, v34;
	v35 =	vadd.f32 v23, v48;
	s11 =	ssub.f32 $1.500000000e+00, s11  }
0x1fd: {  	v22 =	vadd.f32 v45, v22;
	v58 =	vld [tilespmem:s15+$0x20];
	v34 =	vadd.f32 v0, v6  }
0x1fe: {  	v55 =	vmul.f32 v31, v31;
	v0 =	vld [tilespmem:s8+$0xE070];
	v6 =	vadd.f32 v52, v51;
	v54 =	vadd.f32 v31, v35;
	s9 =	smul.f32 s9, s11  }
0x1ff: {  	v36 =	vadd.f32 v5, v21;
	v5 =	vld [tilespmem:s22+$0x2020];
	v35 =	vadd.f32 v7, v22  }
0x200: {  	v7 =	vld [tilespmem:s22+$0x2010];
	v57 =	vmul.f32 v34, v34;
	v6 =	vadd.f32 v55, v6;
	v22 =	vadd.f32 v34, v54;
	s6 =	smul.f32 s9, s6  }
0x201: {  	v30 =	vadd.f32 v56, v30;
	v59 =	vadd.f32 v50, v46;
	v48 =	vld [tilespmem:s19+$0x4010]  }
0x202: {  	v60 =	vmul.f32 v35, v35;
	v54 =	vld [tilespmem:s18+$0x6000];
	v6 =	vadd.f32 v57, v6;
	v22 =	vadd.f32 v35, v22;
	s6 =	smul.f32 s6, s9  }
0x203: {  	v56 =	vld [tilespmem:s18+$0x6010];
	v30 =	vadd.f32 v61, v30;
	v21 =	vadd.f32 v0, v59  }
0x204: {  	v49 =	vmul.f32 v36, v36;
	v57 =	vld [tilespmem:s15+$0x40];
	v6 =	vadd.f32 v60, v6;
	v22 =	vadd.f32 v36, v22;
	s6 =	ssub.f32 $1.500000000e+00, s6  }
0x205: {  	v5 =	vadd.f32 v5, v58;
	v59 =	vld [tilespmem:s22+$0x2040];
	v7 =	vadd.f32 v7, v53  }
0x206: {  	v50 =	vld [tilespmem:s15+$0x30];
	v52 =	vmul.f32 v21, v21;
	v6 =	vadd.f32 v49, v6;
	v22 =	vadd.f32 v21, v22;
	s6 =	smul.f32 s6, s9  }
0x207: {  	v51 =	vld [tilespmem:s22+$0x2030];
	v7 =	vadd.f32 v48, v7;
	v30 =	vadd.f32 v54, v30  }
0x208: {  	v53 =	vld [tilespmem:s19+$0x4020];
	v6 =	vadd.f32 v52, v6;
	v55 =	vperm.xlane v22, v63;
	v0 =	vmul.f32 s6, v39  }
0x209: {  	v60 =	vld [tilespmem:s19+$0x4030];
	v7 =	vadd.f32 v56, v7;
	v62 =	vmul.f32 s6, v41;
	v33 =	vmul.f32 s6, v33  }
0x20a: {  	v49 =	vld [tilespmem:s22+$0x2050];
	v42 =	vadd.f32 v59, v57;
	v29 =	vmul.f32 s6, v29;
	v58 =	vperm.xlane v6, v63  }
0x20b: {  	v22 =	vadd.f32 v22, v55;
	v0 =	vmul.f32 v0, v8;
	v39 =	vmul.f32 v62, v9;
	v62 =	vld [tilespmem:s18+$0x6020]  }
0x20c: {  	v25 =	vmul.f32 s6, v25;
	v33 =	vmul.f32 v33, v10;
	v9 =	vld [tilespmem:s4+$0x8000];
	v6 =	vadd.f32 v58, v6  }
0x20d: {  	v29 =	vmul.f32 v29, v11;
	v11 =	vld [tilespmem:s4+$0x8010];
	v61 =	vperm.xlane v22, v2;
	v0 =	vadd.f32 v0, v16  }
0x20e: {  	v41 =	vadd.f32 v51, v50;
	v50 =	vmul.f32 v25, v1;
	v1 =	vld [tilespmem:$0x1FFE0];
	v10 =	vperm.xlane v6, v2  }
0x20f: {  	v5 =	vadd.f32 v53, v5;
	v28 =	vmul.f32 s6, v28;
	v16 =	vld [tilespmem:s15+$0x50];
	v22 =	vadd.f32 v22, v61;
	[tilespmem:s20+$0xFFFFFFC0] =	vst v0  }
0x210: {  	v32 =	vmul.f32 s6, v32;
	v27 =	vmul.f32 s6, v27;
	v6 =	vadd.f32 v10, v6;
	v25 =	vld [tilespmem:s19+$0x4040]  }
0x211: {  	v38 =	vadd.f32 v60, v41;
	v0 =	vmul.f32 v28, v14;
	v48 =	vperm.xlane v22, v3;
	v51 =	vld [tilespmem:s18+$0x6030]  }
0x212: {  	v39 =	vadd.f32 v39, v17;
	v33 =	vadd.f32 v33, v18;
	v52 =	vld [tilespmem:s4+$0x8020];
	v28 =	vperm.xlane v6, v3  }
0x213: {  	v32 =	vmul.f32 v32, v12;
	v0 =	vadd.f32 v0, v1;
	v1 =	vld [tilespmem:$0x1FFF0];
	v22 =	vadd.f32 v22, v48  }
0x214: {  	v27 =	vmul.f32 v27, v13;
	v29 =	vadd.f32 v29, v19;
	v6 =	vadd.f32 v28, v6;
	v28 =	vld [tilespmem:s2+$0xA000];
	[tilespmem:s20+$0xFFFFFFD0] =	vst v39  }
0x215: {  	v5 =	vadd.f32 v62, v5;
	v30 =	vadd.f32 v9, v30;
	v53 =	vperm.xlane v22, v4;
	v55 =	vld [tilespmem:s2+$0xA010]  }
0x216: {  	v57 =	vld [tilespmem:s15+$0x60];
	v42 =	vadd.f32 v25, v42;
	[tilespmem:s20+$0xFFFFFFE0] =	vst v33;
	v25 =	vadd.f32 v32, v20;
	v56 =	vperm.xlane v6, v4  }
0x217: {  	v7 =	vadd.f32 v11, v7;
	v22 =	vadd.f32 v22, v53;
	v58 =	vld [tilespmem:s22+$0x2060];
	[tilespmem:s20+$0xFFFFFFF0] =	vst v29  }
0x218: {  	v29 =	vld [tilespmem:s19+$0x4050];
	[tilespmem:s20+$0x0] =	vst v25;
	v25 =	vadd.f32 v27, v15;
	v6 =	vadd.f32 v56, v6  }
0x219: {  	v54 =	vadd.f32 v49, v16;
	v59 =	vadd.f32 v51, v38;
	v27 =	vld [tilespmem:s18+$0x6040]  }
0x21a: {  	v5 =	vadd.f32 v52, v5;
	v22 =	vmul.f32 $7.812500000e-03, v22;
	(v2sf) =	vpush v6, $0x0;
	v6 =	vld [tilespmem:s4+$0x8030];
	[tilespmem:s20+$0x10] =	vst v25  }
0x21b: {  	v30 =	vadd.f32 v28, v30;
	v7 =	vadd.f32 v55, v7;
	v60 =	vld [tilespmem:s2+$0xA020]  }
0x21c: {  	v28 =	vmul.f32 v22, v22;
	v26 =	vsub.f32 v26, v22;
	v24 =	vsub.f32 v24, v22;
	v61 =	vld [tilespmem:s1+$0xC000]  }
0x21d: {  	s13 =	sadd.s32 $0x2, s13;
	v25 =	vsub.f32 v23, v22;
	v23 =	vsub.f32 v31, v22;
	v62 =	vld [tilespmem:s1+$0xC010]  }
0x21e: {  	p2 =	slt.u32 s13, $0x1C;
	v37 =	vadd.f32 v58, v57;
	v41 =	vld [tilespmem:s15+$0x70];
	(v2sf) =	vpush v28, $0x0  }
.Ltmp4:
0x21f: {  	v43 =	vld [tilespmem:s19+$0x4060];
	v38 =	vadd.f32 v29, v54;
	v28 =	vsub.f32 v35, v22;
	(pc) =	sbr.rel @p2 .LBB2_10-.Ltmp4, $4  }
0x220: {  	v44 =	vld [tilespmem:s4+$0x8040];
	v29 =	vsub.f32 v36, v22;
	v39 =	vadd.f32 v27, v42  }
0x221: {  	v36 =	vld [tilespmem:s18+$0x6050];
	v27 =	vsub.f32 v34, v22;
	v40 =	vadd.f32 v6, v59  }
0x222: {  	v42 =	vld [tilespmem:s22+$0x2070];
	v33 =	vadd.f32 v60, v5;
	v31 =	vadd.f32 v61, v30  }
0x223: {  	s14 =	sadd.s32 $0x10, s14;
	v34 =	vld [tilespmem:s2+$0xA030];
	[tilespmem:s20+$0x20] =	vst v0;
	v35 =	vadd.f32 v62, v7;
	v30 =	vadd.f32 v50, v1  }
0x224: {  	v0 =	vld [tilespmem:s1+$0xC020]  }
0x225: {  	v5 =	vld [tilespmem:s10+$0xE000]  }
0x226: {  	v6 =	vld [tilespmem:s10+$0xE010]  }
0x227: {  	v7 =	vld [tilespmem:s19+$0x4070]  }
0x228: {  	v45 =	vld [tilespmem:s18+$0x6060]  }
0x229: {  	v46 =	vld [tilespmem:s4+$0x8050]  }
0x22a: {  	v47 =	vld [tilespmem:s2+$0xA040]  }
0x22b: {  	v48 =	vld [tilespmem:s1+$0xC030]  }
0x22c: {  	v49 =	vld [tilespmem:s10+$0xE020]  }
0x22d: {  	v16 =	vld [tilespmem:s18+$0x6070];
	v37 =	vadd.f32 v43, v37  }
0x22e: {  	v17 =	vld [tilespmem:s4+$0x8060];
	v36 =	vadd.f32 v36, v38;
	v41 =	vadd.f32 v42, v41  }
0x22f: {  	v18 =	vld [tilespmem:s1+$0xC040];
	v34 =	vadd.f32 v34, v40;
	v32 =	vadd.f32 v5, v31  }
0x230: {  	v20 =	vld [tilespmem:s10+$0xE030];
	v31 =	vadd.f32 v6, v35;
	v6 =	vadd.f32 v44, v39  }
0x231: {  	v51 =	vld [tilespmem:s4+$0x8070];
	v0 =	vadd.f32 v0, v33;
	v37 =	vadd.f32 v45, v37  }
0x232: {  	v53 =	vld [tilespmem:s10+$0xE040];
	v36 =	vadd.f32 v46, v36;
	v7 =	vadd.f32 v7, v41  }
0x233: {  	v5 =	vld [tilespmem:s2+$0xA050];
	v34 =	vadd.f32 v48, v34;
	v19 =	vadd.f32 v31, v32;
	v50 =	vmul.f32 v32, v32  }
0x234: {  	v54 =	vld [tilespmem:s1+$0xC050];
	v52 =	vmul.f32 v31, v31;
	v6 =	vadd.f32 v47, v6;
	v33 =	vadd.f32 v49, v0  }
0x235: {  	v56 =	vld [tilespmem:s2+$0xA070];
	v57 =	vadd.f32 v17, v37;
	v7 =	vadd.f32 v16, v7  }
0x236: {  	v0 =	vld [tilespmem:s2+$0xA060];
	v34 =	vadd.f32 v20, v34;
	v43 =	vadd.f32 v52, v50  }
0x237: {  	v58 =	vld [tilespmem:s10+$0xE050];
	v39 =	vadd.f32 v33, v19;
	v55 =	vmul.f32 v33, v33;
	v6 =	vadd.f32 v18, v6  }
0x238: {  	v59 =	vld [tilespmem:s1+$0xC060];
	v7 =	vadd.f32 v51, v7;
	v5 =	vadd.f32 v5, v36  }
0x239: {  	v62 =	vld [tilespmem:s1+$0xC070];
	v60 =	vadd.f32 v55, v43;
	v6 =	vadd.f32 v53, v6  }
0x23a: {  	v9 =	vld [tilespmem:s10+$0xE060];
	v61 =	vmul.f32 v34, v34;
	v39 =	vadd.f32 v34, v39;
	v7 =	vadd.f32 v56, v7  }
0x23b: {  	v11 =	vld [tilespmem:s10+$0xE070];
	v0 =	vadd.f32 v0, v57;
	v5 =	vadd.f32 v54, v5  }
0x23c: {  	v10 =	vadd.f32 v61, v60;
	v12 =	vmul.f32 v6, v6;
	v39 =	vadd.f32 v6, v39  }
0x23d: {  	v5 =	vadd.f32 v58, v5;
	v0 =	vadd.f32 v59, v0  }
0x23e: {  	v7 =	vadd.f32 v62, v7;
	v13 =	vadd.f32 v12, v10  }
0x23f: {  	v14 =	vadd.f32 v5, v39;
	v37 =	vmul.f32 v5, v5;
	v0 =	vadd.f32 v9, v0  }
0x240: {  	v7 =	vadd.f32 v11, v7  }
0x241: {  	v35 =	vadd.f32 v37, v13;
	v36 =	vadd.f32 v0, v14;
	v15 =	vmul.f32 v0, v0;
	_ =	sdelay $0x1  }
0x242: {  	v16 =	vmul.f32 v7, v7;
	v35 =	vadd.f32 v15, v35;
	v36 =	vadd.f32 v7, v36;
	_ =	sdelay $0x1  }
0x243: {  	v35 =	vadd.f32 v16, v35;
	v17 =	vperm.xlane v36, v63;
	_ =	sdelay $0x1  }
0x244: {  	v36 =	vadd.f32 v36, v17;
	v18 =	vperm.xlane v35, v63;
	_ =	sdelay $0x1  }
0x245: {  	v19 =	vperm.xlane v36, v2;
	v35 =	vadd.f32 v18, v35;
	_ =	sdelay $0x1  }
0x246: {  	v36 =	vadd.f32 v36, v19;
	v37 =	vperm.xlane v35, v2;
	_ =	sdelay $0x1  }
0x247: {  	v38 =	vperm.xlane v36, v3;
	v35 =	vadd.f32 v37, v35;
	_ =	sdelay $0x1  }
0x248: {  	v36 =	vadd.f32 v36, v38;
	v37 =	vperm.xlane v35, v3;
	_ =	sdelay $0x1  }
0x249: {  	v38 =	vperm.xlane v36, v4;
	v35 =	vadd.f32 v37, v35;
	_ =	sdelay $0x1  }
0x24a: {  	v36 =	vadd.f32 v36, v38;
	v37 =	vperm.xlane v35, v4;
	_ =	sdelay $0x1  }
0x24b: {  	v36 =	vmul.f32 $7.812500000e-03, v36;
	v35 =	vadd.f32 v37, v35;
	_ =	sdelay $0x1  }
0x24c: {  	v20 =	vmul.f32 v36, v36;
	(v2sf) =	vpush v35, $0x0;
	_ =	sdelay $0x1  }
0x24d: {  	s13 =	spop (v2sf);
	(v2sf) =	vpush v20, $0x0  }
0x24e: {  	s1 =	smul.f32 $7.812500000e-03, s13  }
0x24f: {  	s14 =	spop (v2sf)  }
0x250: {  	s1 =	ssub.f32 s1, s14;
	_ =	sdelay $0x1  }
0x251: {  	s1 =	sadd.f32 $9.999999740e-06, s1;
	_ =	sdelay $0x1  }
0x252: {  	s15 =	sshrl.u32 s1, $0x1;
	s1 =	smul.f32 $5.000000000e-01, s1  }
0x253: {  	s2 =	ssub.s32 $0x5F3759DF, s15  }
0x254: {  	s17 =	smul.f32 s2, s1;
	_ =	sdelay $0x1  }
0x255: {  	s4 =	smul.f32 s2, s17;
	_ =	sdelay $0x1  }
0x256: {  	s4 =	ssub.f32 $1.500000000e+00, s4;
	s6 =	spop (v2sf)  }
0x257: {  	s6 =	smul.f32 $7.812500000e-03, s6  }
0x258: {  	s2 =	smul.f32 s2, s4;
	s18 =	spop (v2sf)  }
0x259: {  	s4 =	ssub.f32 s6, s18  }
0x25a: {  	s1 =	smul.f32 s2, s1  }
0x25b: {  	v8 =	vld [tilespmem:$0x1FF00];
	s4 =	sadd.f32 $9.999999740e-06, s4  }
0x25c: {  	v55 =	vld [tilespmem:$0x1FFF0];
	s1 =	smul.f32 s1, s2  }
0x25d: {  	v10 =	vld [tilespmem:$0x1FF20];
	s19 =	sshrl.u32 s4, $0x1;
	s4 =	smul.f32 $5.000000000e-01, s4  }
0x25e: {  	v11 =	vld [tilespmem:$0x1FF30];
	s1 =	ssub.f32 $1.500000000e+00, s1;
	s6 =	ssub.s32 $0x5F3759DF, s19  }
0x25f: {  	v12 =	vld [tilespmem:$0x1FF40];
	s8 =	smul.f32 s6, s4  }
0x260: {  	v15 =	vld [tilespmem:$0x1FF70];
	s1 =	smul.f32 s1, s2  }
0x261: {  	v21 =	vsub.f32 v21, v22;
	v9 =	vld [tilespmem:$0x1FF10];
	s22 =	smul.f32 s6, s8  }
0x262: {  	v13 =	vld [tilespmem:$0x1FF50]  }
0x263: {  	v16 =	vld [tilespmem:$0x1FF80];
	v21 =	vmul.f32 s1, v21;
	s2 =	ssub.f32 $1.500000000e+00, s22  }
0x264: {  	v17 =	vld [tilespmem:$0x1FF90]  }
0x265: {  	v18 =	vld [tilespmem:$0x1FFA0];
	[tilespmem:s20+$0x30] =	vst v30;
	v21 =	vmul.f32 v21, v15;
	s2 =	smul.f32 s6, s2  }
0x266: {  	v14 =	vld [tilespmem:$0x1FF60];
	v24 =	vmul.f32 s1, v24;
	v37 =	vmul.f32 s1, v26  }
0x267: {  	v19 =	vld [tilespmem:$0x1FFB0];
	v25 =	vmul.f32 s1, v25;
	v23 =	vmul.f32 s1, v23;
	v21 =	vadd.f32 v21, v55;
	s4 =	smul.f32 s2, s4  }
0x268: {  	s31 =	sadd.s32 $0x100, s20;
	v39 =	vmul.f32 s1, v28;
	v22 =	vmul.f32 v37, v8  }
0x269: {  	v24 =	vmul.f32 v24, v9;
	v25 =	vmul.f32 v25, v10;
	v20 =	vld [tilespmem:$0x1FFC0];
	[tilespmem:s31+$0xB0] =	vst v21;
	s24 =	smul.f32 s4, s2  }
0x26a: {  	v40 =	vmul.f32 s1, v29;
	v23 =	vmul.f32 v23, v11;
	v22 =	vadd.f32 v22, v16;
	v1 =	vld [tilespmem:$0x1FFD0]  }
0x26b: {  	v38 =	vmul.f32 s1, v27;
	v24 =	vadd.f32 v24, v17;
	v25 =	vadd.f32 v25, v18;
	s1 =	ssub.f32 $1.500000000e+00, s24  }
0x26c: {  	v28 =	vmul.f32 v40, v14;
	v23 =	vadd.f32 v23, v19;
	v42 =	vsub.f32 v32, v36;
	[tilespmem:s31+$0x40] =	vst v22  }
0x26d: {  	v27 =	vmul.f32 v39, v13;
	v44 =	vsub.f32 v31, v36;
	v45 =	vsub.f32 v33, v36;
	v54 =	vld [tilespmem:$0x1FFE0];
	s1 =	smul.f32 s1, s2  }
0x26e: {  	v26 =	vmul.f32 v38, v12;
	v46 =	vsub.f32 v34, v36;
	v6 =	vsub.f32 v6, v36  }
0x26f: {  	v5 =	vsub.f32 v5, v36;
	[tilespmem:s31+$0x50] =	vst v24;
	v41 =	vadd.f32 v27, v1;
	v27 =	vmul.f32 s1, v42  }
0x270: {  	v0 =	vsub.f32 v0, v36;
	[tilespmem:s31+$0x60] =	vst v25;
	v26 =	vadd.f32 v26, v20;
	v47 =	vmul.f32 s1, v44  }
0x271: {  	v7 =	vsub.f32 v7, v36;
	[tilespmem:s31+$0x70] =	vst v23;
	v48 =	vmul.f32 s1, v45;
	v49 =	vmul.f32 v27, v8  }
0x272: {  	[tilespmem:s31+$0x80] =	vst v26;
	v43 =	vadd.f32 v28, v54;
	v50 =	vmul.f32 s1, v46;
	v25 =	vmul.f32 v47, v9  }
0x273: {  	[tilespmem:s31+$0x90] =	vst v41;
	v6 =	vmul.f32 s1, v6;
	v51 =	vmul.f32 v48, v10;
	v52 =	vadd.f32 v49, v16  }
0x274: {  	[tilespmem:s31+$0xA0] =	vst v43;
	v5 =	vmul.f32 s1, v5;
	v53 =	vmul.f32 v50, v11;
	v56 =	vadd.f32 v25, v17  }
0x275: {  	v0 =	vmul.f32 s1, v0;
	v6 =	vmul.f32 v6, v12;
	v21 =	vadd.f32 v51, v18;
	[tilespmem:s31+$0xFFFFFFC0] =	vst v52  }
0x276: {  	v7 =	vmul.f32 s1, v7;
	v5 =	vmul.f32 v5, v13;
	v22 =	vadd.f32 v53, v19;
	[tilespmem:s31+$0xFFFFFFD0] =	vst v56  }
0x277: {  	v0 =	vmul.f32 v0, v14;
	v6 =	vadd.f32 v6, v20;
	[tilespmem:s31+$0xFFFFFFE0] =	vst v21  }
0x278: {  	v7 =	vmul.f32 v7, v15;
	v5 =	vadd.f32 v5, v1;
	[tilespmem:s31+$0xFFFFFFF0] =	vst v22  }
0x279: {  	v0 =	vadd.f32 v0, v54;
	[tilespmem:s31+$0x0] =	vst v6  }
0x27a: {  	[tilespmem:s31+$0x10] =	vst v5;
	v5 =	vadd.f32 v7, v55  }
0x27b: {  	[tilespmem:s31+$0x20] =	vst v0  }
0x27c: {  	[tilespmem:s31+$0x30] =	vst v5  }
0x27d: {  	v0 =	vld [tilespmem:s30+$0x100F0];
	_ =	sdelay $0x4  }
0x27e: {  	v0 =	vshll.u32 v0, $0x9  }
0x27f: {  	v0 =	vshra.s32 v0, $0x2  }
0x280: {  	(v2sf) =	vpush v0, $0x0;
	_ =	sdelay $0x7  }
0x281: {  	(v2sf) =	vpush v0, $0x1;
	_ =	sdelay $0x6  }
0x282: {  	s4 =	spop (v2sf)  }
0x283: {  	(v2sf) =	vpush v0, $0x2;
	v5 =	vld [tilespmem:s4+$0x0]  }
0x284: {  	v6 =	vld [tilespmem:s4+$0x10]  }
0x285: {  	v7 =	vld [tilespmem:s4+$0x20]  }
0x286: {  	v21 =	vld [tilespmem:s4+$0x30]  }
0x287: {  	v22 =	vld [tilespmem:s4+$0x40]  }
0x288: {  	v23 =	vld [tilespmem:s4+$0x50]  }
0x289: {  	v24 =	vld [tilespmem:s4+$0x60]  }
0x28a: {  	v25 =	vld [tilespmem:s4+$0x70];
	s6 =	spop (v2sf)  }
0x28b: {  	(v2sf) =	vpush v0, $0x3;
	v26 =	vld [tilespmem:s6+$0x2000]  }
0x28c: {  	v27 =	vld [tilespmem:s6+$0x2010]  }
0x28d: {  	v57 =	vld [tilespmem:s6+$0x2020]  }
0x28e: {  	v58 =	vld [tilespmem:s6+$0x2030]  }
0x28f: {  	v30 =	vld [tilespmem:s6+$0x2040]  }
0x290: {  	v31 =	vld [tilespmem:s6+$0x2050]  }
0x291: {  	v59 =	vld [tilespmem:s6+$0x2060]  }
0x292: {  	v33 =	vld [tilespmem:s6+$0x2070];
	s8 =	spop (v2sf)  }
0x293: {  	(v2sf) =	vpush v0, $0x4;
	v60 =	vld [tilespmem:s8+$0x4000]  }
0x294: {  	v35 =	vld [tilespmem:s8+$0x4010]  }
0x295: {  	v61 =	vld [tilespmem:s8+$0x4020]  }
0x296: {  	v37 =	vld [tilespmem:s8+$0x4030]  }
0x297: {  	v62 =	vld [tilespmem:s8+$0x4040]  }
0x298: {  	v39 =	vld [tilespmem:s8+$0x4050]  }
0x299: {  	v40 =	vld [tilespmem:s8+$0x4060]  }
0x29a: {  	v41 =	vld [tilespmem:s8+$0x4070];
	s9 =	spop (v2sf)  }
0x29b: {  	(v2sf) =	vpush v0, $0x5;
	v42 =	vld [tilespmem:s9+$0x6000]  }
0x29c: {  	v43 =	vld [tilespmem:s9+$0x6010]  }
0x29d: {  	v44 =	vld [tilespmem:s9+$0x6020]  }
0x29e: {  	v45 =	vld [tilespmem:s9+$0x6030]  }
0x29f: {  	v46 =	vld [tilespmem:s9+$0x6040]  }
0x2a0: {  	v47 =	vld [tilespmem:s9+$0x6050]  }
0x2a1: {  	v48 =	vld [tilespmem:s9+$0x6060]  }
0x2a2: {  	v56 =	vld [tilespmem:s9+$0x6070];
	s10 =	spop (v2sf)  }
0x2a3: {  	(v2sf) =	vpush v0, $0x6;
	v50 =	vld [tilespmem:s10+$0x8000]  }
0x2a4: {  	v51 =	vld [tilespmem:s10+$0x8010]  }
0x2a5: {  	v52 =	vld [tilespmem:s10+$0x8020]  }
0x2a6: {  	v53 =	vld [tilespmem:s10+$0x8030]  }
0x2a7: {  	v5 =	vadd.f32 v26, v5;
	(v2sf) =	vpush v0, $0x7;
	v0 =	vld [tilespmem:s10+$0x8040]  }
0x2a8: {  	v6 =	vadd.f32 v27, v6;
	v7 =	vadd.f32 v57, v7;
	v57 =	vld [tilespmem:s10+$0x8050]  }
0x2a9: {  	v21 =	vadd.f32 v58, v21;
	v22 =	vadd.f32 v30, v22;
	v58 =	vld [tilespmem:s10+$0x8060]  }
0x2aa: {  	v23 =	vadd.f32 v31, v23;
	v24 =	vadd.f32 v59, v24;
	s11 =	spop (v2sf);
	v59 =	vld [tilespmem:s10+$0x8070]  }
0x2ab: {  	v25 =	vadd.f32 v33, v25;
	v5 =	vadd.f32 v60, v5;
	v60 =	vld [tilespmem:s11+$0xA000]  }
0x2ac: {  	v6 =	vadd.f32 v35, v6;
	v7 =	vadd.f32 v61, v7;
	v61 =	vld [tilespmem:s11+$0xA010]  }
0x2ad: {  	v21 =	vadd.f32 v37, v21;
	v22 =	vadd.f32 v62, v22;
	v62 =	vld [tilespmem:s11+$0xA020]  }
0x2ae: {  	v23 =	vadd.f32 v39, v23;
	v24 =	vadd.f32 v40, v24;
	v40 =	vld [tilespmem:s11+$0xA030]  }
0x2af: {  	v25 =	vadd.f32 v41, v25;
	v5 =	vadd.f32 v42, v5;
	v42 =	vld [tilespmem:s11+$0xA040]  }
0x2b0: {  	v6 =	vadd.f32 v43, v6;
	v7 =	vadd.f32 v44, v7;
	v44 =	vld [tilespmem:s11+$0xA050]  }
0x2b1: {  	v21 =	vadd.f32 v45, v21;
	v22 =	vadd.f32 v46, v22;
	v46 =	vld [tilespmem:s11+$0xA060]  }
0x2b2: {  	v23 =	vadd.f32 v47, v23;
	v24 =	vadd.f32 v48, v24;
	v48 =	vld [tilespmem:s11+$0xA070];
	s12 =	spop (v2sf)  }
0x2b3: {  	v25 =	vadd.f32 v56, v25;
	v49 =	vld [tilespmem:s12+$0xC000];
	v5 =	vadd.f32 v50, v5  }
0x2b4: {  	v6 =	vadd.f32 v51, v6;
	v7 =	vadd.f32 v52, v7;
	v50 =	vld [tilespmem:s12+$0xC010]  }
0x2b5: {  	v21 =	vadd.f32 v53, v21;
	v0 =	vadd.f32 v0, v22;
	v51 =	vld [tilespmem:s12+$0xC020]  }
0x2b6: {  	v23 =	vadd.f32 v57, v23;
	v24 =	vadd.f32 v58, v24;
	v52 =	vld [tilespmem:s12+$0xC030];
	s13 =	spop (v2sf)  }
0x2b7: {  	v25 =	vadd.f32 v59, v25;
	v5 =	vadd.f32 v60, v5;
	v53 =	vld [tilespmem:s13+$0xE000]  }
0x2b8: {  	v6 =	vadd.f32 v61, v6;
	v7 =	vadd.f32 v62, v7;
	v56 =	vld [tilespmem:s13+$0xE010]  }
0x2b9: {  	v21 =	vadd.f32 v40, v21;
	v0 =	vadd.f32 v42, v0;
	v57 =	vld [tilespmem:s13+$0xE020]  }
0x2ba: {  	v58 =	vld [tilespmem:s12+$0xC040];
	v23 =	vadd.f32 v44, v23;
	v24 =	vadd.f32 v46, v24  }
0x2bb: {  	v5 =	vadd.f32 v49, v5;
	v6 =	vadd.f32 v50, v6;
	v59 =	vld [tilespmem:s13+$0xE030]  }
0x2bc: {  	v25 =	vadd.f32 v48, v25;
	v60 =	vld [tilespmem:s12+$0xC050];
	v7 =	vadd.f32 v51, v7  }
0x2bd: {  	v61 =	vld [tilespmem:s13+$0xE040];
	v5 =	vadd.f32 v53, v5;
	v6 =	vadd.f32 v56, v6  }
0x2be: {  	v62 =	vld [tilespmem:s12+$0xC060];
	v21 =	vadd.f32 v52, v21;
	v7 =	vadd.f32 v57, v7  }
0x2bf: {  	v36 =	vld [tilespmem:s13+$0xE050];
	v37 =	vmul.f32 v5, v5;
	v38 =	vadd.f32 v6, v5;
	v39 =	vmul.f32 v6, v6  }
0x2c0: {  	v40 =	vld [tilespmem:s12+$0xC070];
	v0 =	vadd.f32 v58, v0;
	v21 =	vadd.f32 v59, v21  }
0x2c1: {  	v41 =	vld [tilespmem:s13+$0xE060];
	v42 =	vmul.f32 v7, v7;
	v29 =	vadd.f32 v39, v37;
	v32 =	vadd.f32 v7, v38  }
0x2c2: {  	v22 =	vadd.f32 v60, v23;
	v0 =	vadd.f32 v61, v0  }
0x2c3: {  	v43 =	vld [tilespmem:s13+$0xE070];
	v46 =	vmul.f32 v21, v21;
	v44 =	vadd.f32 v42, v29;
	v45 =	vadd.f32 v21, v32  }
0x2c4: {  	v24 =	vadd.f32 v62, v24;
	v22 =	vadd.f32 v36, v22  }
0x2c5: {  	v49 =	vmul.f32 v0, v0;
	v47 =	vadd.f32 v46, v44;
	v48 =	vadd.f32 v0, v45  }
0x2c6: {  	v25 =	vadd.f32 v40, v25;
	v24 =	vadd.f32 v41, v24  }
0x2c7: {  	v50 =	vmul.f32 v22, v22;
	v26 =	vadd.f32 v49, v47;
	v27 =	vadd.f32 v22, v48  }
0x2c8: {  	v23 =	vadd.f32 v43, v25  }
0x2c9: {  	v53 =	vmul.f32 v24, v24;
	v51 =	vadd.f32 v50, v26;
	v52 =	vadd.f32 v24, v27;
	_ =	sdelay $0x1  }
0x2ca: {  	v56 =	vmul.f32 v23, v23;
	v25 =	vadd.f32 v53, v51;
	v26 =	vadd.f32 v23, v52;
	_ =	sdelay $0x1  }
0x2cb: {  	v25 =	vadd.f32 v56, v25;
	v57 =	vperm.xlane v26, v63;
	_ =	sdelay $0x1  }
0x2cc: {  	v26 =	vadd.f32 v26, v57;
	v58 =	vperm.xlane v25, v63;
	_ =	sdelay $0x1  }
0x2cd: {  	v59 =	vperm.xlane v26, v2;
	v25 =	vadd.f32 v58, v25;
	_ =	sdelay $0x1  }
0x2ce: {  	v26 =	vadd.f32 v26, v59;
	v27 =	vperm.xlane v25, v2;
	_ =	sdelay $0x1  }
0x2cf: {  	v28 =	vperm.xlane v26, v3;
	v25 =	vadd.f32 v27, v25;
	_ =	sdelay $0x1  }
0x2d0: {  	v26 =	vadd.f32 v26, v28;
	v27 =	vperm.xlane v25, v3;
	_ =	sdelay $0x1  }
0x2d1: {  	v28 =	vperm.xlane v26, v4;
	v25 =	vadd.f32 v27, v25;
	_ =	sdelay $0x1  }
0x2d2: {  	v26 =	vadd.f32 v26, v28;
	v27 =	vperm.xlane v25, v4;
	_ =	sdelay $0x1  }
0x2d3: {  	v26 =	vmul.f32 $7.812500000e-03, v26;
	v25 =	vadd.f32 v27, v25;
	_ =	sdelay $0x1  }
0x2d4: {  	v60 =	vmul.f32 v26, v26;
	(v2sf) =	vpush v25, $0x0;
	_ =	sdelay $0x1  }
0x2d5: {  	(v2sf) =	vpush v60, $0x0;
	_ =	sdelay $0xc  }
0x2d6: {  	s14 =	spop (v2sf)  }
0x2d7: {  	s1 =	smul.f32 $7.812500000e-03, s14  }
0x2d8: {  	s15 =	spop (v2sf)  }
0x2d9: {  	s1 =	ssub.f32 s1, s15;
	_ =	sdelay $0x1  }
0x2da: {  	s1 =	sadd.f32 $9.999999740e-06, s1;
	_ =	sdelay $0x1  }
0x2db: {  	s17 =	sshrl.u32 s1, $0x1;
	s1 =	smul.f32 $5.000000000e-01, s1  }
0x2dc: {  	s2 =	ssub.s32 $0x5F3759DF, s17  }
0x2dd: {  	s18 =	smul.f32 s2, s1;
	_ =	sdelay $0x1  }
0x2de: {  	s4 =	smul.f32 s2, s18;
	_ =	sdelay $0x1  }
0x2df: {  	s4 =	ssub.f32 $1.500000000e+00, s4;
	_ =	sdelay $0x1  }
0x2e0: {  	s2 =	smul.f32 s2, s4;
	_ =	sdelay $0x1  }
0x2e1: {  	s1 =	smul.f32 s2, s1  }
0x2e2: {  	s19 =	smulhi.u32 $0x8864298F, s29  }
0x2e3: {  	s1 =	smul.f32 s1, s2;
	_ =	sdelay $0x1  }
0x2e4: {  	s20 =	sshrl.u32 s19, $0x9;
	s1 =	ssub.f32 $1.500000000e+00, s1  }
0x2e5: {  	s4 =	smul.u32 $0x3C1, s20  }
0x2e6: {  	v5 =	vsub.f32 v5, v26;
	s1 =	smul.f32 s1, s2  }
0x2e7: {  	v6 =	vsub.f32 v6, v26  }
0x2e8: {  	v7 =	vsub.f32 v7, v26;
	v21 =	vsub.f32 v21, v26;
	s4 =	ssub.s32 s29, s4;
	v5 =	vmul.f32 s1, v5  }
0x2e9: {  	v0 =	vsub.f32 v0, v26;
	v22 =	vsub.f32 v22, v26;
	s22 =	smul.u32 $0x843, s4;
	v6 =	vmul.f32 s1, v6  }
0x2ea: {  	v24 =	vsub.f32 v24, v26;
	v7 =	vmul.f32 s1, v7;
	v5 =	vmul.f32 v5, v8  }
0x2eb: {  	v23 =	vsub.f32 v23, v26;
	s6 =	sshrl.u32 s22, $0x10;
	v21 =	vmul.f32 s1, v21;
	v6 =	vmul.f32 v6, v9  }
0x2ec: {  	s24 =	smul.u32 $0x1F, s6;
	v0 =	vmul.f32 s1, v0;
	v7 =	vmul.f32 v7, v10;
	v5 =	vadd.f32 v5, v16  }
0x2ed: {  	v22 =	vmul.f32 s1, v22;
	v21 =	vmul.f32 v21, v11;
	v6 =	vadd.f32 v6, v17  }
0x2ee: {  	s4 =	ssub.s32 s4, s24;
	v0 =	vmul.f32 v0, v12;
	[tilespmem:s3+$0x11180] =	vst v5;
	v5 =	vadd.f32 v7, v18;
	v7 =	vmul.f32 s1, v24  }
0x2ef: {  	s31 =	rddreg [dreg:$0xb];
	s6 =	sshll.u32 s6, $0x5;
	s4 =	sadd.s32 $0x1, s4;
	v62 =	vmul.f32 s1, v23;
	v61 =	vmul.f32 v22, v13;
	[tilespmem:s3+$0x11190] =	vst v6;
	v6 =	vadd.f32 v21, v19  }
0x2f0: {  	s29 =	sshll.u32 s20, $0xA;
	s30 =	sadd.s32 $0x20, s6;
	s4 =	sand.u32 $0xFFFF, s4;
	v0 =	vadd.f32 v0, v20;
	[tilespmem:s3+$0x111A0] =	vst v5;
	v5 =	vmul.f32 v7, v14  }
0x2f1: {  	p2 =	sne.s32 s28, s31;
	s2 =	sand.u32 $0xFFE0, s30;
	s1 =	sor.u32 s4, s29;
	[tilespmem:s3+$0x111B0] =	vst v6;
	v6 =	vadd.f32 v61, v1;
	v7 =	vmul.f32 v62, v15  }
.Ltmp5:
0x2f2: {  	[tilespmem:s3+$0x111C0] =	vst v0;
	s1 =	sadd.s32 s2, s1;
	v0 =	vadd.f32 v5, v54;
	(pc) =	sbr.rel @p2 .LBB2_9-.Ltmp5, $4  }
0x2f3: {  	s1 =	sshll.u32 s1, $0x9;
	[tilespmem:s3+$0x111D0] =	vst v6;
	v5 =	vadd.f32 v7, v55  }
0x2f4: {  	s1 =	sand.u32 $0x1FFFFE00, s1;
	[tilespmem:s3+$0x111E0] =	vst v0  }
0x2f5: {  	p1 =	por !p1, !p1;
	s1 =	sadd.s32 s5, s1;
	[tilespmem:s3+$0x111F0] =	vst v5  }
0x2f6: {  	[hbm4b:s1+s7] =	stream.linear.scatter [tilespmem:s0], [sflag:$0x2], $0x1000, $0x38;
	[tilespmem:$0x13300] =	vst v63  }
0x2f7: {  	s0 =	simm.s32 $0x2  }
0x2f8: {  	_ =	swait.ge [sflag:s0], $0x1000  }
0x2f9: {  	[sflag:s0] =	ssyncset.done $0x0  }
0x2fa: {  	[sflag:s0] =	ssyncadd.s32 $0xFFFFF000  }
.Ltmp6:
0x2fb: {  	_ =	swait.ge [sflag:s0], $0x1000;
	(pc) =	sbr.rel @!p0 .LBB2_14-.Ltmp6, $4  }
0x2fc: {  	[sflag:s0] =	ssyncset.done $0x0  }
0x2fd: {  	[sflag:s0] =	ssyncadd.s32 $0xFFFFF000  }
0x2fe: {  	_ =	swait.ge [sflag:s23], $0x1000  }
0x2ff: {  	[sflag:s23] =	ssyncset.done $0x0  }
.LBB2_13:
0x300: {  	p0 =	sne.s32 s25, $0x1;
	s25 =	sadd.s32 $0xFFFFFFFF, s25;
	[sflag:s23] =	ssyncadd.s32 $0xFFFFF000  }
.Ltmp7:
0x301: {  	(pc) =	sbr.rel @p0 .LBB2_13-.Ltmp7, $3  }
0x302: {  	_ =	sdelay $0x1  }
0x303: {  	_ =	swait.ge [sflag:s23], $0x1000  }
0x304: {  	[sflag:s23] =	ssyncset.done $0x0  }
.LBB2_14:
0x305: {  	s12 =	rddreg [dreg:$0xf]  }
0x306: {  	s0 =	rddreg [dreg:$0xc];
	s12 =	sadd.s32 $0x1, s12  }
0x307: {  	p0 =	sne.s32 s12, s0  }
.Ltmp8:
0x308: {  	_ = 	snop;
	(pc) =	sbr.rel @p0 .LBB2_1-.Ltmp8, $4  }
.Ltmp9:
0x309: {  	_ = 	snop;
	(pc) =	sbr.rel @!p0 .LBB2_15-.Ltmp9, $4  }
0x30a: {  	_ = 	snop  }
0x30b: {  	s10 =	rddreg [dreg:$0xa]  }
0x30c: {  	[sflag:s23] =	ssyncadd.s32 $0xFFFFF000;
	s11 =	rddreg [dreg:$0xe];
	v0 =	vimm.f32 $0.0e+00  }
0x30d: {  	_ = 	snop  }
.LBB2_4:
.Ltmp10:
0x30e: {  	(pc) =	sbr.rel .LBB2_8-.Ltmp10, $2  }
0x30f: {  	_ =	sdelay $0x2  }
0x310: {  	s2 =	smov.u32 s11;
	s0 =	smov.u32 s10;
	p2 =	por $0x0, $0x0  }
.LBB2_6:
.Ltmp11:
0x311: {  	(pc) =	sbr.rel .LBB2_8-.Ltmp11, $2  }
0x312: {  	_ =	sdelay $0x2  }
0x313: {  	s2 =	smov.u32 s11  }
.LBB2_15:
0x314: {  	_ =	sfence.sel $0x180000  }
0x315: {  	[bflag:$0x0] =	sbarrier.arrive $0xFFFF  }
0x316: {  	_ =	strace $0x90000047  }
0x317: {  	s0 =	stileid.u32;
	[bflag:$0x2] =	sbarrier.arrive $0xFFFF  }
0x318: {  	p0 =	sne.s32 s0, $0x0;
	s0 =	rddreg [dreg:$0x5]  }
0x319: {  	s0 =	sadd.s32 @!p0 $0x100000, s0  }
0x31a: {  	[sflag:s0] =	ssyncadd.tile.s32 @!p0 $0x1;
	_ =	shalt  }
.Lfunc_end2:
_tile_overlayer_lowered:
.L_overlay_start_2:
0x31b: {  	(tag) =	ssettag $0x2  }
0x31c: {  	s0 =	rddreg [dreg:$0x0];
	s2 =	stileid.u32  }
0x31d: {  	s1 =	rddreg [dreg:$0x1];
	p0 =	sne.s32 s2, $0x0  }
0x31e: {  	s3 =	rddreg [dreg:$0x2];
	[bflag:$0x3] =	sbarrier.arrive $0xFFFF;
	s2 =	simm.s32 @!p0 $0x1C04  }
0x31f: {  	[timem:s3], [sflag:s2] =	dma.local @!p0 [hbm:s0], s1  }
0x320: {  	s0 =	simm.s32 @!p0 $0x4  }
0x321: {  	_ =	swait.ge @!p0 [sflag:s0], s1  }
0x322: {  	s1 =	ssub.s32 @!p0 $0x0, s1;
	[sflag:s0] =	ssyncset.done @!p0 $0x0  }
0x323: {  	[sflag:s0] =	ssyncadd.s32 @!p0 s1  }
0x324: {  	[bflag:$0x3] =	sbarrier.arrive $0xFFFF  }
0x325: {  	_ =	shalt  }

</sc_bundles>
